<compile_context>
chip_gen: v7x
topology: tpu7x:2x2x1
jax: 0.10.2.dev20260603
libtpu: 0.0.44.dev20260713+nightly
codegen_flags: <defaults>
</compile_context>

<pallas_src>
import functools

import jax
import jax.numpy as jnp
from jax import lax
from jax.experimental import pallas as pl
from jax.experimental.pallas import tpu as pltpu
from jax.experimental.pallas import tpu_sc as plsc

DIM = 32
NC = 2
NS = 16
NW = NC * NS
LANES = 16
M = 16
LREC = 20
UPW = 32
UPG = LREC * M
CH = 80
QROWS = 250000

_i32 = jnp.int32
_f32 = jnp.float32



def _proj_body(x_ref, wm_ref, *out_refs):
    y = jax.lax.dot_general(wm_ref[...], x_ref[...],
                            (((0,), (1,)), ((), ())),
                            preferred_element_type=_f32)
    for k in range(8):
        out_refs[k][...] = y[k, :]


def _projections(ent4, w1, w3):
    n4 = ent4.shape[0]
    blk = 8192
    grid = (n4 + blk - 1) // blk
    wm = jnp.concatenate(
        [jnp.kron(jnp.eye(4, dtype=_f32), w1[:, None]),
         jnp.kron(jnp.eye(4, dtype=_f32), w3[:, None])], axis=1)
    outs = pl.pallas_call(
        _proj_body,
        grid=(grid,),
        in_specs=[
            pl.BlockSpec((blk, 128), lambda g: (g, 0)),
            pl.BlockSpec((128, 8), lambda g: (0, 0)),
        ],
        out_specs=[pl.BlockSpec((blk,), lambda g: (g,))] * 8,
        out_shape=[jax.ShapeDtypeStruct((n4,), _f32)] * 8,
    )(ent4, wm)
    return jnp.concatenate(outs[:4]), jnp.concatenate(outs[4:])


def _rel_body(x_ref, w2_ref, s2_ref):
    s2_ref[...] = jnp.sum(x_ref[...] * w2_ref[0, :][None, :], axis=1)


def _rel_projection(relp, w2):
    n = relp.shape[0]
    return pl.pallas_call(
        _rel_body,
        out_shape=jax.ShapeDtypeStruct((n,), _f32),
    )(relp, w2.reshape(1, DIM))



def _sc_body(h0, t0, r0, h1, t1, r1, recf, itemsf, wcat, s1t, s3t, s2t, ent4,
             out_hbm, idxb, gtep, s1b, s3b, s2l, itrowp, recb, pidxb, subb,
             hpb, tpb, uemb, wbuf, pbuf, sbuf, outb, sem, semI, semG0, semG1):
    wid = lax.axis_index("s") * NC + lax.axis_index("c")
    iota16 = lax.iota(_i32, LANES)

    pltpu.sync_copy(wcat, wbuf)
    pltpu.sync_copy(s2t, s2l)
    pltpu.sync_copy(recf.at[pl.ds(wid * 640, 640)], recb)
    pltpu.sync_copy(itemsf.at[pl.ds(wid * UPW, UPW)], idxb.at[pl.ds(0, UPW)])

    for g in range(2):
        iv = idxb[pl.ds(g * LANES, LANES)]
        pidxb[pl.ds(g * LANES, LANES)] = lax.shift_right_logical(iv, 2)
        subb[pl.ds(g * LANES, LANES)] = lax.shift_left(
            jnp.bitwise_and(iv, jnp.full((LANES,), 3, _i32)), 5)
    pltpu.async_copy(ent4.at[pidxb.at[pl.ds(0, UPW)]], itrowp, sem).wait()

    def _fitem(u, o):
        subspl = plsc.load_gather(subb, [jnp.full((LANES,), u, _i32)])
        c0 = subspl + iota16
        rowspl = jnp.full((LANES,), u, _i32)
        i0 = plsc.load_gather(itrowp, [rowspl, c0])
        i1 = plsc.load_gather(itrowp, [rowspl, c0 + LANES])
        uemb[pl.ds(1024 + u * DIM, LANES)] = i0
        uemb[pl.ds(1024 + u * DIM + LANES, LANES)] = i1
        return o

    lax.fori_loop(0, UPW, _fitem, 0)

    b_v = wbuf[...]

    def _recsub(g, o):
        iv = recb[pl.ds(g * LANES, LANES)]
        pidxb[pl.ds(g * LANES, LANES)] = lax.shift_right_logical(iv, 2)
        subb[pl.ds(g * LANES, LANES)] = lax.shift_left(
            jnp.bitwise_and(iv, jnp.full((LANES,), 3, _i32)), 5)
        return o

    lax.fori_loop(0, 40, _recsub, 0)
    for half in range(2):
        hs = []
        for c in range(4):
            hs.append(pltpu.async_copy(
                ent4.at[pidxb.at[pl.ds(half * 320 + c * CH, CH)]],
                gtep.at[pl.ds(c * CH, CH)], sem))
        for hnd in hs:
            hnd.wait()

        def _recuser(i, _, half=half):
            def _recl(l, acc):
                row = i * LREC + l
                subspl = plsc.load_gather(
                    subb, [jnp.full((LANES,), half * 320 + row, _i32)])
                c0 = subspl + iota16
                rowspl = jnp.full((LANES,), row, _i32)
                return (acc[0] + plsc.load_gather(gtep, [rowspl, c0]),
                        acc[1] + plsc.load_gather(gtep, [rowspl, c0 + LANES]))

            a0, a1 = lax.fori_loop(
                0, LREC, _recl,
                (jnp.zeros((LANES,), _f32), jnp.zeros((LANES,), _f32)))
            u = half * LANES + i
            uemb[pl.ds(u * DIM, LANES)] = a0
            uemb[pl.ds(u * DIM + LANES, LANES)] = a1
            return _

        lax.fori_loop(0, 16, _recuser, 0)

    heads = (h0, h1)
    tails = (t0, t1)
    rels = (r0, r1)
    c3v = jnp.full((LANES,), 3, _i32)
    cqv = jnp.full((LANES,), QROWS, _i32)

    def _idx_copies(u, ub, fire):
        off = (wid * UPW + u) * UPG
        res = []
        for h in range(2):
            for k, arr in ((0, heads[h]), (1, tails[h]), (2, rels[h])):
                src = arr.at[pl.ds(off, UPG)]
                dst = idxb.at[pl.ds(ub * 1920 + h * 960 + k * 320, UPG)]
                if fire:
                    res.append(pltpu.async_copy(src, dst, semI))
                else:
                    pltpu.make_async_copy(src, dst, semI).wait()
        return res

    def _transform(ub):
        ib = ub * 1920
        pb = ub * 640

        def _pk(g, o):
            h = g // 20
            gg = g - h * 20
            iv = idxb[pl.ds(ib + h * 960 + 320 + gg * LANES, LANES)]
            pk_ = lax.shift_right_logical(iv, 2)
            pidxb[pl.ds(pb + g * LANES, LANES)] = pk_
            subb[pl.ds(pb + g * LANES, LANES)] = lax.shift_left(
                jnp.bitwise_and(iv, c3v), 5)
            tpb[pl.ds(pb + g * LANES, LANES)] = (
                jnp.bitwise_and(iv, c3v) * cqv + pk_)
            hv = idxb[pl.ds(ib + h * 960 + gg * LANES, LANES)]
            hpb[pl.ds(pb + g * LANES, LANES)] = (
                jnp.bitwise_and(hv, c3v) * cqv + lax.shift_right_logical(hv, 2))
            return o

        lax.fori_loop(0, 40, _pk, 0)

    def _gathers(ub, h, sg, fire):
        res = []
        pb = ub * 640
        for c in range(4):
            trip = [
                (ent4.at[pidxb.at[pl.ds(pb + h * 320 + c * CH, CH)]],
                 gtep.at[pl.ds(h * 320 + c * CH, CH)]),
                (s1t.at[hpb.at[pl.ds(pb + h * 320 + c * CH, CH)]],
                 s1b.at[pl.ds(h * 320 + c * CH, CH)]),
                (s3t.at[tpb.at[pl.ds(pb + h * 320 + c * CH, CH)]],
                 s3b.at[pl.ds(h * 320 + c * CH, CH)]),
            ]
            for s_, d_ in trip:
                if fire:
                    res.append(pltpu.async_copy(s_, d_, sg))
                else:
                    pltpu.make_async_copy(s_, d_, sg).wait()
        return res

    def _hop(ub, h, acc):
        def _lstep(l, carry):
            a0, a1 = carry
            rbase = l * M
            s1 = s1b[pl.ds(h * 320 + rbase, M)]
            s3 = s3b[pl.ds(h * 320 + rbase, M)]
            relidx = idxb[pl.ds(ub * 1920 + h * 960 + 640 + rbase, M)]
            s2 = plsc.load_gather(s2l, [relidx])
            logit = s1 + s2 + s3 + b_v
            sig = 1.0 / (1.0 + jnp.exp(-logit))
            e = jnp.exp(sig)
            p = e / jnp.sum(e)
            pbuf[...] = p
            sbuf[...] = subb[pl.ds(ub * 640 + h * 320 + rbase, M)]

            def _mstep(mj, c3):
                b0, b1 = c3
                for q in range(2):
                    m = mj * 2 + q
                    mspl = jnp.full((LANES,), m, _i32)
                    pm = plsc.load_gather(pbuf, [mspl])
                    c0 = plsc.load_gather(sbuf, [mspl]) + iota16
                    rowspl = jnp.full((LANES,), h * 320 + rbase + m, _i32)
                    b0 = b0 + pm * plsc.load_gather(gtep, [rowspl, c0])
                    b1 = b1 + pm * plsc.load_gather(gtep, [rowspl, c0 + LANES])
                return (b0, b1)

            return lax.fori_loop(0, 8, _mstep, (a0, a1))

        return lax.fori_loop(0, LREC, _lstep, acc)

    for hnd in _idx_copies(0, 0, True):
        hnd.wait()
    _transform(0)
    _gathers(0, 0, semG0, True)

    def _user(u_loc, _):
        up = jnp.bitwise_and(u_loc, 1)
        upn = 1 - up
        _gathers(up, 1, semG1, True)

        @pl.when(u_loc < UPW - 1)
        def _fire_idx():
            _idx_copies(u_loc + 1, upn, True)

        _gathers(up, 0, semG0, False)
        acc = (uemb[pl.ds(u_loc * DIM, LANES)],
               uemb[pl.ds(u_loc * DIM + LANES, LANES)])
        acc = _hop(up, 0, acc)

        @pl.when(u_loc < UPW - 1)
        def _stage_next():
            _idx_copies(u_loc + 1, upn, False)
            _transform(upn)
            _gathers(upn, 0, semG0, True)

        _gathers(up, 1, semG1, False)
        acc = _hop(up, 1, acc)
        uemb[pl.ds(u_loc * DIM, LANES)] = acc[0]
        uemb[pl.ds(u_loc * DIM + LANES, LANES)] = acc[1]
        return _

    lax.fori_loop(0, UPW, _user, 0)

    for g in range(2):

        def _fu(i, o, g=g):
            u = g * LANES + i
            a0 = uemb[pl.ds(u * DIM, LANES)]
            a1 = uemb[pl.ds(u * DIM + LANES, LANES)]
            i0 = uemb[pl.ds(1024 + u * DIM, LANES)]
            i1 = uemb[pl.ds(1024 + u * DIM + LANES, LANES)]
            dot = jnp.sum(a0 * i0 + a1 * i1)
            return jnp.where(iota16 == i, dot, o)

        dots = lax.fori_loop(0, LANES, _fu, jnp.zeros((LANES,), _f32))
        outb[pl.ds(g * LANES, LANES)] = 1.0 / (1.0 + jnp.exp(-dots))

    pltpu.sync_copy(outb, out_hbm.at[pl.ds(wid * UPW, UPW)])


def kernel(pairs, records, ripple_heads, ripple_relations, ripple_tails,
           entity_emb, relation_emb, W_w, W_b):
    Bn, Ln = records.shape
    items = pairs[:, 1].astype(_i32)
    recf = records.reshape(-1).astype(_i32)
    h0 = ripple_heads[0].reshape(-1).astype(_i32)
    h1 = ripple_heads[1].reshape(-1).astype(_i32)
    t0 = ripple_tails[0].reshape(-1).astype(_i32)
    t1 = ripple_tails[1].reshape(-1).astype(_i32)
    r0 = ripple_relations[0].reshape(-1).astype(_i32)
    r1 = ripple_relations[1].reshape(-1).astype(_i32)
    wcat = jnp.full((LANES,), W_b[0], _f32)
    relp = jnp.pad(relation_emb, ((0, 1024 - relation_emb.shape[0]), (0, 0)))

    ent4 = entity_emb.reshape(250000, 128)
    s1t, s3t = _projections(ent4, W_w[:DIM, 0], W_w[2 * DIM:, 0])
    s2t = _rel_projection(relp, W_w[DIM:2 * DIM, 0])

    mesh = plsc.VectorSubcoreMesh(core_axis_name="c", subcore_axis_name="s")
    fn = functools.partial(
        pl.kernel,
        out_type=jax.ShapeDtypeStruct((Bn,), _f32),
        mesh=mesh,
        compiler_params=pltpu.CompilerParams(needs_layout_passes=False),
        scratch_types=[
            pltpu.VMEM((3840,), _i32),
            pltpu.VMEM((2 * UPG, 128), _f32),
            pltpu.VMEM((2 * UPG,), _f32),
            pltpu.VMEM((2 * UPG,), _f32),
            pltpu.VMEM((1024,), _f32),
            pltpu.VMEM((UPW, 128), _f32),
            pltpu.VMEM((640,), _i32),
            pltpu.VMEM((1280,), _i32),
            pltpu.VMEM((1280,), _i32),
            pltpu.VMEM((1280,), _i32),
            pltpu.VMEM((1280,), _i32),
            pltpu.VMEM((2048,), _f32),
            pltpu.VMEM((LANES,), _f32),
            pltpu.VMEM((LANES,), _f32),
            pltpu.VMEM((LANES,), _i32),
            pltpu.VMEM((UPW,), _f32),
            pltpu.SemaphoreType.DMA,
            pltpu.SemaphoreType.DMA,
            pltpu.SemaphoreType.DMA,
            pltpu.SemaphoreType.DMA,
        ],
    )(_sc_body)
    return fn(h0, t0, r0, h1, t1, r1, recf, items, wcat, s1t, s3t, s2t, ent4)

# --- scband reference (transcript-rebuilt; emitter-appended) ---
"""Pipeline reference for scband-umir-46832323395938 (READ-ONLY COPY).

The authoritative reference and input builder live on the scoring server;
editing this copy changes nothing except your own understanding.
"""

import jax, jax.numpy as jnp
import numpy as np

DIM = 32
H = 2
N_ENTITY = 1000000
N_RELATION = 1000
B = 1024
L = 20
M = 16


def setup_inputs(seed: int = 0) -> dict:
    key = jax.random.key(seed)
    k = jax.random.split(key, 9)
    pairs = jax.random.randint(k[0], (B, 2), 0, N_ENTITY)
    records = jax.random.randint(k[1], (B, L), 0, N_ENTITY)
    ripple_heads = jax.random.randint(k[2], (H, B * L, M), 0, N_ENTITY)
    ripple_relations = jax.random.randint(k[3], (H, B * L, M), 0, N_RELATION)
    ripple_tails = jax.random.randint(k[4], (H, B * L, M), 0, N_ENTITY)
    entity_emb = jax.random.normal(k[5], (N_ENTITY, DIM), dtype=jnp.float32) * float(np.sqrt(2.0 / (N_ENTITY + DIM)))
    relation_emb = jax.random.normal(k[6], (N_RELATION, DIM), dtype=jnp.float32) * float(np.sqrt(2.0 / (N_RELATION + DIM)))
    lim = float(np.sqrt(1.0 / (3 * DIM)))
    W_w = jax.random.uniform(k[7], (3 * DIM, 1), minval=-lim, maxval=lim, dtype=jnp.float32)
    W_b = jax.random.uniform(k[8], (1,), minval=-lim, maxval=lim, dtype=jnp.float32)
    return {"pairs": pairs, "records": records, "ripple_heads": ripple_heads,
            "ripple_relations": ripple_relations, "ripple_tails": ripple_tails,
            "entity_emb": entity_emb, "relation_emb": relation_emb,
            "W_w": W_w, "W_b": W_b}


def reference(pairs, records, ripple_heads, ripple_relations, ripple_tails,
              entity_emb, relation_emb, W_w, W_b):
    # Tensorized UMIR.get_predict: records[b] plays the role of user_records[user],
    # ripple_* give the H-hop (head, relation, tail) triples per record item.
    Bn, Ln = records.shape
    items = pairs[:, 1]
    item_flat = records.reshape(-1)                      # [B*L]
    acc = jnp.take(entity_emb, item_flat, axis=0)        # base item embedding, [B*L, dim]
    for h in range(H):
        he = jnp.take(entity_emb, ripple_heads[h], axis=0)       # [B*L, M, dim]
        re = jnp.take(relation_emb, ripple_relations[h], axis=0)  # [B*L, M, dim]
        te = jnp.take(entity_emb, ripple_tails[h], axis=0)       # [B*L, M, dim]
        hrt = jnp.concatenate([he, re, te], axis=-1)             # [B*L, M, 3*dim]
        pi = jax.nn.sigmoid(jnp.einsum('nmf,fo->nmo', hrt, W_w) + W_b)  # W(hrt), [B*L, M, 1]
        pi = jax.nn.softmax(pi, axis=1)                          # softmax over ripple set
        acc = acc + jnp.sum(pi * te, axis=1)                     # attended tail sum
    # get_record_embedding -> sum over each user's records (dim=0 in original layout)
    user_emb = acc.reshape(Bn, Ln, DIM).sum(axis=1)              # [B, dim]
    pair_item = jnp.take(entity_emb, items, axis=0)              # [B, dim]
    return jax.nn.sigmoid(jnp.sum(user_emb * pair_item, axis=1))  # [B]

if __name__ == "__main__":
    import jax
    _d = setup_inputs()
    print(jax.jit(kernel)(*tuple(_d.values())))

</pallas_src>

<mosaic_0001>
#map = affine_map<(d0, d1) -> (0)>
#map1 = affine_map<(d0, d1) -> (0, 0)>
module attributes {stable_mosaic.version = 14 : i64} {
  func.func @_sc_body(%arg0: i32, %arg1: i32, %arg2: memref<327680xi32, #tpu.memory_space<hbm>>, %arg3: memref<327680xi32, #tpu.memory_space<hbm>>, %arg4: memref<327680xi32, #tpu.memory_space<hbm>>, %arg5: memref<327680xi32, #tpu.memory_space<hbm>>, %arg6: memref<327680xi32, #tpu.memory_space<hbm>>, %arg7: memref<327680xi32, #tpu.memory_space<hbm>>, %arg8: memref<20480xi32, #tpu.memory_space<hbm>>, %arg9: memref<1024xi32, #tpu.memory_space<hbm>>, %arg10: memref<16xf32, #tpu.memory_space<hbm>>, %arg11: memref<1000000xf32, #tpu.memory_space<hbm>>, %arg12: memref<1000000xf32, #tpu.memory_space<hbm>>, %arg13: memref<1024xf32, #tpu.memory_space<hbm>>, %arg14: memref<250000x128xf32, #tpu.memory_space<hbm>>, %arg15: memref<1024xf32, #tpu.memory_space<hbm>>, %arg16: memref<3840xi32, #tpu.memory_space<vmem>>, %arg17: memref<640x128xf32, #tpu.memory_space<vmem>>, %arg18: memref<640xf32, #tpu.memory_space<vmem>>, %arg19: memref<640xf32, #tpu.memory_space<vmem>>, %arg20: memref<1024xf32, #tpu.memory_space<vmem>>, %arg21: memref<32x128xf32, #tpu.memory_space<vmem>>, %arg22: memref<640xi32, #tpu.memory_space<vmem>>, %arg23: memref<1280xi32, #tpu.memory_space<vmem>>, %arg24: memref<1280xi32, #tpu.memory_space<vmem>>, %arg25: memref<1280xi32, #tpu.memory_space<vmem>>, %arg26: memref<1280xi32, #tpu.memory_space<vmem>>, %arg27: memref<2048xf32, #tpu.memory_space<vmem>>, %arg28: memref<16xf32, #tpu.memory_space<vmem>>, %arg29: memref<16xf32, #tpu.memory_space<vmem>>, %arg30: memref<16xi32, #tpu.memory_space<vmem>>, %arg31: memref<32xf32, #tpu.memory_space<vmem>>, %arg32: memref<!tpu.dma_semaphore, #tpu.memory_space<semaphore_mem>>, %arg33: memref<!tpu.dma_semaphore, #tpu.memory_space<semaphore_mem>>, %arg34: memref<!tpu.dma_semaphore, #tpu.memory_space<semaphore_mem>>, %arg35: memref<!tpu.dma_semaphore, #tpu.memory_space<semaphore_mem>>) attributes {dimension_semantics = [#tpu.dimension_semantics<core_parallel>, #tpu.dimension_semantics<subcore_parallel>], iteration_bounds = array<i64: 2, 16>, scalar_prefetch = 0 : i64, scratch_operands = 20 : i64, tpu.core_type = #tpu.core_type<sc_vector_subcore>, window_params = [{transform_indices = #map}, {transform_indices = #map}, {transform_indices = #map}, {transform_indices = #map}, {transform_indices = #map}, {transform_indices = #map}, {transform_indices = #map}, {transform_indices = #map}, {transform_indices = #map}, {transform_indices = #map}, {transform_indices = #map}, {transform_indices = #map}, {transform_indices = #map1}, {transform_indices = #map}]} {
    %mul3A = arith.constant 2 : i32
    %mul3A_0 = arith.muli %arg1, %mul3A : i32
    %add3A = arith.addi %mul3A_0, %arg0 : i32
    %iota3A = tpu.iota {dimensions = array<i32: 0>} : vector<16xi32>
    "tpu.region"() ({
      %run_scoped3A = tpu.sem_alloc : memref<!tpu.dma_semaphore, #tpu.memory_space<semaphore_mem>>
      tpu.enqueue_dma source(%arg10 : memref<16xf32, #tpu.memory_space<hbm>>) target(%arg28 : memref<16xf32, #tpu.memory_space<vmem>>) target_semaphore(%run_scoped3A : memref<!tpu.dma_semaphore, #tpu.memory_space<semaphore_mem>>)
      tpu.wait_dma2 semaphore(%run_scoped3A : memref<!tpu.dma_semaphore, #tpu.memory_space<semaphore_mem>>) src(%arg10 : memref<16xf32, #tpu.memory_space<hbm>>) dst(%arg28 : memref<16xf32, #tpu.memory_space<vmem>>)
      tpu.yield
    }) : () -> ()
    "tpu.region"() ({
      %run_scoped3A = tpu.sem_alloc : memref<!tpu.dma_semaphore, #tpu.memory_space<semaphore_mem>>
      tpu.enqueue_dma source(%arg13 : memref<1024xf32, #tpu.memory_space<hbm>>) target(%arg20 : memref<1024xf32, #tpu.memory_space<vmem>>) target_semaphore(%run_scoped3A : memref<!tpu.dma_semaphore, #tpu.memory_space<semaphore_mem>>)
      tpu.wait_dma2 semaphore(%run_scoped3A : memref<!tpu.dma_semaphore, #tpu.memory_space<semaphore_mem>>) src(%arg13 : memref<1024xf32, #tpu.memory_space<hbm>>) dst(%arg20 : memref<1024xf32, #tpu.memory_space<vmem>>)
      tpu.yield
    }) : () -> ()
    %mul3A_1 = arith.constant 640 : i32
    %mul3A_2 = arith.muli %add3A, %mul3A_1 : i32
    "tpu.region"() ({
      %run_scoped3A = tpu.sem_alloc : memref<!tpu.dma_semaphore, #tpu.memory_space<semaphore_mem>>
      %dma_start3A_403 = tpu.memref_slice %arg8[%mul3A_2] : memref<20480xi32, #tpu.memory_space<hbm>> -> memref<640xi32, #tpu.memory_space<hbm>>
      %dma_start3A_404 = tpu.memref_slice %arg8[%mul3A_2] : memref<20480xi32, #tpu.memory_space<hbm>> -> memref<640xi32, #tpu.memory_space<hbm>>
      tpu.enqueue_dma source(%dma_start3A_404 : memref<640xi32, #tpu.memory_space<hbm>>) target(%arg22 : memref<640xi32, #tpu.memory_space<vmem>>) target_semaphore(%run_scoped3A : memref<!tpu.dma_semaphore, #tpu.memory_space<semaphore_mem>>)
      %dma_wait3A_405 = tpu.memref_slice %arg8[%mul3A_2] : memref<20480xi32, #tpu.memory_space<hbm>> -> memref<640xi32, #tpu.memory_space<hbm>>
      %dma_wait3A_406 = tpu.memref_slice %arg8[%mul3A_2] : memref<20480xi32, #tpu.memory_space<hbm>> -> memref<640xi32, #tpu.memory_space<hbm>>
      tpu.wait_dma2 semaphore(%run_scoped3A : memref<!tpu.dma_semaphore, #tpu.memory_space<semaphore_mem>>) src(%dma_wait3A_406 : memref<640xi32, #tpu.memory_space<hbm>>) dst(%arg22 : memref<640xi32, #tpu.memory_space<vmem>>)
      tpu.yield
    }) : () -> ()
    %mul3A_3 = arith.constant 32 : i32
    %mul3A_4 = arith.muli %add3A, %mul3A_3 : i32
    "tpu.region"() ({
      %run_scoped3A = tpu.sem_alloc : memref<!tpu.dma_semaphore, #tpu.memory_space<semaphore_mem>>
      %dma_start3A_403 = arith.constant 0 : i32
      %dma_start3A_404 = tpu.memref_slice %arg16[%dma_start3A_403] : memref<3840xi32, #tpu.memory_space<vmem>> -> memref<32xi32, #tpu.memory_space<vmem>>
      %dma_start3A_405 = tpu.memref_slice %arg9[%mul3A_4] : memref<1024xi32, #tpu.memory_space<hbm>> -> memref<32xi32, #tpu.memory_space<hbm>>
      %dma_start3A_406 = arith.constant 0 : i32
      %dma_start3A_407 = tpu.memref_slice %arg16[%dma_start3A_406] : memref<3840xi32, #tpu.memory_space<vmem>> -> memref<32xi32, #tpu.memory_space<vmem>>
      %dma_start3A_408 = tpu.memref_slice %arg9[%mul3A_4] : memref<1024xi32, #tpu.memory_space<hbm>> -> memref<32xi32, #tpu.memory_space<hbm>>
      tpu.enqueue_dma source(%dma_start3A_408 : memref<32xi32, #tpu.memory_space<hbm>>) target(%dma_start3A_407 : memref<32xi32, #tpu.memory_space<vmem>>) target_semaphore(%run_scoped3A : memref<!tpu.dma_semaphore, #tpu.memory_space<semaphore_mem>>)
      %dma_wait3A_409 = arith.constant 0 : i32
      %dma_wait3A_410 = tpu.memref_slice %arg16[%dma_wait3A_409] : memref<3840xi32, #tpu.memory_space<vmem>> -> memref<32xi32, #tpu.memory_space<vmem>>
      %dma_wait3A_411 = tpu.memref_slice %arg9[%mul3A_4] : memref<1024xi32, #tpu.memory_space<hbm>> -> memref<32xi32, #tpu.memory_space<hbm>>
      %dma_wait3A_412 = arith.constant 0 : i32
      %dma_wait3A_413 = tpu.memref_slice %arg16[%dma_wait3A_412] : memref<3840xi32, #tpu.memory_space<vmem>> -> memref<32xi32, #tpu.memory_space<vmem>>
      %dma_wait3A_414 = tpu.memref_slice %arg9[%mul3A_4] : memref<1024xi32, #tpu.memory_space<hbm>> -> memref<32xi32, #tpu.memory_space<hbm>>
      tpu.wait_dma2 semaphore(%run_scoped3A : memref<!tpu.dma_semaphore, #tpu.memory_space<semaphore_mem>>) src(%dma_wait3A_414 : memref<32xi32, #tpu.memory_space<hbm>>) dst(%dma_wait3A_413 : memref<32xi32, #tpu.memory_space<vmem>>)
      tpu.yield
    }) : () -> ()
    %get3A = arith.constant 0 : index
    %get3A_5 = tpu.vector_load %arg16[%get3A] {strides = array<i32>} : memref<3840xi32, #tpu.memory_space<vmem>>, vector<16xi32>,
    %shift_right_logical3A = arith.constant 2 : i32
    %shift_right_logical3A_6 = vector.broadcast %shift_right_logical3A : i32 to vector<16xi32>
    %shift_right_logical3A_7 = arith.shrui %get3A_5, %shift_right_logical3A_6 : vector<16xi32>
    %swap3A = arith.constant 0 : index
    %swap3A_8 = tpu.vector_load %arg23[%swap3A] {strides = array<i32>} : memref<1280xi32, #tpu.memory_space<vmem>>, vector<16xi32>,
    tpu.vector_store %arg23[%swap3A], %shift_right_logical3A_7 {strides = array<i32>} : memref<1280xi32, #tpu.memory_space<vmem>>, vector<16xi32>,
    %broadcast_in_dim3A = arith.constant 3 : i32
    %broadcast_in_dim3A_9 = vector.broadcast %broadcast_in_dim3A : i32 to vector<16xi32>
    %and3A = arith.andi %get3A_5, %broadcast_in_dim3A_9 : vector<16xi32>
    %shift_left3A = arith.constant 5 : i32
    %shift_left3A_10 = vector.broadcast %shift_left3A : i32 to vector<16xi32>
    %shift_left3A_11 = arith.shli %and3A, %shift_left3A_10 : vector<16xi32>
    %swap3A_12 = arith.constant 0 : index
    %swap3A_13 = tpu.vector_load %arg24[%swap3A_12] {strides = array<i32>} : memref<1280xi32, #tpu.memory_space<vmem>>, vector<16xi32>,
    tpu.vector_store %arg24[%swap3A_12], %shift_left3A_11 {strides = array<i32>} : memref<1280xi32, #tpu.memory_space<vmem>>, vector<16xi32>,
    %get3A_14 = arith.constant 16 : index
    %get3A_15 = tpu.vector_load %arg16[%get3A_14] {strides = array<i32>} : memref<3840xi32, #tpu.memory_space<vmem>>, vector<16xi32>,
    %shift_right_logical3A_16 = arith.constant 2 : i32
    %shift_right_logical3A_17 = vector.broadcast %shift_right_logical3A_16 : i32 to vector<16xi32>
    %shift_right_logical3A_18 = arith.shrui %get3A_15, %shift_right_logical3A_17 : vector<16xi32>
    %swap3A_19 = arith.constant 16 : index
    %swap3A_20 = tpu.vector_load %arg23[%swap3A_19] {strides = array<i32>} : memref<1280xi32, #tpu.memory_space<vmem>>, vector<16xi32>,
    tpu.vector_store %arg23[%swap3A_19], %shift_right_logical3A_18 {strides = array<i32>} : memref<1280xi32, #tpu.memory_space<vmem>>, vector<16xi32>,
    %broadcast_in_dim3A_21 = arith.constant 3 : i32
    %broadcast_in_dim3A_22 = vector.broadcast %broadcast_in_dim3A_21 : i32 to vector<16xi32>
    %and3A_23 = arith.andi %get3A_15, %broadcast_in_dim3A_22 : vector<16xi32>
    %shift_left3A_24 = arith.constant 5 : i32
    %shift_left3A_25 = vector.broadcast %shift_left3A_24 : i32 to vector<16xi32>
    %shift_left3A_26 = arith.shli %and3A_23, %shift_left3A_25 : vector<16xi32>
    %swap3A_27 = arith.constant 16 : index
    %swap3A_28 = tpu.vector_load %arg24[%swap3A_27] {strides = array<i32>} : memref<1280xi32, #tpu.memory_space<vmem>>, vector<16xi32>,
    tpu.vector_store %arg24[%swap3A_27], %shift_left3A_26 {strides = array<i32>} : memref<1280xi32, #tpu.memory_space<vmem>>, vector<16xi32>,
    %dma_start3A = arith.constant 0 : i32
    %dma_start3A_29 = tpu.memref_slice %arg23[%dma_start3A] : memref<1280xi32, #tpu.memory_space<vmem>> -> memref<32xi32, #tpu.memory_space<vmem>>
    %dma_start3A_30 = arith.constant 0 : i32
    %dma_start3A_31 = arith.constant 0 : i32
    %dma_start3A_32 = tpu.memref_slice %arg14[%dma_start3A_30, %dma_start3A_31] : memref<250000x128xf32, #tpu.memory_space<hbm>> -> memref<250000x128xf32, #tpu.memory_space<hbm>>
    tpu.enqueue_indirect_dma source(%dma_start3A_32 : memref<250000x128xf32, #tpu.memory_space<hbm>>) target(%arg21 : memref<32x128xf32, #tpu.memory_space<vmem>>) offsets(%dma_start3A_29 : memref<32xi32, #tpu.memory_space<vmem>>) semaphore(%arg32 : memref<!tpu.dma_semaphore, #tpu.memory_space<semaphore_mem>>)
    %dma_wait3A = arith.constant 0 : i32
    %dma_wait3A_33 = tpu.memref_slice %arg23[%dma_wait3A] : memref<1280xi32, #tpu.memory_space<vmem>> -> memref<32xi32, #tpu.memory_space<vmem>>
    %dma_wait3A_34 = arith.constant 0 : i32
    %dma_wait3A_35 = arith.constant 0 : i32
    %dma_wait3A_36 = tpu.memref_slice %arg14[%dma_wait3A_34, %dma_wait3A_35] : memref<250000x128xf32, #tpu.memory_space<hbm>> -> memref<250000x128xf32, #tpu.memory_space<hbm>>
    tpu.wait_indirect_dma semaphore(%arg32 : memref<!tpu.dma_semaphore, #tpu.memory_space<semaphore_mem>>) src(%dma_wait3A_36 : memref<250000x128xf32, #tpu.memory_space<hbm>>) dst(%arg21 : memref<32x128xf32, #tpu.memory_space<vmem>>)
    %scan3A = arith.constant 0 : i32
    %scan3A_37 = arith.constant 0 : i32
    %scan3A_38 = arith.constant 32 : i32
    %scan3A_39 = arith.addi %scan3A_37, %scan3A_38 : i32
    %scan3A_40 = arith.constant 1 : i32
    scf.for %scan3A_403 = %scan3A_37 to %scan3A_39 step %scan3A_40  : i32 {
      %broadcast_in_dim3A_404 = vector.broadcast %scan3A_403 : i32 to vector<16xi32>
      %gather3A = tpu.vector_load_idx %arg24[%broadcast_in_dim3A_404] : memref<1280xi32, #tpu.memory_space<vmem>>[vector<16xi32>], vector<16xi32>,
      %add3A_405 = arith.addi %gather3A, %iota3A : vector<16xi32>
      %broadcast_in_dim3A_406 = vector.broadcast %scan3A_403 : i32 to vector<16xi32>
      %gather3A_407 = tpu.vector_load_idx %arg21[%broadcast_in_dim3A_406, %add3A_405] : memref<32x128xf32, #tpu.memory_space<vmem>>[vector<16xi32>, vector<16xi32>], vector<16xf32>,
      %add3A_408 = arith.constant 16 : i32
      %add3A_409 = vector.broadcast %add3A_408 : i32 to vector<16xi32>
      %add3A_410 = arith.addi %add3A_405, %add3A_409 : vector<16xi32>
      %gather3A_411 = tpu.vector_load_idx %arg21[%broadcast_in_dim3A_406, %add3A_410] : memref<32x128xf32, #tpu.memory_space<vmem>>[vector<16xi32>, vector<16xi32>], vector<16xf32>,
      %mul3A_412 = arith.constant 32 : i32
      %mul3A_413 = arith.muli %scan3A_403, %mul3A_412 : i32
      %add3A_414 = arith.constant 1024 : i32
      %add3A_415 = arith.addi %add3A_414, %mul3A_413 : i32
      %swap3A_416 = arith.index_cast %add3A_415 : i32 to index
      %swap3A_417 = tpu.vector_load %arg27[%swap3A_416] {strides = array<i32>} : memref<2048xf32, #tpu.memory_space<vmem>>, vector<16xf32>,
      tpu.vector_store %arg27[%swap3A_416], %gather3A_407 {strides = array<i32>} : memref<2048xf32, #tpu.memory_space<vmem>>, vector<16xf32>,
      %mul3A_418 = arith.constant 32 : i32
      %mul3A_419 = arith.muli %scan3A_403, %mul3A_418 : i32
      %add3A_420 = arith.constant 1024 : i32
      %add3A_421 = arith.addi %add3A_420, %mul3A_419 : i32
      %add3A_422 = arith.constant 16 : i32
      %add3A_423 = arith.addi %add3A_421, %add3A_422 : i32
      %swap3A_424 = arith.index_cast %add3A_423 : i32 to index
      %swap3A_425 = tpu.vector_load %arg27[%swap3A_424] {strides = array<i32>} : memref<2048xf32, #tpu.memory_space<vmem>>, vector<16xf32>,
      tpu.vector_store %arg27[%swap3A_424], %gather3A_411 {strides = array<i32>} : memref<2048xf32, #tpu.memory_space<vmem>>, vector<16xf32>,
    }
    %scan3A_41 = arith.constant 32 : i32
    %get3A_42 = arith.constant 0 : index
    %get3A_43 = tpu.vector_load %arg28[%get3A_42] {strides = array<i32>} : memref<16xf32, #tpu.memory_space<vmem>>, vector<16xf32>,
    %scan3A_44 = arith.constant 0 : i32
    %scan3A_45 = arith.constant 0 : i32
    %scan3A_46 = arith.constant 40 : i32
    %scan3A_47 = arith.addi %scan3A_45, %scan3A_46 : i32
    %scan3A_48 = arith.constant 1 : i32
    scf.for %scan3A_403 = %scan3A_45 to %scan3A_47 step %scan3A_48  : i32 {
      %mul3A_404 = arith.constant 16 : i32
      %mul3A_405 = arith.muli %scan3A_403, %mul3A_404 : i32
      %get3A_406 = arith.index_cast %mul3A_405 : i32 to index
      %get3A_407 = tpu.vector_load %arg22[%get3A_406] {strides = array<i32>} : memref<640xi32, #tpu.memory_space<vmem>>, vector<16xi32>,
      %shift_right_logical3A_408 = arith.constant 2 : i32
      %shift_right_logical3A_409 = vector.broadcast %shift_right_logical3A_408 : i32 to vector<16xi32>
      %shift_right_logical3A_410 = arith.shrui %get3A_407, %shift_right_logical3A_409 : vector<16xi32>
      %mul3A_411 = arith.constant 16 : i32
      %mul3A_412 = arith.muli %scan3A_403, %mul3A_411 : i32
      %swap3A_413 = arith.index_cast %mul3A_412 : i32 to index
      %swap3A_414 = tpu.vector_load %arg23[%swap3A_413] {strides = array<i32>} : memref<1280xi32, #tpu.memory_space<vmem>>, vector<16xi32>,
      tpu.vector_store %arg23[%swap3A_413], %shift_right_logical3A_410 {strides = array<i32>} : memref<1280xi32, #tpu.memory_space<vmem>>, vector<16xi32>,
      %broadcast_in_dim3A_415 = arith.constant 3 : i32
      %broadcast_in_dim3A_416 = vector.broadcast %broadcast_in_dim3A_415 : i32 to vector<16xi32>
      %and3A_417 = arith.andi %get3A_407, %broadcast_in_dim3A_416 : vector<16xi32>
      %shift_left3A_418 = arith.constant 5 : i32
      %shift_left3A_419 = vector.broadcast %shift_left3A_418 : i32 to vector<16xi32>
      %shift_left3A_420 = arith.shli %and3A_417, %shift_left3A_419 : vector<16xi32>
      %mul3A_421 = arith.constant 16 : i32
      %mul3A_422 = arith.muli %scan3A_403, %mul3A_421 : i32
      %swap3A_423 = arith.index_cast %mul3A_422 : i32 to index
      %swap3A_424 = tpu.vector_load %arg24[%swap3A_423] {strides = array<i32>} : memref<1280xi32, #tpu.memory_space<vmem>>, vector<16xi32>,
      tpu.vector_store %arg24[%swap3A_423], %shift_left3A_420 {strides = array<i32>} : memref<1280xi32, #tpu.memory_space<vmem>>, vector<16xi32>,
    }
    %scan3A_49 = arith.constant 40 : i32
    %dma_start3A_50 = arith.constant 0 : i32
    %dma_start3A_51 = arith.constant 0 : i32
    %dma_start3A_52 = tpu.memref_slice %arg17[%dma_start3A_50, %dma_start3A_51] : memref<640x128xf32, #tpu.memory_space<vmem>> -> memref<80x128xf32, #tpu.memory_space<vmem>>
    %dma_start3A_53 = arith.constant 0 : i32
    %dma_start3A_54 = tpu.memref_slice %arg23[%dma_start3A_53] : memref<1280xi32, #tpu.memory_space<vmem>> -> memref<80xi32, #tpu.memory_space<vmem>>
    %dma_start3A_55 = arith.constant 0 : i32
    %dma_start3A_56 = arith.constant 0 : i32
    %dma_start3A_57 = tpu.memref_slice %arg14[%dma_start3A_55, %dma_start3A_56] : memref<250000x128xf32, #tpu.memory_space<hbm>> -> memref<250000x128xf32, #tpu.memory_space<hbm>>
    tpu.enqueue_indirect_dma source(%dma_start3A_57 : memref<250000x128xf32, #tpu.memory_space<hbm>>) target(%dma_start3A_52 : memref<80x128xf32, #tpu.memory_space<vmem>>) offsets(%dma_start3A_54 : memref<80xi32, #tpu.memory_space<vmem>>) semaphore(%arg32 : memref<!tpu.dma_semaphore, #tpu.memory_space<semaphore_mem>>)
    %dma_start3A_58 = arith.constant 80 : i32
    %dma_start3A_59 = arith.constant 0 : i32
    %dma_start3A_60 = tpu.memref_slice %arg17[%dma_start3A_58, %dma_start3A_59] : memref<640x128xf32, #tpu.memory_space<vmem>> -> memref<80x128xf32, #tpu.memory_space<vmem>>
    %dma_start3A_61 = arith.constant 80 : i32
    %dma_start3A_62 = tpu.memref_slice %arg23[%dma_start3A_61] : memref<1280xi32, #tpu.memory_space<vmem>> -> memref<80xi32, #tpu.memory_space<vmem>>
    %dma_start3A_63 = arith.constant 0 : i32
    %dma_start3A_64 = arith.constant 0 : i32
    %dma_start3A_65 = tpu.memref_slice %arg14[%dma_start3A_63, %dma_start3A_64] : memref<250000x128xf32, #tpu.memory_space<hbm>> -> memref<250000x128xf32, #tpu.memory_space<hbm>>
    tpu.enqueue_indirect_dma source(%dma_start3A_65 : memref<250000x128xf32, #tpu.memory_space<hbm>>) target(%dma_start3A_60 : memref<80x128xf32, #tpu.memory_space<vmem>>) offsets(%dma_start3A_62 : memref<80xi32, #tpu.memory_space<vmem>>) semaphore(%arg32 : memref<!tpu.dma_semaphore, #tpu.memory_space<semaphore_mem>>)
    %dma_start3A_66 = arith.constant 160 : i32
    %dma_start3A_67 = arith.constant 0 : i32
    %dma_start3A_68 = tpu.memref_slice %arg17[%dma_start3A_66, %dma_start3A_67] : memref<640x128xf32, #tpu.memory_space<vmem>> -> memref<80x128xf32, #tpu.memory_space<vmem>>
    %dma_start3A_69 = arith.constant 160 : i32
    %dma_start3A_70 = tpu.memref_slice %arg23[%dma_start3A_69] : memref<1280xi32, #tpu.memory_space<vmem>> -> memref<80xi32, #tpu.memory_space<vmem>>
    %dma_start3A_71 = arith.constant 0 : i32
    %dma_start3A_72 = arith.constant 0 : i32
    %dma_start3A_73 = tpu.memref_slice %arg14[%dma_start3A_71, %dma_start3A_72] : memref<250000x128xf32, #tpu.memory_space<hbm>> -> memref<250000x128xf32, #tpu.memory_space<hbm>>
    tpu.enqueue_indirect_dma source(%dma_start3A_73 : memref<250000x128xf32, #tpu.memory_space<hbm>>) target(%dma_start3A_68 : memref<80x128xf32, #tpu.memory_space<vmem>>) offsets(%dma_start3A_70 : memref<80xi32, #tpu.memory_space<vmem>>) semaphore(%arg32 : memref<!tpu.dma_semaphore, #tpu.memory_space<semaphore_mem>>)
    %dma_start3A_74 = arith.constant 240 : i32
    %dma_start3A_75 = arith.constant 0 : i32
    %dma_start3A_76 = tpu.memref_slice %arg17[%dma_start3A_74, %dma_start3A_75] : memref<640x128xf32, #tpu.memory_space<vmem>> -> memref<80x128xf32, #tpu.memory_space<vmem>>
    %dma_start3A_77 = arith.constant 240 : i32
    %dma_start3A_78 = tpu.memref_slice %arg23[%dma_start3A_77] : memref<1280xi32, #tpu.memory_space<vmem>> -> memref<80xi32, #tpu.memory_space<vmem>>
    %dma_start3A_79 = arith.constant 0 : i32
    %dma_start3A_80 = arith.constant 0 : i32
    %dma_start3A_81 = tpu.memref_slice %arg14[%dma_start3A_79, %dma_start3A_80] : memref<250000x128xf32, #tpu.memory_space<hbm>> -> memref<250000x128xf32, #tpu.memory_space<hbm>>
    tpu.enqueue_indirect_dma source(%dma_start3A_81 : memref<250000x128xf32, #tpu.memory_space<hbm>>) target(%dma_start3A_76 : memref<80x128xf32, #tpu.memory_space<vmem>>) offsets(%dma_start3A_78 : memref<80xi32, #tpu.memory_space<vmem>>) semaphore(%arg32 : memref<!tpu.dma_semaphore, #tpu.memory_space<semaphore_mem>>)
    %dma_wait3A_82 = arith.constant 0 : i32
    %dma_wait3A_83 = arith.constant 0 : i32
    %dma_wait3A_84 = tpu.memref_slice %arg17[%dma_wait3A_82, %dma_wait3A_83] : memref<640x128xf32, #tpu.memory_space<vmem>> -> memref<80x128xf32, #tpu.memory_space<vmem>>
    %dma_wait3A_85 = arith.constant 0 : i32
    %dma_wait3A_86 = tpu.memref_slice %arg23[%dma_wait3A_85] : memref<1280xi32, #tpu.memory_space<vmem>> -> memref<80xi32, #tpu.memory_space<vmem>>
    %dma_wait3A_87 = arith.constant 0 : i32
    %dma_wait3A_88 = arith.constant 0 : i32
    %dma_wait3A_89 = tpu.memref_slice %arg14[%dma_wait3A_87, %dma_wait3A_88] : memref<250000x128xf32, #tpu.memory_space<hbm>> -> memref<250000x128xf32, #tpu.memory_space<hbm>>
    tpu.wait_indirect_dma semaphore(%arg32 : memref<!tpu.dma_semaphore, #tpu.memory_space<semaphore_mem>>) src(%dma_wait3A_89 : memref<250000x128xf32, #tpu.memory_space<hbm>>) dst(%dma_wait3A_84 : memref<80x128xf32, #tpu.memory_space<vmem>>)
    %dma_wait3A_90 = arith.constant 80 : i32
    %dma_wait3A_91 = arith.constant 0 : i32
    %dma_wait3A_92 = tpu.memref_slice %arg17[%dma_wait3A_90, %dma_wait3A_91] : memref<640x128xf32, #tpu.memory_space<vmem>> -> memref<80x128xf32, #tpu.memory_space<vmem>>
    %dma_wait3A_93 = arith.constant 80 : i32
    %dma_wait3A_94 = tpu.memref_slice %arg23[%dma_wait3A_93] : memref<1280xi32, #tpu.memory_space<vmem>> -> memref<80xi32, #tpu.memory_space<vmem>>
    %dma_wait3A_95 = arith.constant 0 : i32
    %dma_wait3A_96 = arith.constant 0 : i32
    %dma_wait3A_97 = tpu.memref_slice %arg14[%dma_wait3A_95, %dma_wait3A_96] : memref<250000x128xf32, #tpu.memory_space<hbm>> -> memref<250000x128xf32, #tpu.memory_space<hbm>>
    tpu.wait_indirect_dma semaphore(%arg32 : memref<!tpu.dma_semaphore, #tpu.memory_space<semaphore_mem>>) src(%dma_wait3A_97 : memref<250000x128xf32, #tpu.memory_space<hbm>>) dst(%dma_wait3A_92 : memref<80x128xf32, #tpu.memory_space<vmem>>)
    %dma_wait3A_98 = arith.constant 160 : i32
    %dma_wait3A_99 = arith.constant 0 : i32
    %dma_wait3A_100 = tpu.memref_slice %arg17[%dma_wait3A_98, %dma_wait3A_99] : memref<640x128xf32, #tpu.memory_space<vmem>> -> memref<80x128xf32, #tpu.memory_space<vmem>>
    %dma_wait3A_101 = arith.constant 160 : i32
    %dma_wait3A_102 = tpu.memref_slice %arg23[%dma_wait3A_101] : memref<1280xi32, #tpu.memory_space<vmem>> -> memref<80xi32, #tpu.memory_space<vmem>>
    %dma_wait3A_103 = arith.constant 0 : i32
    %dma_wait3A_104 = arith.constant 0 : i32
    %dma_wait3A_105 = tpu.memref_slice %arg14[%dma_wait3A_103, %dma_wait3A_104] : memref<250000x128xf32, #tpu.memory_space<hbm>> -> memref<250000x128xf32, #tpu.memory_space<hbm>>
    tpu.wait_indirect_dma semaphore(%arg32 : memref<!tpu.dma_semaphore, #tpu.memory_space<semaphore_mem>>) src(%dma_wait3A_105 : memref<250000x128xf32, #tpu.memory_space<hbm>>) dst(%dma_wait3A_100 : memref<80x128xf32, #tpu.memory_space<vmem>>)
    %dma_wait3A_106 = arith.constant 240 : i32
    %dma_wait3A_107 = arith.constant 0 : i32
    %dma_wait3A_108 = tpu.memref_slice %arg17[%dma_wait3A_106, %dma_wait3A_107] : memref<640x128xf32, #tpu.memory_space<vmem>> -> memref<80x128xf32, #tpu.memory_space<vmem>>
    %dma_wait3A_109 = arith.constant 240 : i32
    %dma_wait3A_110 = tpu.memref_slice %arg23[%dma_wait3A_109] : memref<1280xi32, #tpu.memory_space<vmem>> -> memref<80xi32, #tpu.memory_space<vmem>>
    %dma_wait3A_111 = arith.constant 0 : i32
    %dma_wait3A_112 = arith.constant 0 : i32
    %dma_wait3A_113 = tpu.memref_slice %arg14[%dma_wait3A_111, %dma_wait3A_112] : memref<250000x128xf32, #tpu.memory_space<hbm>> -> memref<250000x128xf32, #tpu.memory_space<hbm>>
    tpu.wait_indirect_dma semaphore(%arg32 : memref<!tpu.dma_semaphore, #tpu.memory_space<semaphore_mem>>) src(%dma_wait3A_113 : memref<250000x128xf32, #tpu.memory_space<hbm>>) dst(%dma_wait3A_108 : memref<80x128xf32, #tpu.memory_space<vmem>>)
    %scan3A_114 = arith.constant 0 : i32
    %scan3A_115 = arith.constant 0 : i32
    %scan3A_116 = arith.constant 16 : i32
    %scan3A_117 = arith.addi %scan3A_115, %scan3A_116 : i32
    %scan3A_118 = arith.constant 1 : i32
    scf.for %scan3A_403 = %scan3A_115 to %scan3A_117 step %scan3A_118  : i32 {
      %broadcast_in_dim3A_404 = arith.constant 0.000000e+00 : f32
      %broadcast_in_dim3A_405 = vector.broadcast %broadcast_in_dim3A_404 : f32 to vector<16xf32>
      %broadcast_in_dim3A_406 = arith.constant 0.000000e+00 : f32
      %broadcast_in_dim3A_407 = vector.broadcast %broadcast_in_dim3A_406 : f32 to vector<16xf32>
      %scan3A_408 = arith.constant 0 : i32
      %scan3A_409 = arith.constant 20 : i32
      %scan3A_410 = arith.addi %scan3A_408, %scan3A_409 : i32
      %scan3A_411 = arith.constant 1 : i32
      %scan3A_412:2 = scf.for %scan3A_426 = %scan3A_408 to %scan3A_410 step %scan3A_411 iter_args(%scan3A_427 = %broadcast_in_dim3A_405, %scan3A_428 = %broadcast_in_dim3A_407) -> (vector<16xf32>, vector<16xf32>)  : i32 {
        %mul3A_429 = arith.constant 20 : i32
        %mul3A_430 = arith.muli %scan3A_403, %mul3A_429 : i32
        %add3A_431 = arith.addi %mul3A_430, %scan3A_426 : i32
        %add3A_432 = arith.constant 0 : i32
        %add3A_433 = arith.addi %add3A_432, %add3A_431 : i32
        %broadcast_in_dim3A_434 = vector.broadcast %add3A_433 : i32 to vector<16xi32>
        %gather3A = tpu.vector_load_idx %arg24[%broadcast_in_dim3A_434] : memref<1280xi32, #tpu.memory_space<vmem>>[vector<16xi32>], vector<16xi32>,
        %add3A_435 = arith.addi %gather3A, %iota3A : vector<16xi32>
        %broadcast_in_dim3A_436 = vector.broadcast %add3A_431 : i32 to vector<16xi32>
        %gather3A_437 = tpu.vector_load_idx %arg17[%broadcast_in_dim3A_436, %add3A_435] : memref<640x128xf32, #tpu.memory_space<vmem>>[vector<16xi32>, vector<16xi32>], vector<16xf32>,
        %add3A_438 = arith.addf %scan3A_427, %gather3A_437 : vector<16xf32>
        %add3A_439 = arith.constant 16 : i32
        %add3A_440 = vector.broadcast %add3A_439 : i32 to vector<16xi32>
        %add3A_441 = arith.addi %add3A_435, %add3A_440 : vector<16xi32>
        %gather3A_442 = tpu.vector_load_idx %arg17[%broadcast_in_dim3A_436, %add3A_441] : memref<640x128xf32, #tpu.memory_space<vmem>>[vector<16xi32>, vector<16xi32>], vector<16xf32>,
        %add3A_443 = arith.addf %scan3A_428, %gather3A_442 : vector<16xf32>
        scf.yield %add3A_438, %add3A_443 : vector<16xf32>, vector<16xf32>
      }
      %scan3A_413 = arith.constant 20 : i32
      %add3A_414 = arith.constant 0 : i32
      %add3A_415 = arith.addi %add3A_414, %scan3A_403 : i32
      %mul3A_416 = arith.constant 32 : i32
      %mul3A_417 = arith.muli %add3A_415, %mul3A_416 : i32
      %swap3A_418 = arith.index_cast %mul3A_417 : i32 to index
      %swap3A_419 = tpu.vector_load %arg27[%swap3A_418] {strides = array<i32>} : memref<2048xf32, #tpu.memory_space<vmem>>, vector<16xf32>,
      tpu.vector_store %arg27[%swap3A_418], %scan3A_412#0 {strides = array<i32>} : memref<2048xf32, #tpu.memory_space<vmem>>, vector<16xf32>,
      %mul3A_420 = arith.constant 32 : i32
      %mul3A_421 = arith.muli %add3A_415, %mul3A_420 : i32
      %add3A_422 = arith.constant 16 : i32
      %add3A_423 = arith.addi %mul3A_421, %add3A_422 : i32
      %swap3A_424 = arith.index_cast %add3A_423 : i32 to index
      %swap3A_425 = tpu.vector_load %arg27[%swap3A_424] {strides = array<i32>} : memref<2048xf32, #tpu.memory_space<vmem>>, vector<16xf32>,
      tpu.vector_store %arg27[%swap3A_424], %scan3A_412#1 {strides = array<i32>} : memref<2048xf32, #tpu.memory_space<vmem>>, vector<16xf32>,
    }
    %scan3A_119 = arith.constant 16 : i32
    %dma_start3A_120 = arith.constant 0 : i32
    %dma_start3A_121 = arith.constant 0 : i32
    %dma_start3A_122 = tpu.memref_slice %arg17[%dma_start3A_120, %dma_start3A_121] : memref<640x128xf32, #tpu.memory_space<vmem>> -> memref<80x128xf32, #tpu.memory_space<vmem>>
    %dma_start3A_123 = arith.constant 320 : i32
    %dma_start3A_124 = tpu.memref_slice %arg23[%dma_start3A_123] : memref<1280xi32, #tpu.memory_space<vmem>> -> memref<80xi32, #tpu.memory_space<vmem>>
    %dma_start3A_125 = arith.constant 0 : i32
    %dma_start3A_126 = arith.constant 0 : i32
    %dma_start3A_127 = tpu.memref_slice %arg14[%dma_start3A_125, %dma_start3A_126] : memref<250000x128xf32, #tpu.memory_space<hbm>> -> memref<250000x128xf32, #tpu.memory_space<hbm>>
    tpu.enqueue_indirect_dma source(%dma_start3A_127 : memref<250000x128xf32, #tpu.memory_space<hbm>>) target(%dma_start3A_122 : memref<80x128xf32, #tpu.memory_space<vmem>>) offsets(%dma_start3A_124 : memref<80xi32, #tpu.memory_space<vmem>>) semaphore(%arg32 : memref<!tpu.dma_semaphore, #tpu.memory_space<semaphore_mem>>)
    %dma_start3A_128 = arith.constant 80 : i32
    %dma_start3A_129 = arith.constant 0 : i32
    %dma_start3A_130 = tpu.memref_slice %arg17[%dma_start3A_128, %dma_start3A_129] : memref<640x128xf32, #tpu.memory_space<vmem>> -> memref<80x128xf32, #tpu.memory_space<vmem>>
    %dma_start3A_131 = arith.constant 400 : i32
    %dma_start3A_132 = tpu.memref_slice %arg23[%dma_start3A_131] : memref<1280xi32, #tpu.memory_space<vmem>> -> memref<80xi32, #tpu.memory_space<vmem>>
    %dma_start3A_133 = arith.constant 0 : i32
    %dma_start3A_134 = arith.constant 0 : i32
    %dma_start3A_135 = tpu.memref_slice %arg14[%dma_start3A_133, %dma_start3A_134] : memref<250000x128xf32, #tpu.memory_space<hbm>> -> memref<250000x128xf32, #tpu.memory_space<hbm>>
    tpu.enqueue_indirect_dma source(%dma_start3A_135 : memref<250000x128xf32, #tpu.memory_space<hbm>>) target(%dma_start3A_130 : memref<80x128xf32, #tpu.memory_space<vmem>>) offsets(%dma_start3A_132 : memref<80xi32, #tpu.memory_space<vmem>>) semaphore(%arg32 : memref<!tpu.dma_semaphore, #tpu.memory_space<semaphore_mem>>)
    %dma_start3A_136 = arith.constant 160 : i32
    %dma_start3A_137 = arith.constant 0 : i32
    %dma_start3A_138 = tpu.memref_slice %arg17[%dma_start3A_136, %dma_start3A_137] : memref<640x128xf32, #tpu.memory_space<vmem>> -> memref<80x128xf32, #tpu.memory_space<vmem>>
    %dma_start3A_139 = arith.constant 480 : i32
    %dma_start3A_140 = tpu.memref_slice %arg23[%dma_start3A_139] : memref<1280xi32, #tpu.memory_space<vmem>> -> memref<80xi32, #tpu.memory_space<vmem>>
    %dma_start3A_141 = arith.constant 0 : i32
    %dma_start3A_142 = arith.constant 0 : i32
    %dma_start3A_143 = tpu.memref_slice %arg14[%dma_start3A_141, %dma_start3A_142] : memref<250000x128xf32, #tpu.memory_space<hbm>> -> memref<250000x128xf32, #tpu.memory_space<hbm>>
    tpu.enqueue_indirect_dma source(%dma_start3A_143 : memref<250000x128xf32, #tpu.memory_space<hbm>>) target(%dma_start3A_138 : memref<80x128xf32, #tpu.memory_space<vmem>>) offsets(%dma_start3A_140 : memref<80xi32, #tpu.memory_space<vmem>>) semaphore(%arg32 : memref<!tpu.dma_semaphore, #tpu.memory_space<semaphore_mem>>)
    %dma_start3A_144 = arith.constant 240 : i32
    %dma_start3A_145 = arith.constant 0 : i32
    %dma_start3A_146 = tpu.memref_slice %arg17[%dma_start3A_144, %dma_start3A_145] : memref<640x128xf32, #tpu.memory_space<vmem>> -> memref<80x128xf32, #tpu.memory_space<vmem>>
    %dma_start3A_147 = arith.constant 560 : i32
    %dma_start3A_148 = tpu.memref_slice %arg23[%dma_start3A_147] : memref<1280xi32, #tpu.memory_space<vmem>> -> memref<80xi32, #tpu.memory_space<vmem>>
    %dma_start3A_149 = arith.constant 0 : i32
    %dma_start3A_150 = arith.constant 0 : i32
    %dma_start3A_151 = tpu.memref_slice %arg14[%dma_start3A_149, %dma_start3A_150] : memref<250000x128xf32, #tpu.memory_space<hbm>> -> memref<250000x128xf32, #tpu.memory_space<hbm>>
    tpu.enqueue_indirect_dma source(%dma_start3A_151 : memref<250000x128xf32, #tpu.memory_space<hbm>>) target(%dma_start3A_146 : memref<80x128xf32, #tpu.memory_space<vmem>>) offsets(%dma_start3A_148 : memref<80xi32, #tpu.memory_space<vmem>>) semaphore(%arg32 : memref<!tpu.dma_semaphore, #tpu.memory_space<semaphore_mem>>)
    %dma_wait3A_152 = arith.constant 0 : i32
    %dma_wait3A_153 = arith.constant 0 : i32
    %dma_wait3A_154 = tpu.memref_slice %arg17[%dma_wait3A_152, %dma_wait3A_153] : memref<640x128xf32, #tpu.memory_space<vmem>> -> memref<80x128xf32, #tpu.memory_space<vmem>>
    %dma_wait3A_155 = arith.constant 320 : i32
    %dma_wait3A_156 = tpu.memref_slice %arg23[%dma_wait3A_155] : memref<1280xi32, #tpu.memory_space<vmem>> -> memref<80xi32, #tpu.memory_space<vmem>>
    %dma_wait3A_157 = arith.constant 0 : i32
    %dma_wait3A_158 = arith.constant 0 : i32
    %dma_wait3A_159 = tpu.memref_slice %arg14[%dma_wait3A_157, %dma_wait3A_158] : memref<250000x128xf32, #tpu.memory_space<hbm>> -> memref<250000x128xf32, #tpu.memory_space<hbm>>
    tpu.wait_indirect_dma semaphore(%arg32 : memref<!tpu.dma_semaphore, #tpu.memory_space<semaphore_mem>>) src(%dma_wait3A_159 : memref<250000x128xf32, #tpu.memory_space<hbm>>) dst(%dma_wait3A_154 : memref<80x128xf32, #tpu.memory_space<vmem>>)
    %dma_wait3A_160 = arith.constant 80 : i32
    %dma_wait3A_161 = arith.constant 0 : i32
    %dma_wait3A_162 = tpu.memref_slice %arg17[%dma_wait3A_160, %dma_wait3A_161] : memref<640x128xf32, #tpu.memory_space<vmem>> -> memref<80x128xf32, #tpu.memory_space<vmem>>
    %dma_wait3A_163 = arith.constant 400 : i32
    %dma_wait3A_164 = tpu.memref_slice %arg23[%dma_wait3A_163] : memref<1280xi32, #tpu.memory_space<vmem>> -> memref<80xi32, #tpu.memory_space<vmem>>
    %dma_wait3A_165 = arith.constant 0 : i32
    %dma_wait3A_166 = arith.constant 0 : i32
    %dma_wait3A_167 = tpu.memref_slice %arg14[%dma_wait3A_165, %dma_wait3A_166] : memref<250000x128xf32, #tpu.memory_space<hbm>> -> memref<250000x128xf32, #tpu.memory_space<hbm>>
    tpu.wait_indirect_dma semaphore(%arg32 : memref<!tpu.dma_semaphore, #tpu.memory_space<semaphore_mem>>) src(%dma_wait3A_167 : memref<250000x128xf32, #tpu.memory_space<hbm>>) dst(%dma_wait3A_162 : memref<80x128xf32, #tpu.memory_space<vmem>>)
    %dma_wait3A_168 = arith.constant 160 : i32
    %dma_wait3A_169 = arith.constant 0 : i32
    %dma_wait3A_170 = tpu.memref_slice %arg17[%dma_wait3A_168, %dma_wait3A_169] : memref<640x128xf32, #tpu.memory_space<vmem>> -> memref<80x128xf32, #tpu.memory_space<vmem>>
    %dma_wait3A_171 = arith.constant 480 : i32
    %dma_wait3A_172 = tpu.memref_slice %arg23[%dma_wait3A_171] : memref<1280xi32, #tpu.memory_space<vmem>> -> memref<80xi32, #tpu.memory_space<vmem>>
    %dma_wait3A_173 = arith.constant 0 : i32
    %dma_wait3A_174 = arith.constant 0 : i32
    %dma_wait3A_175 = tpu.memref_slice %arg14[%dma_wait3A_173, %dma_wait3A_174] : memref<250000x128xf32, #tpu.memory_space<hbm>> -> memref<250000x128xf32, #tpu.memory_space<hbm>>
    tpu.wait_indirect_dma semaphore(%arg32 : memref<!tpu.dma_semaphore, #tpu.memory_space<semaphore_mem>>) src(%dma_wait3A_175 : memref<250000x128xf32, #tpu.memory_space<hbm>>) dst(%dma_wait3A_170 : memref<80x128xf32, #tpu.memory_space<vmem>>)
    %dma_wait3A_176 = arith.constant 240 : i32
    %dma_wait3A_177 = arith.constant 0 : i32
    %dma_wait3A_178 = tpu.memref_slice %arg17[%dma_wait3A_176, %dma_wait3A_177] : memref<640x128xf32, #tpu.memory_space<vmem>> -> memref<80x128xf32, #tpu.memory_space<vmem>>
    %dma_wait3A_179 = arith.constant 560 : i32
    %dma_wait3A_180 = tpu.memref_slice %arg23[%dma_wait3A_179] : memref<1280xi32, #tpu.memory_space<vmem>> -> memref<80xi32, #tpu.memory_space<vmem>>
    %dma_wait3A_181 = arith.constant 0 : i32
    %dma_wait3A_182 = arith.constant 0 : i32
    %dma_wait3A_183 = tpu.memref_slice %arg14[%dma_wait3A_181, %dma_wait3A_182] : memref<250000x128xf32, #tpu.memory_space<hbm>> -> memref<250000x128xf32, #tpu.memory_space<hbm>>
    tpu.wait_indirect_dma semaphore(%arg32 : memref<!tpu.dma_semaphore, #tpu.memory_space<semaphore_mem>>) src(%dma_wait3A_183 : memref<250000x128xf32, #tpu.memory_space<hbm>>) dst(%dma_wait3A_178 : memref<80x128xf32, #tpu.memory_space<vmem>>)
    %scan3A_184 = arith.constant 0 : i32
    %scan3A_185 = arith.constant 0 : i32
    %scan3A_186 = arith.constant 16 : i32
    %scan3A_187 = arith.addi %scan3A_185, %scan3A_186 : i32
    %scan3A_188 = arith.constant 1 : i32
    scf.for %scan3A_403 = %scan3A_185 to %scan3A_187 step %scan3A_188  : i32 {
      %broadcast_in_dim3A_404 = arith.constant 0.000000e+00 : f32
      %broadcast_in_dim3A_405 = vector.broadcast %broadcast_in_dim3A_404 : f32 to vector<16xf32>
      %broadcast_in_dim3A_406 = arith.constant 0.000000e+00 : f32
      %broadcast_in_dim3A_407 = vector.broadcast %broadcast_in_dim3A_406 : f32 to vector<16xf32>
      %scan3A_408 = arith.constant 0 : i32
      %scan3A_409 = arith.constant 20 : i32
      %scan3A_410 = arith.addi %scan3A_408, %scan3A_409 : i32
      %scan3A_411 = arith.constant 1 : i32
      %scan3A_412:2 = scf.for %scan3A_426 = %scan3A_408 to %scan3A_410 step %scan3A_411 iter_args(%scan3A_427 = %broadcast_in_dim3A_405, %scan3A_428 = %broadcast_in_dim3A_407) -> (vector<16xf32>, vector<16xf32>)  : i32 {
        %mul3A_429 = arith.constant 20 : i32
        %mul3A_430 = arith.muli %scan3A_403, %mul3A_429 : i32
        %add3A_431 = arith.addi %mul3A_430, %scan3A_426 : i32
        %add3A_432 = arith.constant 320 : i32
        %add3A_433 = arith.addi %add3A_432, %add3A_431 : i32
        %broadcast_in_dim3A_434 = vector.broadcast %add3A_433 : i32 to vector<16xi32>
        %gather3A = tpu.vector_load_idx %arg24[%broadcast_in_dim3A_434] : memref<1280xi32, #tpu.memory_space<vmem>>[vector<16xi32>], vector<16xi32>,
        %add3A_435 = arith.addi %gather3A, %iota3A : vector<16xi32>
        %broadcast_in_dim3A_436 = vector.broadcast %add3A_431 : i32 to vector<16xi32>
        %gather3A_437 = tpu.vector_load_idx %arg17[%broadcast_in_dim3A_436, %add3A_435] : memref<640x128xf32, #tpu.memory_space<vmem>>[vector<16xi32>, vector<16xi32>], vector<16xf32>,
        %add3A_438 = arith.addf %scan3A_427, %gather3A_437 : vector<16xf32>
        %add3A_439 = arith.constant 16 : i32
        %add3A_440 = vector.broadcast %add3A_439 : i32 to vector<16xi32>
        %add3A_441 = arith.addi %add3A_435, %add3A_440 : vector<16xi32>
        %gather3A_442 = tpu.vector_load_idx %arg17[%broadcast_in_dim3A_436, %add3A_441] : memref<640x128xf32, #tpu.memory_space<vmem>>[vector<16xi32>, vector<16xi32>], vector<16xf32>,
        %add3A_443 = arith.addf %scan3A_428, %gather3A_442 : vector<16xf32>
        scf.yield %add3A_438, %add3A_443 : vector<16xf32>, vector<16xf32>
      }
      %scan3A_413 = arith.constant 20 : i32
      %add3A_414 = arith.constant 16 : i32
      %add3A_415 = arith.addi %add3A_414, %scan3A_403 : i32
      %mul3A_416 = arith.constant 32 : i32
      %mul3A_417 = arith.muli %add3A_415, %mul3A_416 : i32
      %swap3A_418 = arith.index_cast %mul3A_417 : i32 to index
      %swap3A_419 = tpu.vector_load %arg27[%swap3A_418] {strides = array<i32>} : memref<2048xf32, #tpu.memory_space<vmem>>, vector<16xf32>,
      tpu.vector_store %arg27[%swap3A_418], %scan3A_412#0 {strides = array<i32>} : memref<2048xf32, #tpu.memory_space<vmem>>, vector<16xf32>,
      %mul3A_420 = arith.constant 32 : i32
      %mul3A_421 = arith.muli %add3A_415, %mul3A_420 : i32
      %add3A_422 = arith.constant 16 : i32
      %add3A_423 = arith.addi %mul3A_421, %add3A_422 : i32
      %swap3A_424 = arith.index_cast %add3A_423 : i32 to index
      %swap3A_425 = tpu.vector_load %arg27[%swap3A_424] {strides = array<i32>} : memref<2048xf32, #tpu.memory_space<vmem>>, vector<16xf32>,
      tpu.vector_store %arg27[%swap3A_424], %scan3A_412#1 {strides = array<i32>} : memref<2048xf32, #tpu.memory_space<vmem>>, vector<16xf32>,
    }
    %scan3A_189 = arith.constant 16 : i32
    %broadcast_in_dim3A_190 = arith.constant 3 : i32
    %broadcast_in_dim3A_191 = vector.broadcast %broadcast_in_dim3A_190 : i32 to vector<16xi32>
    %broadcast_in_dim3A_192 = arith.constant 250000 : i32
    %broadcast_in_dim3A_193 = vector.broadcast %broadcast_in_dim3A_192 : i32 to vector<16xi32>
    %mul3A_194 = arith.constant 32 : i32
    %mul3A_195 = arith.muli %add3A, %mul3A_194 : i32
    %add3A_196 = arith.constant 0 : i32
    %add3A_197 = arith.addi %mul3A_195, %add3A_196 : i32
    %mul3A_198 = arith.constant 320 : i32
    %mul3A_199 = arith.muli %add3A_197, %mul3A_198 : i32
    %dma_start3A_200 = arith.constant 0 : i32
    %dma_start3A_201 = tpu.memref_slice %arg16[%dma_start3A_200] : memref<3840xi32, #tpu.memory_space<vmem>> -> memref<320xi32, #tpu.memory_space<vmem>>
    %dma_start3A_202 = tpu.memref_slice %arg2[%mul3A_199] : memref<327680xi32, #tpu.memory_space<hbm>> -> memref<320xi32, #tpu.memory_space<hbm>>
    %dma_start3A_203 = arith.constant 0 : i32
    %dma_start3A_204 = tpu.memref_slice %arg16[%dma_start3A_203] : memref<3840xi32, #tpu.memory_space<vmem>> -> memref<320xi32, #tpu.memory_space<vmem>>
    %dma_start3A_205 = tpu.memref_slice %arg2[%mul3A_199] : memref<327680xi32, #tpu.memory_space<hbm>> -> memref<320xi32, #tpu.memory_space<hbm>>
    tpu.enqueue_dma source(%dma_start3A_205 : memref<320xi32, #tpu.memory_space<hbm>>) target(%dma_start3A_204 : memref<320xi32, #tpu.memory_space<vmem>>) target_semaphore(%arg33 : memref<!tpu.dma_semaphore, #tpu.memory_space<semaphore_mem>>)
    %dma_start3A_206 = arith.constant 320 : i32
    %dma_start3A_207 = tpu.memref_slice %arg16[%dma_start3A_206] : memref<3840xi32, #tpu.memory_space<vmem>> -> memref<320xi32, #tpu.memory_space<vmem>>
    %dma_start3A_208 = tpu.memref_slice %arg3[%mul3A_199] : memref<327680xi32, #tpu.memory_space<hbm>> -> memref<320xi32, #tpu.memory_space<hbm>>
    %dma_start3A_209 = arith.constant 320 : i32
    %dma_start3A_210 = tpu.memref_slice %arg16[%dma_start3A_209] : memref<3840xi32, #tpu.memory_space<vmem>> -> memref<320xi32, #tpu.memory_space<vmem>>
    %dma_start3A_211 = tpu.memref_slice %arg3[%mul3A_199] : memref<327680xi32, #tpu.memory_space<hbm>> -> memref<320xi32, #tpu.memory_space<hbm>>
    tpu.enqueue_dma source(%dma_start3A_211 : memref<320xi32, #tpu.memory_space<hbm>>) target(%dma_start3A_210 : memref<320xi32, #tpu.memory_space<vmem>>) target_semaphore(%arg33 : memref<!tpu.dma_semaphore, #tpu.memory_space<semaphore_mem>>)
    %dma_start3A_212 = arith.constant 640 : i32
    %dma_start3A_213 = tpu.memref_slice %arg16[%dma_start3A_212] : memref<3840xi32, #tpu.memory_space<vmem>> -> memref<320xi32, #tpu.memory_space<vmem>>
    %dma_start3A_214 = tpu.memref_slice %arg4[%mul3A_199] : memref<327680xi32, #tpu.memory_space<hbm>> -> memref<320xi32, #tpu.memory_space<hbm>>
    %dma_start3A_215 = arith.constant 640 : i32
    %dma_start3A_216 = tpu.memref_slice %arg16[%dma_start3A_215] : memref<3840xi32, #tpu.memory_space<vmem>> -> memref<320xi32, #tpu.memory_space<vmem>>
    %dma_start3A_217 = tpu.memref_slice %arg4[%mul3A_199] : memref<327680xi32, #tpu.memory_space<hbm>> -> memref<320xi32, #tpu.memory_space<hbm>>
    tpu.enqueue_dma source(%dma_start3A_217 : memref<320xi32, #tpu.memory_space<hbm>>) target(%dma_start3A_216 : memref<320xi32, #tpu.memory_space<vmem>>) target_semaphore(%arg33 : memref<!tpu.dma_semaphore, #tpu.memory_space<semaphore_mem>>)
    %dma_start3A_218 = arith.constant 960 : i32
    %dma_start3A_219 = tpu.memref_slice %arg16[%dma_start3A_218] : memref<3840xi32, #tpu.memory_space<vmem>> -> memref<320xi32, #tpu.memory_space<vmem>>
    %dma_start3A_220 = tpu.memref_slice %arg5[%mul3A_199] : memref<327680xi32, #tpu.memory_space<hbm>> -> memref<320xi32, #tpu.memory_space<hbm>>
    %dma_start3A_221 = arith.constant 960 : i32
    %dma_start3A_222 = tpu.memref_slice %arg16[%dma_start3A_221] : memref<3840xi32, #tpu.memory_space<vmem>> -> memref<320xi32, #tpu.memory_space<vmem>>
    %dma_start3A_223 = tpu.memref_slice %arg5[%mul3A_199] : memref<327680xi32, #tpu.memory_space<hbm>> -> memref<320xi32, #tpu.memory_space<hbm>>
    tpu.enqueue_dma source(%dma_start3A_223 : memref<320xi32, #tpu.memory_space<hbm>>) target(%dma_start3A_222 : memref<320xi32, #tpu.memory_space<vmem>>) target_semaphore(%arg33 : memref<!tpu.dma_semaphore, #tpu.memory_space<semaphore_mem>>)
    %dma_start3A_224 = arith.constant 1280 : i32
    %dma_start3A_225 = tpu.memref_slice %arg16[%dma_start3A_224] : memref<3840xi32, #tpu.memory_space<vmem>> -> memref<320xi32, #tpu.memory_space<vmem>>
    %dma_start3A_226 = tpu.memref_slice %arg6[%mul3A_199] : memref<327680xi32, #tpu.memory_space<hbm>> -> memref<320xi32, #tpu.memory_space<hbm>>
    %dma_start3A_227 = arith.constant 1280 : i32
    %dma_start3A_228 = tpu.memref_slice %arg16[%dma_start3A_227] : memref<3840xi32, #tpu.memory_space<vmem>> -> memref<320xi32, #tpu.memory_space<vmem>>
    %dma_start3A_229 = tpu.memref_slice %arg6[%mul3A_199] : memref<327680xi32, #tpu.memory_space<hbm>> -> memref<320xi32, #tpu.memory_space<hbm>>
    tpu.enqueue_dma source(%dma_start3A_229 : memref<320xi32, #tpu.memory_space<hbm>>) target(%dma_start3A_228 : memref<320xi32, #tpu.memory_space<vmem>>) target_semaphore(%arg33 : memref<!tpu.dma_semaphore, #tpu.memory_space<semaphore_mem>>)
    %dma_start3A_230 = arith.constant 1600 : i32
    %dma_start3A_231 = tpu.memref_slice %arg16[%dma_start3A_230] : memref<3840xi32, #tpu.memory_space<vmem>> -> memref<320xi32, #tpu.memory_space<vmem>>
    %dma_start3A_232 = tpu.memref_slice %arg7[%mul3A_199] : memref<327680xi32, #tpu.memory_space<hbm>> -> memref<320xi32, #tpu.memory_space<hbm>>
    %dma_start3A_233 = arith.constant 1600 : i32
    %dma_start3A_234 = tpu.memref_slice %arg16[%dma_start3A_233] : memref<3840xi32, #tpu.memory_space<vmem>> -> memref<320xi32, #tpu.memory_space<vmem>>
    %dma_start3A_235 = tpu.memref_slice %arg7[%mul3A_199] : memref<327680xi32, #tpu.memory_space<hbm>> -> memref<320xi32, #tpu.memory_space<hbm>>
    tpu.enqueue_dma source(%dma_start3A_235 : memref<320xi32, #tpu.memory_space<hbm>>) target(%dma_start3A_234 : memref<320xi32, #tpu.memory_space<vmem>>) target_semaphore(%arg33 : memref<!tpu.dma_semaphore, #tpu.memory_space<semaphore_mem>>)
    %dma_wait3A_236 = arith.constant 0 : i32
    %dma_wait3A_237 = tpu.memref_slice %arg16[%dma_wait3A_236] : memref<3840xi32, #tpu.memory_space<vmem>> -> memref<320xi32, #tpu.memory_space<vmem>>
    %dma_wait3A_238 = tpu.memref_slice %arg2[%mul3A_199] : memref<327680xi32, #tpu.memory_space<hbm>> -> memref<320xi32, #tpu.memory_space<hbm>>
    %dma_wait3A_239 = arith.constant 0 : i32
    %dma_wait3A_240 = tpu.memref_slice %arg16[%dma_wait3A_239] : memref<3840xi32, #tpu.memory_space<vmem>> -> memref<320xi32, #tpu.memory_space<vmem>>
    %dma_wait3A_241 = tpu.memref_slice %arg2[%mul3A_199] : memref<327680xi32, #tpu.memory_space<hbm>> -> memref<320xi32, #tpu.memory_space<hbm>>
    tpu.wait_dma2 semaphore(%arg33 : memref<!tpu.dma_semaphore, #tpu.memory_space<semaphore_mem>>) src(%dma_wait3A_241 : memref<320xi32, #tpu.memory_space<hbm>>) dst(%dma_wait3A_240 : memref<320xi32, #tpu.memory_space<vmem>>)
    %dma_wait3A_242 = arith.constant 320 : i32
    %dma_wait3A_243 = tpu.memref_slice %arg16[%dma_wait3A_242] : memref<3840xi32, #tpu.memory_space<vmem>> -> memref<320xi32, #tpu.memory_space<vmem>>
    %dma_wait3A_244 = tpu.memref_slice %arg3[%mul3A_199] : memref<327680xi32, #tpu.memory_space<hbm>> -> memref<320xi32, #tpu.memory_space<hbm>>
    %dma_wait3A_245 = arith.constant 320 : i32
    %dma_wait3A_246 = tpu.memref_slice %arg16[%dma_wait3A_245] : memref<3840xi32, #tpu.memory_space<vmem>> -> memref<320xi32, #tpu.memory_space<vmem>>
    %dma_wait3A_247 = tpu.memref_slice %arg3[%mul3A_199] : memref<327680xi32, #tpu.memory_space<hbm>> -> memref<320xi32, #tpu.memory_space<hbm>>
    tpu.wait_dma2 semaphore(%arg33 : memref<!tpu.dma_semaphore, #tpu.memory_space<semaphore_mem>>) src(%dma_wait3A_247 : memref<320xi32, #tpu.memory_space<hbm>>) dst(%dma_wait3A_246 : memref<320xi32, #tpu.memory_space<vmem>>)
    %dma_wait3A_248 = arith.constant 640 : i32
    %dma_wait3A_249 = tpu.memref_slice %arg16[%dma_wait3A_248] : memref<3840xi32, #tpu.memory_space<vmem>> -> memref<320xi32, #tpu.memory_space<vmem>>
    %dma_wait3A_250 = tpu.memref_slice %arg4[%mul3A_199] : memref<327680xi32, #tpu.memory_space<hbm>> -> memref<320xi32, #tpu.memory_space<hbm>>
    %dma_wait3A_251 = arith.constant 640 : i32
    %dma_wait3A_252 = tpu.memref_slice %arg16[%dma_wait3A_251] : memref<3840xi32, #tpu.memory_space<vmem>> -> memref<320xi32, #tpu.memory_space<vmem>>
    %dma_wait3A_253 = tpu.memref_slice %arg4[%mul3A_199] : memref<327680xi32, #tpu.memory_space<hbm>> -> memref<320xi32, #tpu.memory_space<hbm>>
    tpu.wait_dma2 semaphore(%arg33 : memref<!tpu.dma_semaphore, #tpu.memory_space<semaphore_mem>>) src(%dma_wait3A_253 : memref<320xi32, #tpu.memory_space<hbm>>) dst(%dma_wait3A_252 : memref<320xi32, #tpu.memory_space<vmem>>)
    %dma_wait3A_254 = arith.constant 960 : i32
    %dma_wait3A_255 = tpu.memref_slice %arg16[%dma_wait3A_254] : memref<3840xi32, #tpu.memory_space<vmem>> -> memref<320xi32, #tpu.memory_space<vmem>>
    %dma_wait3A_256 = tpu.memref_slice %arg5[%mul3A_199] : memref<327680xi32, #tpu.memory_space<hbm>> -> memref<320xi32, #tpu.memory_space<hbm>>
    %dma_wait3A_257 = arith.constant 960 : i32
    %dma_wait3A_258 = tpu.memref_slice %arg16[%dma_wait3A_257] : memref<3840xi32, #tpu.memory_space<vmem>> -> memref<320xi32, #tpu.memory_space<vmem>>
    %dma_wait3A_259 = tpu.memref_slice %arg5[%mul3A_199] : memref<327680xi32, #tpu.memory_space<hbm>> -> memref<320xi32, #tpu.memory_space<hbm>>
    tpu.wait_dma2 semaphore(%arg33 : memref<!tpu.dma_semaphore, #tpu.memory_space<semaphore_mem>>) src(%dma_wait3A_259 : memref<320xi32, #tpu.memory_space<hbm>>) dst(%dma_wait3A_258 : memref<320xi32, #tpu.memory_space<vmem>>)
    %dma_wait3A_260 = arith.constant 1280 : i32
    %dma_wait3A_261 = tpu.memref_slice %arg16[%dma_wait3A_260] : memref<3840xi32, #tpu.memory_space<vmem>> -> memref<320xi32, #tpu.memory_space<vmem>>
    %dma_wait3A_262 = tpu.memref_slice %arg6[%mul3A_199] : memref<327680xi32, #tpu.memory_space<hbm>> -> memref<320xi32, #tpu.memory_space<hbm>>
    %dma_wait3A_263 = arith.constant 1280 : i32
    %dma_wait3A_264 = tpu.memref_slice %arg16[%dma_wait3A_263] : memref<3840xi32, #tpu.memory_space<vmem>> -> memref<320xi32, #tpu.memory_space<vmem>>
    %dma_wait3A_265 = tpu.memref_slice %arg6[%mul3A_199] : memref<327680xi32, #tpu.memory_space<hbm>> -> memref<320xi32, #tpu.memory_space<hbm>>
    tpu.wait_dma2 semaphore(%arg33 : memref<!tpu.dma_semaphore, #tpu.memory_space<semaphore_mem>>) src(%dma_wait3A_265 : memref<320xi32, #tpu.memory_space<hbm>>) dst(%dma_wait3A_264 : memref<320xi32, #tpu.memory_space<vmem>>)
    %dma_wait3A_266 = arith.constant 1600 : i32
    %dma_wait3A_267 = tpu.memref_slice %arg16[%dma_wait3A_266] : memref<3840xi32, #tpu.memory_space<vmem>> -> memref<320xi32, #tpu.memory_space<vmem>>
    %dma_wait3A_268 = tpu.memref_slice %arg7[%mul3A_199] : memref<327680xi32, #tpu.memory_space<hbm>> -> memref<320xi32, #tpu.memory_space<hbm>>
    %dma_wait3A_269 = arith.constant 1600 : i32
    %dma_wait3A_270 = tpu.memref_slice %arg16[%dma_wait3A_269] : memref<3840xi32, #tpu.memory_space<vmem>> -> memref<320xi32, #tpu.memory_space<vmem>>
    %dma_wait3A_271 = tpu.memref_slice %arg7[%mul3A_199] : memref<327680xi32, #tpu.memory_space<hbm>> -> memref<320xi32, #tpu.memory_space<hbm>>
    tpu.wait_dma2 semaphore(%arg33 : memref<!tpu.dma_semaphore, #tpu.memory_space<semaphore_mem>>) src(%dma_wait3A_271 : memref<320xi32, #tpu.memory_space<hbm>>) dst(%dma_wait3A_270 : memref<320xi32, #tpu.memory_space<vmem>>)
    %scan3A_272 = arith.constant 0 : i32
    %scan3A_273 = arith.constant 0 : i32
    %scan3A_274 = arith.constant 40 : i32
    %scan3A_275 = arith.addi %scan3A_273, %scan3A_274 : i32
    %scan3A_276 = arith.constant 1 : i32
    scf.for %scan3A_403 = %scan3A_273 to %scan3A_275 step %scan3A_276  : i32 {
      %jit3A = arith.constant 20 : i32
      %div3A_404 = arith.divsi %scan3A_403, %jit3A : i32
      %sign3A = arith.constant 0 : i32
      %sign3A_405 = arith.cmpi sgt, %scan3A_403, %sign3A : i32
      %sign3A_406 = arith.extui %sign3A_405 : i1 to i32
      %sign3A_407 = arith.constant 0 : i32
      %sign3A_408 = arith.cmpi slt, %scan3A_403, %sign3A_407 : i32
      %sign3A_409 = arith.extui %sign3A_408 : i1 to i32
      %sign3A_410 = arith.subi %sign3A_406, %sign3A_409 : i32
      %sign3A_411 = arith.constant 0 : i32
      %sign3A_412 = arith.cmpi sgt, %jit3A, %sign3A_411 : i32
      %sign3A_413 = arith.extui %sign3A_412 : i1 to i32
      %sign3A_414 = arith.constant 0 : i32
      %sign3A_415 = arith.cmpi slt, %jit3A, %sign3A_414 : i32
      %sign3A_416 = arith.extui %sign3A_415 : i1 to i32
      %sign3A_417 = arith.subi %sign3A_413, %sign3A_416 : i32
      %ne3A = arith.cmpi ne, %sign3A_410, %sign3A_417 : i32
      %rem3A = arith.remsi %scan3A_403, %jit3A : i32
      %ne3A_418 = arith.constant 0 : i32
      %ne3A_419 = arith.cmpi ne, %rem3A, %ne3A_418 : i32
      %and3A_420 = arith.andi %ne3A, %ne3A_419 : i1
      %sub3A = arith.constant 1 : i32
      %sub3A_421 = arith.subi %div3A_404, %sub3A : i32
      %select_n3A = arith.select %and3A_420, %sub3A_421, %div3A_404 : i32
      %mul3A_422 = arith.constant 20 : i32
      %mul3A_423 = arith.muli %select_n3A, %mul3A_422 : i32
      %sub3A_424 = arith.subi %scan3A_403, %mul3A_423 : i32
      %mul3A_425 = arith.constant 960 : i32
      %mul3A_426 = arith.muli %select_n3A, %mul3A_425 : i32
      %add3A_427 = arith.constant 0 : i32
      %add3A_428 = arith.addi %add3A_427, %mul3A_426 : i32
      %add3A_429 = arith.constant 320 : i32
      %add3A_430 = arith.addi %add3A_428, %add3A_429 : i32
      %mul3A_431 = arith.constant 16 : i32
      %mul3A_432 = arith.muli %sub3A_424, %mul3A_431 : i32
      %add3A_433 = arith.addi %add3A_430, %mul3A_432 : i32
      %get3A_434 = arith.index_cast %add3A_433 : i32 to index
      %get3A_435 = tpu.vector_load %arg16[%get3A_434] {strides = array<i32>} : memref<3840xi32, #tpu.memory_space<vmem>>, vector<16xi32>,
      %shift_right_logical3A_436 = arith.constant 2 : i32
      %shift_right_logical3A_437 = vector.broadcast %shift_right_logical3A_436 : i32 to vector<16xi32>
      %shift_right_logical3A_438 = arith.shrui %get3A_435, %shift_right_logical3A_437 : vector<16xi32>
      %mul3A_439 = arith.constant 16 : i32
      %mul3A_440 = arith.muli %scan3A_403, %mul3A_439 : i32
      %add3A_441 = arith.constant 0 : i32
      %add3A_442 = arith.addi %add3A_441, %mul3A_440 : i32
      %swap3A_443 = arith.index_cast %add3A_442 : i32 to index
      %swap3A_444 = tpu.vector_load %arg23[%swap3A_443] {strides = array<i32>} : memref<1280xi32, #tpu.memory_space<vmem>>, vector<16xi32>,
      tpu.vector_store %arg23[%swap3A_443], %shift_right_logical3A_438 {strides = array<i32>} : memref<1280xi32, #tpu.memory_space<vmem>>, vector<16xi32>,
      %and3A_445 = arith.andi %get3A_435, %broadcast_in_dim3A_191 : vector<16xi32>
      %shift_left3A_446 = arith.constant 5 : i32
      %shift_left3A_447 = vector.broadcast %shift_left3A_446 : i32 to vector<16xi32>
      %shift_left3A_448 = arith.shli %and3A_445, %shift_left3A_447 : vector<16xi32>
      %mul3A_449 = arith.constant 16 : i32
      %mul3A_450 = arith.muli %scan3A_403, %mul3A_449 : i32
      %add3A_451 = arith.constant 0 : i32
      %add3A_452 = arith.addi %add3A_451, %mul3A_450 : i32
      %swap3A_453 = arith.index_cast %add3A_452 : i32 to index
      %swap3A_454 = tpu.vector_load %arg24[%swap3A_453] {strides = array<i32>} : memref<1280xi32, #tpu.memory_space<vmem>>, vector<16xi32>,
      tpu.vector_store %arg24[%swap3A_453], %shift_left3A_448 {strides = array<i32>} : memref<1280xi32, #tpu.memory_space<vmem>>, vector<16xi32>,
      %and3A_455 = arith.andi %get3A_435, %broadcast_in_dim3A_191 : vector<16xi32>
      %mul3A_456 = arith.muli %and3A_455, %broadcast_in_dim3A_193 : vector<16xi32>
      %add3A_457 = arith.addi %mul3A_456, %shift_right_logical3A_438 : vector<16xi32>
      %mul3A_458 = arith.constant 16 : i32
      %mul3A_459 = arith.muli %scan3A_403, %mul3A_458 : i32
      %add3A_460 = arith.constant 0 : i32
      %add3A_461 = arith.addi %add3A_460, %mul3A_459 : i32
      %swap3A_462 = arith.index_cast %add3A_461 : i32 to index
      %swap3A_463 = tpu.vector_load %arg26[%swap3A_462] {strides = array<i32>} : memref<1280xi32, #tpu.memory_space<vmem>>, vector<16xi32>,
      tpu.vector_store %arg26[%swap3A_462], %add3A_457 {strides = array<i32>} : memref<1280xi32, #tpu.memory_space<vmem>>, vector<16xi32>,
      %mul3A_464 = arith.constant 960 : i32
      %mul3A_465 = arith.muli %select_n3A, %mul3A_464 : i32
      %add3A_466 = arith.constant 0 : i32
      %add3A_467 = arith.addi %add3A_466, %mul3A_465 : i32
      %mul3A_468 = arith.constant 16 : i32
      %mul3A_469 = arith.muli %sub3A_424, %mul3A_468 : i32
      %add3A_470 = arith.addi %add3A_467, %mul3A_469 : i32
      %get3A_471 = arith.index_cast %add3A_470 : i32 to index
      %get3A_472 = tpu.vector_load %arg16[%get3A_471] {strides = array<i32>} : memref<3840xi32, #tpu.memory_space<vmem>>, vector<16xi32>,
      %and3A_473 = arith.andi %get3A_472, %broadcast_in_dim3A_191 : vector<16xi32>
      %mul3A_474 = arith.muli %and3A_473, %broadcast_in_dim3A_193 : vector<16xi32>
      %shift_right_logical3A_475 = arith.constant 2 : i32
      %shift_right_logical3A_476 = vector.broadcast %shift_right_logical3A_475 : i32 to vector<16xi32>
      %shift_right_logical3A_477 = arith.shrui %get3A_472, %shift_right_logical3A_476 : vector<16xi32>
      %add3A_478 = arith.addi %mul3A_474, %shift_right_logical3A_477 : vector<16xi32>
      %mul3A_479 = arith.constant 16 : i32
      %mul3A_480 = arith.muli %scan3A_403, %mul3A_479 : i32
      %add3A_481 = arith.constant 0 : i32
      %add3A_482 = arith.addi %add3A_481, %mul3A_480 : i32
      %swap3A_483 = arith.index_cast %add3A_482 : i32 to index
      %swap3A_484 = tpu.vector_load %arg25[%swap3A_483] {strides = array<i32>} : memref<1280xi32, #tpu.memory_space<vmem>>, vector<16xi32>,
      tpu.vector_store %arg25[%swap3A_483], %add3A_478 {strides = array<i32>} : memref<1280xi32, #tpu.memory_space<vmem>>, vector<16xi32>,
    }
    %scan3A_277 = arith.constant 40 : i32
    %dma_start3A_278 = arith.constant 0 : i32
    %dma_start3A_279 = arith.constant 0 : i32
    %dma_start3A_280 = tpu.memref_slice %arg17[%dma_start3A_278, %dma_start3A_279] : memref<640x128xf32, #tpu.memory_space<vmem>> -> memref<80x128xf32, #tpu.memory_space<vmem>>
    %dma_start3A_281 = arith.constant 0 : i32
    %dma_start3A_282 = tpu.memref_slice %arg23[%dma_start3A_281] : memref<1280xi32, #tpu.memory_space<vmem>> -> memref<80xi32, #tpu.memory_space<vmem>>
    %dma_start3A_283 = arith.constant 0 : i32
    %dma_start3A_284 = arith.constant 0 : i32
    %dma_start3A_285 = tpu.memref_slice %arg14[%dma_start3A_283, %dma_start3A_284] : memref<250000x128xf32, #tpu.memory_space<hbm>> -> memref<250000x128xf32, #tpu.memory_space<hbm>>
    tpu.enqueue_indirect_dma source(%dma_start3A_285 : memref<250000x128xf32, #tpu.memory_space<hbm>>) target(%dma_start3A_280 : memref<80x128xf32, #tpu.memory_space<vmem>>) offsets(%dma_start3A_282 : memref<80xi32, #tpu.memory_space<vmem>>) semaphore(%arg34 : memref<!tpu.dma_semaphore, #tpu.memory_space<semaphore_mem>>)
    %dma_start3A_286 = arith.constant 0 : i32
    %dma_start3A_287 = tpu.memref_slice %arg18[%dma_start3A_286] : memref<640xf32, #tpu.memory_space<vmem>> -> memref<80xf32, #tpu.memory_space<vmem>>
    %dma_start3A_288 = arith.constant 0 : i32
    %dma_start3A_289 = tpu.memref_slice %arg25[%dma_start3A_288] : memref<1280xi32, #tpu.memory_space<vmem>> -> memref<80xi32, #tpu.memory_space<vmem>>
    %dma_start3A_290 = arith.constant 0 : i32
    %dma_start3A_291 = tpu.memref_slice %arg11[%dma_start3A_290] : memref<1000000xf32, #tpu.memory_space<hbm>> -> memref<1000000xf32, #tpu.memory_space<hbm>>
    tpu.enqueue_indirect_dma source(%dma_start3A_291 : memref<1000000xf32, #tpu.memory_space<hbm>>) target(%dma_start3A_287 : memref<80xf32, #tpu.memory_space<vmem>>) offsets(%dma_start3A_289 : memref<80xi32, #tpu.memory_space<vmem>>) semaphore(%arg34 : memref<!tpu.dma_semaphore, #tpu.memory_space<semaphore_mem>>)
    %dma_start3A_292 = arith.constant 0 : i32
    %dma_start3A_293 = tpu.memref_slice %arg19[%dma_start3A_292] : memref<640xf32, #tpu.memory_space<vmem>> -> memref<80xf32, #tpu.memory_space<vmem>>
    %dma_start3A_294 = arith.constant 0 : i32
    %dma_start3A_295 = tpu.memref_slice %arg26[%dma_start3A_294] : memref<1280xi32, #tpu.memory_space<vmem>> -> memref<80xi32, #tpu.memory_space<vmem>>
    %dma_start3A_296 = arith.constant 0 : i32
    %dma_start3A_297 = tpu.memref_slice %arg12[%dma_start3A_296] : memref<1000000xf32, #tpu.memory_space<hbm>> -> memref<1000000xf32, #tpu.memory_space<hbm>>
    tpu.enqueue_indirect_dma source(%dma_start3A_297 : memref<1000000xf32, #tpu.memory_space<hbm>>) target(%dma_start3A_293 : memref<80xf32, #tpu.memory_space<vmem>>) offsets(%dma_start3A_295 : memref<80xi32, #tpu.memory_space<vmem>>) semaphore(%arg34 : memref<!tpu.dma_semaphore, #tpu.memory_space<semaphore_mem>>)
    %dma_start3A_298 = arith.constant 80 : i32
    %dma_start3A_299 = arith.constant 0 : i32
    %dma_start3A_300 = tpu.memref_slice %arg17[%dma_start3A_298, %dma_start3A_299] : memref<640x128xf32, #tpu.memory_space<vmem>> -> memref<80x128xf32, #tpu.memory_space<vmem>>
    %dma_start3A_301 = arith.constant 80 : i32
    %dma_start3A_302 = tpu.memref_slice %arg23[%dma_start3A_301] : memref<1280xi32, #tpu.memory_space<vmem>> -> memref<80xi32, #tpu.memory_space<vmem>>
    %dma_start3A_303 = arith.constant 0 : i32
    %dma_start3A_304 = arith.constant 0 : i32
    %dma_start3A_305 = tpu.memref_slice %arg14[%dma_start3A_303, %dma_start3A_304] : memref<250000x128xf32, #tpu.memory_space<hbm>> -> memref<250000x128xf32, #tpu.memory_space<hbm>>
    tpu.enqueue_indirect_dma source(%dma_start3A_305 : memref<250000x128xf32, #tpu.memory_space<hbm>>) target(%dma_start3A_300 : memref<80x128xf32, #tpu.memory_space<vmem>>) offsets(%dma_start3A_302 : memref<80xi32, #tpu.memory_space<vmem>>) semaphore(%arg34 : memref<!tpu.dma_semaphore, #tpu.memory_space<semaphore_mem>>)
    %dma_start3A_306 = arith.constant 80 : i32
    %dma_start3A_307 = tpu.memref_slice %arg18[%dma_start3A_306] : memref<640xf32, #tpu.memory_space<vmem>> -> memref<80xf32, #tpu.memory_space<vmem>>
    %dma_start3A_308 = arith.constant 80 : i32
    %dma_start3A_309 = tpu.memref_slice %arg25[%dma_start3A_308] : memref<1280xi32, #tpu.memory_space<vmem>> -> memref<80xi32, #tpu.memory_space<vmem>>
    %dma_start3A_310 = arith.constant 0 : i32
    %dma_start3A_311 = tpu.memref_slice %arg11[%dma_start3A_310] : memref<1000000xf32, #tpu.memory_space<hbm>> -> memref<1000000xf32, #tpu.memory_space<hbm>>
    tpu.enqueue_indirect_dma source(%dma_start3A_311 : memref<1000000xf32, #tpu.memory_space<hbm>>) target(%dma_start3A_307 : memref<80xf32, #tpu.memory_space<vmem>>) offsets(%dma_start3A_309 : memref<80xi32, #tpu.memory_space<vmem>>) semaphore(%arg34 : memref<!tpu.dma_semaphore, #tpu.memory_space<semaphore_mem>>)
    %dma_start3A_312 = arith.constant 80 : i32
    %dma_start3A_313 = tpu.memref_slice %arg19[%dma_start3A_312] : memref<640xf32, #tpu.memory_space<vmem>> -> memref<80xf32, #tpu.memory_space<vmem>>
    %dma_start3A_314 = arith.constant 80 : i32
    %dma_start3A_315 = tpu.memref_slice %arg26[%dma_start3A_314] : memref<1280xi32, #tpu.memory_space<vmem>> -> memref<80xi32, #tpu.memory_space<vmem>>
    %dma_start3A_316 = arith.constant 0 : i32
    %dma_start3A_317 = tpu.memref_slice %arg12[%dma_start3A_316] : memref<1000000xf32, #tpu.memory_space<hbm>> -> memref<1000000xf32, #tpu.memory_space<hbm>>
    tpu.enqueue_indirect_dma source(%dma_start3A_317 : memref<1000000xf32, #tpu.memory_space<hbm>>) target(%dma_start3A_313 : memref<80xf32, #tpu.memory_space<vmem>>) offsets(%dma_start3A_315 : memref<80xi32, #tpu.memory_space<vmem>>) semaphore(%arg34 : memref<!tpu.dma_semaphore, #tpu.memory_space<semaphore_mem>>)
    %dma_start3A_318 = arith.constant 160 : i32
    %dma_start3A_319 = arith.constant 0 : i32
    %dma_start3A_320 = tpu.memref_slice %arg17[%dma_start3A_318, %dma_start3A_319] : memref<640x128xf32, #tpu.memory_space<vmem>> -> memref<80x128xf32, #tpu.memory_space<vmem>>
    %dma_start3A_321 = arith.constant 160 : i32
    %dma_start3A_322 = tpu.memref_slice %arg23[%dma_start3A_321] : memref<1280xi32, #tpu.memory_space<vmem>> -> memref<80xi32, #tpu.memory_space<vmem>>
    %dma_start3A_323 = arith.constant 0 : i32
    %dma_start3A_324 = arith.constant 0 : i32
    %dma_start3A_325 = tpu.memref_slice %arg14[%dma_start3A_323, %dma_start3A_324] : memref<250000x128xf32, #tpu.memory_space<hbm>> -> memref<250000x128xf32, #tpu.memory_space<hbm>>
    tpu.enqueue_indirect_dma source(%dma_start3A_325 : memref<250000x128xf32, #tpu.memory_space<hbm>>) target(%dma_start3A_320 : memref<80x128xf32, #tpu.memory_space<vmem>>) offsets(%dma_start3A_322 : memref<80xi32, #tpu.memory_space<vmem>>) semaphore(%arg34 : memref<!tpu.dma_semaphore, #tpu.memory_space<semaphore_mem>>)
    %dma_start3A_326 = arith.constant 160 : i32
    %dma_start3A_327 = tpu.memref_slice %arg18[%dma_start3A_326] : memref<640xf32, #tpu.memory_space<vmem>> -> memref<80xf32, #tpu.memory_space<vmem>>
    %dma_start3A_328 = arith.constant 160 : i32
    %dma_start3A_329 = tpu.memref_slice %arg25[%dma_start3A_328] : memref<1280xi32, #tpu.memory_space<vmem>> -> memref<80xi32, #tpu.memory_space<vmem>>
    %dma_start3A_330 = arith.constant 0 : i32
    %dma_start3A_331 = tpu.memref_slice %arg11[%dma_start3A_330] : memref<1000000xf32, #tpu.memory_space<hbm>> -> memref<1000000xf32, #tpu.memory_space<hbm>>
    tpu.enqueue_indirect_dma source(%dma_start3A_331 : memref<1000000xf32, #tpu.memory_space<hbm>>) target(%dma_start3A_327 : memref<80xf32, #tpu.memory_space<vmem>>) offsets(%dma_start3A_329 : memref<80xi32, #tpu.memory_space<vmem>>) semaphore(%arg34 : memref<!tpu.dma_semaphore, #tpu.memory_space<semaphore_mem>>)
    %dma_start3A_332 = arith.constant 160 : i32
    %dma_start3A_333 = tpu.memref_slice %arg19[%dma_start3A_332] : memref<640xf32, #tpu.memory_space<vmem>> -> memref<80xf32, #tpu.memory_space<vmem>>
    %dma_start3A_334 = arith.constant 160 : i32
    %dma_start3A_335 = tpu.memref_slice %arg26[%dma_start3A_334] : memref<1280xi32, #tpu.memory_space<vmem>> -> memref<80xi32, #tpu.memory_space<vmem>>
    %dma_start3A_336 = arith.constant 0 : i32
    %dma_start3A_337 = tpu.memref_slice %arg12[%dma_start3A_336] : memref<1000000xf32, #tpu.memory_space<hbm>> -> memref<1000000xf32, #tpu.memory_space<hbm>>
    tpu.enqueue_indirect_dma source(%dma_start3A_337 : memref<1000000xf32, #tpu.memory_space<hbm>>) target(%dma_start3A_333 : memref<80xf32, #tpu.memory_space<vmem>>) offsets(%dma_start3A_335 : memref<80xi32, #tpu.memory_space<vmem>>) semaphore(%arg34 : memref<!tpu.dma_semaphore, #tpu.memory_space<semaphore_mem>>)
    %dma_start3A_338 = arith.constant 240 : i32
    %dma_start3A_339 = arith.constant 0 : i32
    %dma_start3A_340 = tpu.memref_slice %arg17[%dma_start3A_338, %dma_start3A_339] : memref<640x128xf32, #tpu.memory_space<vmem>> -> memref<80x128xf32, #tpu.memory_space<vmem>>
    %dma_start3A_341 = arith.constant 240 : i32
    %dma_start3A_342 = tpu.memref_slice %arg23[%dma_start3A_341] : memref<1280xi32, #tpu.memory_space<vmem>> -> memref<80xi32, #tpu.memory_space<vmem>>
    %dma_start3A_343 = arith.constant 0 : i32
    %dma_start3A_344 = arith.constant 0 : i32
    %dma_start3A_345 = tpu.memref_slice %arg14[%dma_start3A_343, %dma_start3A_344] : memref<250000x128xf32, #tpu.memory_space<hbm>> -> memref<250000x128xf32, #tpu.memory_space<hbm>>
    tpu.enqueue_indirect_dma source(%dma_start3A_345 : memref<250000x128xf32, #tpu.memory_space<hbm>>) target(%dma_start3A_340 : memref<80x128xf32, #tpu.memory_space<vmem>>) offsets(%dma_start3A_342 : memref<80xi32, #tpu.memory_space<vmem>>) semaphore(%arg34 : memref<!tpu.dma_semaphore, #tpu.memory_space<semaphore_mem>>)
    %dma_start3A_346 = arith.constant 240 : i32
    %dma_start3A_347 = tpu.memref_slice %arg18[%dma_start3A_346] : memref<640xf32, #tpu.memory_space<vmem>> -> memref<80xf32, #tpu.memory_space<vmem>>
    %dma_start3A_348 = arith.constant 240 : i32
    %dma_start3A_349 = tpu.memref_slice %arg25[%dma_start3A_348] : memref<1280xi32, #tpu.memory_space<vmem>> -> memref<80xi32, #tpu.memory_space<vmem>>
    %dma_start3A_350 = arith.constant 0 : i32
    %dma_start3A_351 = tpu.memref_slice %arg11[%dma_start3A_350] : memref<1000000xf32, #tpu.memory_space<hbm>> -> memref<1000000xf32, #tpu.memory_space<hbm>>
    tpu.enqueue_indirect_dma source(%dma_start3A_351 : memref<1000000xf32, #tpu.memory_space<hbm>>) target(%dma_start3A_347 : memref<80xf32, #tpu.memory_space<vmem>>) offsets(%dma_start3A_349 : memref<80xi32, #tpu.memory_space<vmem>>) semaphore(%arg34 : memref<!tpu.dma_semaphore, #tpu.memory_space<semaphore_mem>>)
    %dma_start3A_352 = arith.constant 240 : i32
    %dma_start3A_353 = tpu.memref_slice %arg19[%dma_start3A_352] : memref<640xf32, #tpu.memory_space<vmem>> -> memref<80xf32, #tpu.memory_space<vmem>>
    %dma_start3A_354 = arith.constant 240 : i32
    %dma_start3A_355 = tpu.memref_slice %arg26[%dma_start3A_354] : memref<1280xi32, #tpu.memory_space<vmem>> -> memref<80xi32, #tpu.memory_space<vmem>>
    %dma_start3A_356 = arith.constant 0 : i32
    %dma_start3A_357 = tpu.memref_slice %arg12[%dma_start3A_356] : memref<1000000xf32, #tpu.memory_space<hbm>> -> memref<1000000xf32, #tpu.memory_space<hbm>>
    tpu.enqueue_indirect_dma source(%dma_start3A_357 : memref<1000000xf32, #tpu.memory_space<hbm>>) target(%dma_start3A_353 : memref<80xf32, #tpu.memory_space<vmem>>) offsets(%dma_start3A_355 : memref<80xi32, #tpu.memory_space<vmem>>) semaphore(%arg34 : memref<!tpu.dma_semaphore, #tpu.memory_space<semaphore_mem>>)
    %scan3A_358 = arith.constant 0 : i32
    %scan3A_359 = arith.constant 0 : i32
    %scan3A_360 = arith.constant 32 : i32
    %scan3A_361 = arith.addi %scan3A_359, %scan3A_360 : i32
    %scan3A_362 = arith.constant 1 : i32
    scf.for %scan3A_403 = %scan3A_359 to %scan3A_361 step %scan3A_362  : i32 {
      %and3A_404 = arith.constant 1 : i32
      %and3A_405 = arith.andi %scan3A_403, %and3A_404 : i32
      %sub3A = arith.constant 1 : i32
      %sub3A_406 = arith.subi %sub3A, %and3A_405 : i32
      %mul3A_407 = arith.constant 640 : i32
      %mul3A_408 = arith.muli %and3A_405, %mul3A_407 : i32
      %add3A_409 = arith.constant 320 : i32
      %add3A_410 = arith.addi %mul3A_408, %add3A_409 : i32
      %add3A_411 = arith.constant 0 : i32
      %add3A_412 = arith.addi %add3A_410, %add3A_411 : i32
      %add3A_413 = arith.constant 320 : i32
      %add3A_414 = arith.addi %mul3A_408, %add3A_413 : i32
      %add3A_415 = arith.constant 0 : i32
      %add3A_416 = arith.addi %add3A_414, %add3A_415 : i32
      %add3A_417 = arith.constant 320 : i32
      %add3A_418 = arith.addi %mul3A_408, %add3A_417 : i32
      %add3A_419 = arith.constant 0 : i32
      %add3A_420 = arith.addi %add3A_418, %add3A_419 : i32
      %dma_start3A_421 = arith.constant 320 : i32
      %dma_start3A_422 = arith.constant 0 : i32
      %dma_start3A_423 = tpu.memref_slice %arg17[%dma_start3A_421, %dma_start3A_422] : memref<640x128xf32, #tpu.memory_space<vmem>> -> memref<80x128xf32, #tpu.memory_space<vmem>>
      %dma_start3A_424 = tpu.memref_slice %arg23[%add3A_412] : memref<1280xi32, #tpu.memory_space<vmem>> -> memref<80xi32, #tpu.memory_space<vmem>>
      %dma_start3A_425 = arith.constant 0 : i32
      %dma_start3A_426 = arith.constant 0 : i32
      %dma_start3A_427 = tpu.memref_slice %arg14[%dma_start3A_425, %dma_start3A_426] : memref<250000x128xf32, #tpu.memory_space<hbm>> -> memref<250000x128xf32, #tpu.memory_space<hbm>>
      tpu.enqueue_indirect_dma source(%dma_start3A_427 : memref<250000x128xf32, #tpu.memory_space<hbm>>) target(%dma_start3A_423 : memref<80x128xf32, #tpu.memory_space<vmem>>) offsets(%dma_start3A_424 : memref<80xi32, #tpu.memory_space<vmem>>) semaphore(%arg35 : memref<!tpu.dma_semaphore, #tpu.memory_space<semaphore_mem>>)
      %dma_start3A_428 = arith.constant 320 : i32
      %dma_start3A_429 = tpu.memref_slice %arg18[%dma_start3A_428] : memref<640xf32, #tpu.memory_space<vmem>> -> memref<80xf32, #tpu.memory_space<vmem>>
      %dma_start3A_430 = tpu.memref_slice %arg25[%add3A_416] : memref<1280xi32, #tpu.memory_space<vmem>> -> memref<80xi32, #tpu.memory_space<vmem>>
      %dma_start3A_431 = arith.constant 0 : i32
      %dma_start3A_432 = tpu.memref_slice %arg11[%dma_start3A_431] : memref<1000000xf32, #tpu.memory_space<hbm>> -> memref<1000000xf32, #tpu.memory_space<hbm>>
      tpu.enqueue_indirect_dma source(%dma_start3A_432 : memref<1000000xf32, #tpu.memory_space<hbm>>) target(%dma_start3A_429 : memref<80xf32, #tpu.memory_space<vmem>>) offsets(%dma_start3A_430 : memref<80xi32, #tpu.memory_space<vmem>>) semaphore(%arg35 : memref<!tpu.dma_semaphore, #tpu.memory_space<semaphore_mem>>)
      %dma_start3A_433 = arith.constant 320 : i32
      %dma_start3A_434 = tpu.memref_slice %arg19[%dma_start3A_433] : memref<640xf32, #tpu.memory_space<vmem>> -> memref<80xf32, #tpu.memory_space<vmem>>
      %dma_start3A_435 = tpu.memref_slice %arg26[%add3A_420] : memref<1280xi32, #tpu.memory_space<vmem>> -> memref<80xi32, #tpu.memory_space<vmem>>
      %dma_start3A_436 = arith.constant 0 : i32
      %dma_start3A_437 = tpu.memref_slice %arg12[%dma_start3A_436] : memref<1000000xf32, #tpu.memory_space<hbm>> -> memref<1000000xf32, #tpu.memory_space<hbm>>
      tpu.enqueue_indirect_dma source(%dma_start3A_437 : memref<1000000xf32, #tpu.memory_space<hbm>>) target(%dma_start3A_434 : memref<80xf32, #tpu.memory_space<vmem>>) offsets(%dma_start3A_435 : memref<80xi32, #tpu.memory_space<vmem>>) semaphore(%arg35 : memref<!tpu.dma_semaphore, #tpu.memory_space<semaphore_mem>>)
      %add3A_438 = arith.constant 320 : i32
      %add3A_439 = arith.addi %mul3A_408, %add3A_438 : i32
      %add3A_440 = arith.constant 80 : i32
      %add3A_441 = arith.addi %add3A_439, %add3A_440 : i32
      %add3A_442 = arith.constant 320 : i32
      %add3A_443 = arith.addi %mul3A_408, %add3A_442 : i32
      %add3A_444 = arith.constant 80 : i32
      %add3A_445 = arith.addi %add3A_443, %add3A_444 : i32
      %add3A_446 = arith.constant 320 : i32
      %add3A_447 = arith.addi %mul3A_408, %add3A_446 : i32
      %add3A_448 = arith.constant 80 : i32
      %add3A_449 = arith.addi %add3A_447, %add3A_448 : i32
      %dma_start3A_450 = arith.constant 400 : i32
      %dma_start3A_451 = arith.constant 0 : i32
      %dma_start3A_452 = tpu.memref_slice %arg17[%dma_start3A_450, %dma_start3A_451] : memref<640x128xf32, #tpu.memory_space<vmem>> -> memref<80x128xf32, #tpu.memory_space<vmem>>
      %dma_start3A_453 = tpu.memref_slice %arg23[%add3A_441] : memref<1280xi32, #tpu.memory_space<vmem>> -> memref<80xi32, #tpu.memory_space<vmem>>
      %dma_start3A_454 = arith.constant 0 : i32
      %dma_start3A_455 = arith.constant 0 : i32
      %dma_start3A_456 = tpu.memref_slice %arg14[%dma_start3A_454, %dma_start3A_455] : memref<250000x128xf32, #tpu.memory_space<hbm>> -> memref<250000x128xf32, #tpu.memory_space<hbm>>
      tpu.enqueue_indirect_dma source(%dma_start3A_456 : memref<250000x128xf32, #tpu.memory_space<hbm>>) target(%dma_start3A_452 : memref<80x128xf32, #tpu.memory_space<vmem>>) offsets(%dma_start3A_453 : memref<80xi32, #tpu.memory_space<vmem>>) semaphore(%arg35 : memref<!tpu.dma_semaphore, #tpu.memory_space<semaphore_mem>>)
      %dma_start3A_457 = arith.constant 400 : i32
      %dma_start3A_458 = tpu.memref_slice %arg18[%dma_start3A_457] : memref<640xf32, #tpu.memory_space<vmem>> -> memref<80xf32, #tpu.memory_space<vmem>>
      %dma_start3A_459 = tpu.memref_slice %arg25[%add3A_445] : memref<1280xi32, #tpu.memory_space<vmem>> -> memref<80xi32, #tpu.memory_space<vmem>>
      %dma_start3A_460 = arith.constant 0 : i32
      %dma_start3A_461 = tpu.memref_slice %arg11[%dma_start3A_460] : memref<1000000xf32, #tpu.memory_space<hbm>> -> memref<1000000xf32, #tpu.memory_space<hbm>>
      tpu.enqueue_indirect_dma source(%dma_start3A_461 : memref<1000000xf32, #tpu.memory_space<hbm>>) target(%dma_start3A_458 : memref<80xf32, #tpu.memory_space<vmem>>) offsets(%dma_start3A_459 : memref<80xi32, #tpu.memory_space<vmem>>) semaphore(%arg35 : memref<!tpu.dma_semaphore, #tpu.memory_space<semaphore_mem>>)
      %dma_start3A_462 = arith.constant 400 : i32
      %dma_start3A_463 = tpu.memref_slice %arg19[%dma_start3A_462] : memref<640xf32, #tpu.memory_space<vmem>> -> memref<80xf32, #tpu.memory_space<vmem>>
      %dma_start3A_464 = tpu.memref_slice %arg26[%add3A_449] : memref<1280xi32, #tpu.memory_space<vmem>> -> memref<80xi32, #tpu.memory_space<vmem>>
      %dma_start3A_465 = arith.constant 0 : i32
      %dma_start3A_466 = tpu.memref_slice %arg12[%dma_start3A_465] : memref<1000000xf32, #tpu.memory_space<hbm>> -> memref<1000000xf32, #tpu.memory_space<hbm>>
      tpu.enqueue_indirect_dma source(%dma_start3A_466 : memref<1000000xf32, #tpu.memory_space<hbm>>) target(%dma_start3A_463 : memref<80xf32, #tpu.memory_space<vmem>>) offsets(%dma_start3A_464 : memref<80xi32, #tpu.memory_space<vmem>>) semaphore(%arg35 : memref<!tpu.dma_semaphore, #tpu.memory_space<semaphore_mem>>)
      %add3A_467 = arith.constant 320 : i32
      %add3A_468 = arith.addi %mul3A_408, %add3A_467 : i32
      %add3A_469 = arith.constant 160 : i32
      %add3A_470 = arith.addi %add3A_468, %add3A_469 : i32
      %add3A_471 = arith.constant 320 : i32
      %add3A_472 = arith.addi %mul3A_408, %add3A_471 : i32
      %add3A_473 = arith.constant 160 : i32
      %add3A_474 = arith.addi %add3A_472, %add3A_473 : i32
      %add3A_475 = arith.constant 320 : i32
      %add3A_476 = arith.addi %mul3A_408, %add3A_475 : i32
      %add3A_477 = arith.constant 160 : i32
      %add3A_478 = arith.addi %add3A_476, %add3A_477 : i32
      %dma_start3A_479 = arith.constant 480 : i32
      %dma_start3A_480 = arith.constant 0 : i32
      %dma_start3A_481 = tpu.memref_slice %arg17[%dma_start3A_479, %dma_start3A_480] : memref<640x128xf32, #tpu.memory_space<vmem>> -> memref<80x128xf32, #tpu.memory_space<vmem>>
      %dma_start3A_482 = tpu.memref_slice %arg23[%add3A_470] : memref<1280xi32, #tpu.memory_space<vmem>> -> memref<80xi32, #tpu.memory_space<vmem>>
      %dma_start3A_483 = arith.constant 0 : i32
      %dma_start3A_484 = arith.constant 0 : i32
      %dma_start3A_485 = tpu.memref_slice %arg14[%dma_start3A_483, %dma_start3A_484] : memref<250000x128xf32, #tpu.memory_space<hbm>> -> memref<250000x128xf32, #tpu.memory_space<hbm>>
      tpu.enqueue_indirect_dma source(%dma_start3A_485 : memref<250000x128xf32, #tpu.memory_space<hbm>>) target(%dma_start3A_481 : memref<80x128xf32, #tpu.memory_space<vmem>>) offsets(%dma_start3A_482 : memref<80xi32, #tpu.memory_space<vmem>>) semaphore(%arg35 : memref<!tpu.dma_semaphore, #tpu.memory_space<semaphore_mem>>)
      %dma_start3A_486 = arith.constant 480 : i32
      %dma_start3A_487 = tpu.memref_slice %arg18[%dma_start3A_486] : memref<640xf32, #tpu.memory_space<vmem>> -> memref<80xf32, #tpu.memory_space<vmem>>
      %dma_start3A_488 = tpu.memref_slice %arg25[%add3A_474] : memref<1280xi32, #tpu.memory_space<vmem>> -> memref<80xi32, #tpu.memory_space<vmem>>
      %dma_start3A_489 = arith.constant 0 : i32
      %dma_start3A_490 = tpu.memref_slice %arg11[%dma_start3A_489] : memref<1000000xf32, #tpu.memory_space<hbm>> -> memref<1000000xf32, #tpu.memory_space<hbm>>
      tpu.enqueue_indirect_dma source(%dma_start3A_490 : memref<1000000xf32, #tpu.memory_space<hbm>>) target(%dma_start3A_487 : memref<80xf32, #tpu.memory_space<vmem>>) offsets(%dma_start3A_488 : memref<80xi32, #tpu.memory_space<vmem>>) semaphore(%arg35 : memref<!tpu.dma_semaphore, #tpu.memory_space<semaphore_mem>>)
      %dma_start3A_491 = arith.constant 480 : i32
      %dma_start3A_492 = tpu.memref_slice %arg19[%dma_start3A_491] : memref<640xf32, #tpu.memory_space<vmem>> -> memref<80xf32, #tpu.memory_space<vmem>>
      %dma_start3A_493 = tpu.memref_slice %arg26[%add3A_478] : memref<1280xi32, #tpu.memory_space<vmem>> -> memref<80xi32, #tpu.memory_space<vmem>>
      %dma_start3A_494 = arith.constant 0 : i32
      %dma_start3A_495 = tpu.memref_slice %arg12[%dma_start3A_494] : memref<1000000xf32, #tpu.memory_space<hbm>> -> memref<1000000xf32, #tpu.memory_space<hbm>>
      tpu.enqueue_indirect_dma source(%dma_start3A_495 : memref<1000000xf32, #tpu.memory_space<hbm>>) target(%dma_start3A_492 : memref<80xf32, #tpu.memory_space<vmem>>) offsets(%dma_start3A_493 : memref<80xi32, #tpu.memory_space<vmem>>) semaphore(%arg35 : memref<!tpu.dma_semaphore, #tpu.memory_space<semaphore_mem>>)
      %add3A_496 = arith.constant 320 : i32
      %add3A_497 = arith.addi %mul3A_408, %add3A_496 : i32
      %add3A_498 = arith.constant 240 : i32
      %add3A_499 = arith.addi %add3A_497, %add3A_498 : i32
      %add3A_500 = arith.constant 320 : i32
      %add3A_501 = arith.addi %mul3A_408, %add3A_500 : i32
      %add3A_502 = arith.constant 240 : i32
      %add3A_503 = arith.addi %add3A_501, %add3A_502 : i32
      %add3A_504 = arith.constant 320 : i32
      %add3A_505 = arith.addi %mul3A_408, %add3A_504 : i32
      %add3A_506 = arith.constant 240 : i32
      %add3A_507 = arith.addi %add3A_505, %add3A_506 : i32
      %dma_start3A_508 = arith.constant 560 : i32
      %dma_start3A_509 = arith.constant 0 : i32
      %dma_start3A_510 = tpu.memref_slice %arg17[%dma_start3A_508, %dma_start3A_509] : memref<640x128xf32, #tpu.memory_space<vmem>> -> memref<80x128xf32, #tpu.memory_space<vmem>>
      %dma_start3A_511 = tpu.memref_slice %arg23[%add3A_499] : memref<1280xi32, #tpu.memory_space<vmem>> -> memref<80xi32, #tpu.memory_space<vmem>>
      %dma_start3A_512 = arith.constant 0 : i32
      %dma_start3A_513 = arith.constant 0 : i32
      %dma_start3A_514 = tpu.memref_slice %arg14[%dma_start3A_512, %dma_start3A_513] : memref<250000x128xf32, #tpu.memory_space<hbm>> -> memref<250000x128xf32, #tpu.memory_space<hbm>>
      tpu.enqueue_indirect_dma source(%dma_start3A_514 : memref<250000x128xf32, #tpu.memory_space<hbm>>) target(%dma_start3A_510 : memref<80x128xf32, #tpu.memory_space<vmem>>) offsets(%dma_start3A_511 : memref<80xi32, #tpu.memory_space<vmem>>) semaphore(%arg35 : memref<!tpu.dma_semaphore, #tpu.memory_space<semaphore_mem>>)
      %dma_start3A_515 = arith.constant 560 : i32
      %dma_start3A_516 = tpu.memref_slice %arg18[%dma_start3A_515] : memref<640xf32, #tpu.memory_space<vmem>> -> memref<80xf32, #tpu.memory_space<vmem>>
      %dma_start3A_517 = tpu.memref_slice %arg25[%add3A_503] : memref<1280xi32, #tpu.memory_space<vmem>> -> memref<80xi32, #tpu.memory_space<vmem>>
      %dma_start3A_518 = arith.constant 0 : i32
      %dma_start3A_519 = tpu.memref_slice %arg11[%dma_start3A_518] : memref<1000000xf32, #tpu.memory_space<hbm>> -> memref<1000000xf32, #tpu.memory_space<hbm>>
      tpu.enqueue_indirect_dma source(%dma_start3A_519 : memref<1000000xf32, #tpu.memory_space<hbm>>) target(%dma_start3A_516 : memref<80xf32, #tpu.memory_space<vmem>>) offsets(%dma_start3A_517 : memref<80xi32, #tpu.memory_space<vmem>>) semaphore(%arg35 : memref<!tpu.dma_semaphore, #tpu.memory_space<semaphore_mem>>)
      %dma_start3A_520 = arith.constant 560 : i32
      %dma_start3A_521 = tpu.memref_slice %arg19[%dma_start3A_520] : memref<640xf32, #tpu.memory_space<vmem>> -> memref<80xf32, #tpu.memory_space<vmem>>
      %dma_start3A_522 = tpu.memref_slice %arg26[%add3A_507] : memref<1280xi32, #tpu.memory_space<vmem>> -> memref<80xi32, #tpu.memory_space<vmem>>
      %dma_start3A_523 = arith.constant 0 : i32
      %dma_start3A_524 = tpu.memref_slice %arg12[%dma_start3A_523] : memref<1000000xf32, #tpu.memory_space<hbm>> -> memref<1000000xf32, #tpu.memory_space<hbm>>
      tpu.enqueue_indirect_dma source(%dma_start3A_524 : memref<1000000xf32, #tpu.memory_space<hbm>>) target(%dma_start3A_521 : memref<80xf32, #tpu.memory_space<vmem>>) offsets(%dma_start3A_522 : memref<80xi32, #tpu.memory_space<vmem>>) semaphore(%arg35 : memref<!tpu.dma_semaphore, #tpu.memory_space<semaphore_mem>>)
      %lt3A = arith.constant 31 : i32
      %lt3A_525 = arith.cmpi slt, %scan3A_403, %lt3A : i32
      %convert_element_type3A = arith.extui %lt3A_525 : i1 to i32
      %cond3A = arith.constant 0 : i32
      %cond3A_526 = arith.cmpi ne, %convert_element_type3A, %cond3A : i32
      scf.if %cond3A_526 {
        %add3A_800 = arith.constant 1 : i32
        %add3A_801 = arith.addi %scan3A_403, %add3A_800 : i32
        %mul3A_802 = arith.constant 32 : i32
        %mul3A_803 = arith.muli %add3A, %mul3A_802 : i32
        %add3A_804 = arith.addi %mul3A_803, %add3A_801 : i32
        %mul3A_805 = arith.constant 320 : i32
        %mul3A_806 = arith.muli %add3A_804, %mul3A_805 : i32
        %mul3A_807 = arith.constant 1920 : i32
        %mul3A_808 = arith.muli %sub3A_406, %mul3A_807 : i32
        %add3A_809 = arith.constant 0 : i32
        %add3A_810 = arith.addi %mul3A_808, %add3A_809 : i32
        %add3A_811 = arith.constant 0 : i32
        %add3A_812 = arith.addi %add3A_810, %add3A_811 : i32
        %dma_start3A_813 = tpu.memref_slice %arg16[%add3A_812] : memref<3840xi32, #tpu.memory_space<vmem>> -> memref<320xi32, #tpu.memory_space<vmem>>
        %dma_start3A_814 = tpu.memref_slice %arg2[%mul3A_806] : memref<327680xi32, #tpu.memory_space<hbm>> -> memref<320xi32, #tpu.memory_space<hbm>>
        %dma_start3A_815 = tpu.memref_slice %arg16[%add3A_812] : memref<3840xi32, #tpu.memory_space<vmem>> -> memref<320xi32, #tpu.memory_space<vmem>>
        %dma_start3A_816 = tpu.memref_slice %arg2[%mul3A_806] : memref<327680xi32, #tpu.memory_space<hbm>> -> memref<320xi32, #tpu.memory_space<hbm>>
        tpu.enqueue_dma source(%dma_start3A_816 : memref<320xi32, #tpu.memory_space<hbm>>) target(%dma_start3A_815 : memref<320xi32, #tpu.memory_space<vmem>>) target_semaphore(%arg33 : memref<!tpu.dma_semaphore, #tpu.memory_space<semaphore_mem>>)
        %mul3A_817 = arith.constant 1920 : i32
        %mul3A_818 = arith.muli %sub3A_406, %mul3A_817 : i32
        %add3A_819 = arith.constant 0 : i32
        %add3A_820 = arith.addi %mul3A_818, %add3A_819 : i32
        %add3A_821 = arith.constant 320 : i32
        %add3A_822 = arith.addi %add3A_820, %add3A_821 : i32
        %dma_start3A_823 = tpu.memref_slice %arg16[%add3A_822] : memref<3840xi32, #tpu.memory_space<vmem>> -> memref<320xi32, #tpu.memory_space<vmem>>
        %dma_start3A_824 = tpu.memref_slice %arg3[%mul3A_806] : memref<327680xi32, #tpu.memory_space<hbm>> -> memref<320xi32, #tpu.memory_space<hbm>>
        %dma_start3A_825 = tpu.memref_slice %arg16[%add3A_822] : memref<3840xi32, #tpu.memory_space<vmem>> -> memref<320xi32, #tpu.memory_space<vmem>>
        %dma_start3A_826 = tpu.memref_slice %arg3[%mul3A_806] : memref<327680xi32, #tpu.memory_space<hbm>> -> memref<320xi32, #tpu.memory_space<hbm>>
        tpu.enqueue_dma source(%dma_start3A_826 : memref<320xi32, #tpu.memory_space<hbm>>) target(%dma_start3A_825 : memref<320xi32, #tpu.memory_space<vmem>>) target_semaphore(%arg33 : memref<!tpu.dma_semaphore, #tpu.memory_space<semaphore_mem>>)
        %mul3A_827 = arith.constant 1920 : i32
        %mul3A_828 = arith.muli %sub3A_406, %mul3A_827 : i32
        %add3A_829 = arith.constant 0 : i32
        %add3A_830 = arith.addi %mul3A_828, %add3A_829 : i32
        %add3A_831 = arith.constant 640 : i32
        %add3A_832 = arith.addi %add3A_830, %add3A_831 : i32
        %dma_start3A_833 = tpu.memref_slice %arg16[%add3A_832] : memref<3840xi32, #tpu.memory_space<vmem>> -> memref<320xi32, #tpu.memory_space<vmem>>
        %dma_start3A_834 = tpu.memref_slice %arg4[%mul3A_806] : memref<327680xi32, #tpu.memory_space<hbm>> -> memref<320xi32, #tpu.memory_space<hbm>>
        %dma_start3A_835 = tpu.memref_slice %arg16[%add3A_832] : memref<3840xi32, #tpu.memory_space<vmem>> -> memref<320xi32, #tpu.memory_space<vmem>>
        %dma_start3A_836 = tpu.memref_slice %arg4[%mul3A_806] : memref<327680xi32, #tpu.memory_space<hbm>> -> memref<320xi32, #tpu.memory_space<hbm>>
        tpu.enqueue_dma source(%dma_start3A_836 : memref<320xi32, #tpu.memory_space<hbm>>) target(%dma_start3A_835 : memref<320xi32, #tpu.memory_space<vmem>>) target_semaphore(%arg33 : memref<!tpu.dma_semaphore, #tpu.memory_space<semaphore_mem>>)
        %mul3A_837 = arith.constant 1920 : i32
        %mul3A_838 = arith.muli %sub3A_406, %mul3A_837 : i32
        %add3A_839 = arith.constant 960 : i32
        %add3A_840 = arith.addi %mul3A_838, %add3A_839 : i32
        %add3A_841 = arith.constant 0 : i32
        %add3A_842 = arith.addi %add3A_840, %add3A_841 : i32
        %dma_start3A_843 = tpu.memref_slice %arg16[%add3A_842] : memref<3840xi32, #tpu.memory_space<vmem>> -> memref<320xi32, #tpu.memory_space<vmem>>
        %dma_start3A_844 = tpu.memref_slice %arg5[%mul3A_806] : memref<327680xi32, #tpu.memory_space<hbm>> -> memref<320xi32, #tpu.memory_space<hbm>>
        %dma_start3A_845 = tpu.memref_slice %arg16[%add3A_842] : memref<3840xi32, #tpu.memory_space<vmem>> -> memref<320xi32, #tpu.memory_space<vmem>>
        %dma_start3A_846 = tpu.memref_slice %arg5[%mul3A_806] : memref<327680xi32, #tpu.memory_space<hbm>> -> memref<320xi32, #tpu.memory_space<hbm>>
        tpu.enqueue_dma source(%dma_start3A_846 : memref<320xi32, #tpu.memory_space<hbm>>) target(%dma_start3A_845 : memref<320xi32, #tpu.memory_space<vmem>>) target_semaphore(%arg33 : memref<!tpu.dma_semaphore, #tpu.memory_space<semaphore_mem>>)
        %mul3A_847 = arith.constant 1920 : i32
        %mul3A_848 = arith.muli %sub3A_406, %mul3A_847 : i32
        %add3A_849 = arith.constant 960 : i32
        %add3A_850 = arith.addi %mul3A_848, %add3A_849 : i32
        %add3A_851 = arith.constant 320 : i32
        %add3A_852 = arith.addi %add3A_850, %add3A_851 : i32
        %dma_start3A_853 = tpu.memref_slice %arg16[%add3A_852] : memref<3840xi32, #tpu.memory_space<vmem>> -> memref<320xi32, #tpu.memory_space<vmem>>
        %dma_start3A_854 = tpu.memref_slice %arg6[%mul3A_806] : memref<327680xi32, #tpu.memory_space<hbm>> -> memref<320xi32, #tpu.memory_space<hbm>>
        %dma_start3A_855 = tpu.memref_slice %arg16[%add3A_852] : memref<3840xi32, #tpu.memory_space<vmem>> -> memref<320xi32, #tpu.memory_space<vmem>>
        %dma_start3A_856 = tpu.memref_slice %arg6[%mul3A_806] : memref<327680xi32, #tpu.memory_space<hbm>> -> memref<320xi32, #tpu.memory_space<hbm>>
        tpu.enqueue_dma source(%dma_start3A_856 : memref<320xi32, #tpu.memory_space<hbm>>) target(%dma_start3A_855 : memref<320xi32, #tpu.memory_space<vmem>>) target_semaphore(%arg33 : memref<!tpu.dma_semaphore, #tpu.memory_space<semaphore_mem>>)
        %mul3A_857 = arith.constant 1920 : i32
        %mul3A_858 = arith.muli %sub3A_406, %mul3A_857 : i32
        %add3A_859 = arith.constant 960 : i32
        %add3A_860 = arith.addi %mul3A_858, %add3A_859 : i32
        %add3A_861 = arith.constant 640 : i32
        %add3A_862 = arith.addi %add3A_860, %add3A_861 : i32
        %dma_start3A_863 = tpu.memref_slice %arg16[%add3A_862] : memref<3840xi32, #tpu.memory_space<vmem>> -> memref<320xi32, #tpu.memory_space<vmem>>
        %dma_start3A_864 = tpu.memref_slice %arg7[%mul3A_806] : memref<327680xi32, #tpu.memory_space<hbm>> -> memref<320xi32, #tpu.memory_space<hbm>>
        %dma_start3A_865 = tpu.memref_slice %arg16[%add3A_862] : memref<3840xi32, #tpu.memory_space<vmem>> -> memref<320xi32, #tpu.memory_space<vmem>>
        %dma_start3A_866 = tpu.memref_slice %arg7[%mul3A_806] : memref<327680xi32, #tpu.memory_space<hbm>> -> memref<320xi32, #tpu.memory_space<hbm>>
        tpu.enqueue_dma source(%dma_start3A_866 : memref<320xi32, #tpu.memory_space<hbm>>) target(%dma_start3A_865 : memref<320xi32, #tpu.memory_space<vmem>>) target_semaphore(%arg33 : memref<!tpu.dma_semaphore, #tpu.memory_space<semaphore_mem>>)
      } else {
      }
      %mul3A_527 = arith.constant 640 : i32
      %mul3A_528 = arith.muli %and3A_405, %mul3A_527 : i32
      %add3A_529 = arith.constant 0 : i32
      %add3A_530 = arith.addi %mul3A_528, %add3A_529 : i32
      %add3A_531 = arith.constant 0 : i32
      %add3A_532 = arith.addi %add3A_530, %add3A_531 : i32
      %add3A_533 = arith.constant 0 : i32
      %add3A_534 = arith.addi %mul3A_528, %add3A_533 : i32
      %add3A_535 = arith.constant 0 : i32
      %add3A_536 = arith.addi %add3A_534, %add3A_535 : i32
      %add3A_537 = arith.constant 0 : i32
      %add3A_538 = arith.addi %mul3A_528, %add3A_537 : i32
      %add3A_539 = arith.constant 0 : i32
      %add3A_540 = arith.addi %add3A_538, %add3A_539 : i32
      %dma_wait3A_541 = arith.constant 0 : i32
      %dma_wait3A_542 = arith.constant 0 : i32
      %dma_wait3A_543 = tpu.memref_slice %arg17[%dma_wait3A_541, %dma_wait3A_542] : memref<640x128xf32, #tpu.memory_space<vmem>> -> memref<80x128xf32, #tpu.memory_space<vmem>>
      %dma_wait3A_544 = tpu.memref_slice %arg23[%add3A_532] : memref<1280xi32, #tpu.memory_space<vmem>> -> memref<80xi32, #tpu.memory_space<vmem>>
      %dma_wait3A_545 = arith.constant 0 : i32
      %dma_wait3A_546 = arith.constant 0 : i32
      %dma_wait3A_547 = tpu.memref_slice %arg14[%dma_wait3A_545, %dma_wait3A_546] : memref<250000x128xf32, #tpu.memory_space<hbm>> -> memref<250000x128xf32, #tpu.memory_space<hbm>>
      tpu.wait_indirect_dma semaphore(%arg34 : memref<!tpu.dma_semaphore, #tpu.memory_space<semaphore_mem>>) src(%dma_wait3A_547 : memref<250000x128xf32, #tpu.memory_space<hbm>>) dst(%dma_wait3A_543 : memref<80x128xf32, #tpu.memory_space<vmem>>)
      %dma_wait3A_548 = arith.constant 0 : i32
      %dma_wait3A_549 = tpu.memref_slice %arg18[%dma_wait3A_548] : memref<640xf32, #tpu.memory_space<vmem>> -> memref<80xf32, #tpu.memory_space<vmem>>
      %dma_wait3A_550 = tpu.memref_slice %arg25[%add3A_536] : memref<1280xi32, #tpu.memory_space<vmem>> -> memref<80xi32, #tpu.memory_space<vmem>>
      %dma_wait3A_551 = arith.constant 0 : i32
      %dma_wait3A_552 = tpu.memref_slice %arg11[%dma_wait3A_551] : memref<1000000xf32, #tpu.memory_space<hbm>> -> memref<1000000xf32, #tpu.memory_space<hbm>>
      tpu.wait_indirect_dma semaphore(%arg34 : memref<!tpu.dma_semaphore, #tpu.memory_space<semaphore_mem>>) src(%dma_wait3A_552 : memref<1000000xf32, #tpu.memory_space<hbm>>) dst(%dma_wait3A_549 : memref<80xf32, #tpu.memory_space<vmem>>)
      %dma_wait3A_553 = arith.constant 0 : i32
      %dma_wait3A_554 = tpu.memref_slice %arg19[%dma_wait3A_553] : memref<640xf32, #tpu.memory_space<vmem>> -> memref<80xf32, #tpu.memory_space<vmem>>
      %dma_wait3A_555 = tpu.memref_slice %arg26[%add3A_540] : memref<1280xi32, #tpu.memory_space<vmem>> -> memref<80xi32, #tpu.memory_space<vmem>>
      %dma_wait3A_556 = arith.constant 0 : i32
      %dma_wait3A_557 = tpu.memref_slice %arg12[%dma_wait3A_556] : memref<1000000xf32, #tpu.memory_space<hbm>> -> memref<1000000xf32, #tpu.memory_space<hbm>>
      tpu.wait_indirect_dma semaphore(%arg34 : memref<!tpu.dma_semaphore, #tpu.memory_space<semaphore_mem>>) src(%dma_wait3A_557 : memref<1000000xf32, #tpu.memory_space<hbm>>) dst(%dma_wait3A_554 : memref<80xf32, #tpu.memory_space<vmem>>)
      %add3A_558 = arith.constant 0 : i32
      %add3A_559 = arith.addi %mul3A_528, %add3A_558 : i32
      %add3A_560 = arith.constant 80 : i32
      %add3A_561 = arith.addi %add3A_559, %add3A_560 : i32
      %add3A_562 = arith.constant 0 : i32
      %add3A_563 = arith.addi %mul3A_528, %add3A_562 : i32
      %add3A_564 = arith.constant 80 : i32
      %add3A_565 = arith.addi %add3A_563, %add3A_564 : i32
      %add3A_566 = arith.constant 0 : i32
      %add3A_567 = arith.addi %mul3A_528, %add3A_566 : i32
      %add3A_568 = arith.constant 80 : i32
      %add3A_569 = arith.addi %add3A_567, %add3A_568 : i32
      %dma_wait3A_570 = arith.constant 80 : i32
      %dma_wait3A_571 = arith.constant 0 : i32
      %dma_wait3A_572 = tpu.memref_slice %arg17[%dma_wait3A_570, %dma_wait3A_571] : memref<640x128xf32, #tpu.memory_space<vmem>> -> memref<80x128xf32, #tpu.memory_space<vmem>>
      %dma_wait3A_573 = tpu.memref_slice %arg23[%add3A_561] : memref<1280xi32, #tpu.memory_space<vmem>> -> memref<80xi32, #tpu.memory_space<vmem>>
      %dma_wait3A_574 = arith.constant 0 : i32
      %dma_wait3A_575 = arith.constant 0 : i32
      %dma_wait3A_576 = tpu.memref_slice %arg14[%dma_wait3A_574, %dma_wait3A_575] : memref<250000x128xf32, #tpu.memory_space<hbm>> -> memref<250000x128xf32, #tpu.memory_space<hbm>>
      tpu.wait_indirect_dma semaphore(%arg34 : memref<!tpu.dma_semaphore, #tpu.memory_space<semaphore_mem>>) src(%dma_wait3A_576 : memref<250000x128xf32, #tpu.memory_space<hbm>>) dst(%dma_wait3A_572 : memref<80x128xf32, #tpu.memory_space<vmem>>)
      %dma_wait3A_577 = arith.constant 80 : i32
      %dma_wait3A_578 = tpu.memref_slice %arg18[%dma_wait3A_577] : memref<640xf32, #tpu.memory_space<vmem>> -> memref<80xf32, #tpu.memory_space<vmem>>
      %dma_wait3A_579 = tpu.memref_slice %arg25[%add3A_565] : memref<1280xi32, #tpu.memory_space<vmem>> -> memref<80xi32, #tpu.memory_space<vmem>>
      %dma_wait3A_580 = arith.constant 0 : i32
      %dma_wait3A_581 = tpu.memref_slice %arg11[%dma_wait3A_580] : memref<1000000xf32, #tpu.memory_space<hbm>> -> memref<1000000xf32, #tpu.memory_space<hbm>>
      tpu.wait_indirect_dma semaphore(%arg34 : memref<!tpu.dma_semaphore, #tpu.memory_space<semaphore_mem>>) src(%dma_wait3A_581 : memref<1000000xf32, #tpu.memory_space<hbm>>) dst(%dma_wait3A_578 : memref<80xf32, #tpu.memory_space<vmem>>)
      %dma_wait3A_582 = arith.constant 80 : i32
      %dma_wait3A_583 = tpu.memref_slice %arg19[%dma_wait3A_582] : memref<640xf32, #tpu.memory_space<vmem>> -> memref<80xf32, #tpu.memory_space<vmem>>
      %dma_wait3A_584 = tpu.memref_slice %arg26[%add3A_569] : memref<1280xi32, #tpu.memory_space<vmem>> -> memref<80xi32, #tpu.memory_space<vmem>>
      %dma_wait3A_585 = arith.constant 0 : i32
      %dma_wait3A_586 = tpu.memref_slice %arg12[%dma_wait3A_585] : memref<1000000xf32, #tpu.memory_space<hbm>> -> memref<1000000xf32, #tpu.memory_space<hbm>>
      tpu.wait_indirect_dma semaphore(%arg34 : memref<!tpu.dma_semaphore, #tpu.memory_space<semaphore_mem>>) src(%dma_wait3A_586 : memref<1000000xf32, #tpu.memory_space<hbm>>) dst(%dma_wait3A_583 : memref<80xf32, #tpu.memory_space<vmem>>)
      %add3A_587 = arith.constant 0 : i32
      %add3A_588 = arith.addi %mul3A_528, %add3A_587 : i32
      %add3A_589 = arith.constant 160 : i32
      %add3A_590 = arith.addi %add3A_588, %add3A_589 : i32
      %add3A_591 = arith.constant 0 : i32
      %add3A_592 = arith.addi %mul3A_528, %add3A_591 : i32
      %add3A_593 = arith.constant 160 : i32
      %add3A_594 = arith.addi %add3A_592, %add3A_593 : i32
      %add3A_595 = arith.constant 0 : i32
      %add3A_596 = arith.addi %mul3A_528, %add3A_595 : i32
      %add3A_597 = arith.constant 160 : i32
      %add3A_598 = arith.addi %add3A_596, %add3A_597 : i32
      %dma_wait3A_599 = arith.constant 160 : i32
      %dma_wait3A_600 = arith.constant 0 : i32
      %dma_wait3A_601 = tpu.memref_slice %arg17[%dma_wait3A_599, %dma_wait3A_600] : memref<640x128xf32, #tpu.memory_space<vmem>> -> memref<80x128xf32, #tpu.memory_space<vmem>>
      %dma_wait3A_602 = tpu.memref_slice %arg23[%add3A_590] : memref<1280xi32, #tpu.memory_space<vmem>> -> memref<80xi32, #tpu.memory_space<vmem>>
      %dma_wait3A_603 = arith.constant 0 : i32
      %dma_wait3A_604 = arith.constant 0 : i32
      %dma_wait3A_605 = tpu.memref_slice %arg14[%dma_wait3A_603, %dma_wait3A_604] : memref<250000x128xf32, #tpu.memory_space<hbm>> -> memref<250000x128xf32, #tpu.memory_space<hbm>>
      tpu.wait_indirect_dma semaphore(%arg34 : memref<!tpu.dma_semaphore, #tpu.memory_space<semaphore_mem>>) src(%dma_wait3A_605 : memref<250000x128xf32, #tpu.memory_space<hbm>>) dst(%dma_wait3A_601 : memref<80x128xf32, #tpu.memory_space<vmem>>)
      %dma_wait3A_606 = arith.constant 160 : i32
      %dma_wait3A_607 = tpu.memref_slice %arg18[%dma_wait3A_606] : memref<640xf32, #tpu.memory_space<vmem>> -> memref<80xf32, #tpu.memory_space<vmem>>
      %dma_wait3A_608 = tpu.memref_slice %arg25[%add3A_594] : memref<1280xi32, #tpu.memory_space<vmem>> -> memref<80xi32, #tpu.memory_space<vmem>>
      %dma_wait3A_609 = arith.constant 0 : i32
      %dma_wait3A_610 = tpu.memref_slice %arg11[%dma_wait3A_609] : memref<1000000xf32, #tpu.memory_space<hbm>> -> memref<1000000xf32, #tpu.memory_space<hbm>>
      tpu.wait_indirect_dma semaphore(%arg34 : memref<!tpu.dma_semaphore, #tpu.memory_space<semaphore_mem>>) src(%dma_wait3A_610 : memref<1000000xf32, #tpu.memory_space<hbm>>) dst(%dma_wait3A_607 : memref<80xf32, #tpu.memory_space<vmem>>)
      %dma_wait3A_611 = arith.constant 160 : i32
      %dma_wait3A_612 = tpu.memref_slice %arg19[%dma_wait3A_611] : memref<640xf32, #tpu.memory_space<vmem>> -> memref<80xf32, #tpu.memory_space<vmem>>
      %dma_wait3A_613 = tpu.memref_slice %arg26[%add3A_598] : memref<1280xi32, #tpu.memory_space<vmem>> -> memref<80xi32, #tpu.memory_space<vmem>>
      %dma_wait3A_614 = arith.constant 0 : i32
      %dma_wait3A_615 = tpu.memref_slice %arg12[%dma_wait3A_614] : memref<1000000xf32, #tpu.memory_space<hbm>> -> memref<1000000xf32, #tpu.memory_space<hbm>>
      tpu.wait_indirect_dma semaphore(%arg34 : memref<!tpu.dma_semaphore, #tpu.memory_space<semaphore_mem>>) src(%dma_wait3A_615 : memref<1000000xf32, #tpu.memory_space<hbm>>) dst(%dma_wait3A_612 : memref<80xf32, #tpu.memory_space<vmem>>)
      %add3A_616 = arith.constant 0 : i32
      %add3A_617 = arith.addi %mul3A_528, %add3A_616 : i32
      %add3A_618 = arith.constant 240 : i32
      %add3A_619 = arith.addi %add3A_617, %add3A_618 : i32
      %add3A_620 = arith.constant 0 : i32
      %add3A_621 = arith.addi %mul3A_528, %add3A_620 : i32
      %add3A_622 = arith.constant 240 : i32
      %add3A_623 = arith.addi %add3A_621, %add3A_622 : i32
      %add3A_624 = arith.constant 0 : i32
      %add3A_625 = arith.addi %mul3A_528, %add3A_624 : i32
      %add3A_626 = arith.constant 240 : i32
      %add3A_627 = arith.addi %add3A_625, %add3A_626 : i32
      %dma_wait3A_628 = arith.constant 240 : i32
      %dma_wait3A_629 = arith.constant 0 : i32
      %dma_wait3A_630 = tpu.memref_slice %arg17[%dma_wait3A_628, %dma_wait3A_629] : memref<640x128xf32, #tpu.memory_space<vmem>> -> memref<80x128xf32, #tpu.memory_space<vmem>>
      %dma_wait3A_631 = tpu.memref_slice %arg23[%add3A_619] : memref<1280xi32, #tpu.memory_space<vmem>> -> memref<80xi32, #tpu.memory_space<vmem>>
      %dma_wait3A_632 = arith.constant 0 : i32
      %dma_wait3A_633 = arith.constant 0 : i32
      %dma_wait3A_634 = tpu.memref_slice %arg14[%dma_wait3A_632, %dma_wait3A_633] : memref<250000x128xf32, #tpu.memory_space<hbm>> -> memref<250000x128xf32, #tpu.memory_space<hbm>>
      tpu.wait_indirect_dma semaphore(%arg34 : memref<!tpu.dma_semaphore, #tpu.memory_space<semaphore_mem>>) src(%dma_wait3A_634 : memref<250000x128xf32, #tpu.memory_space<hbm>>) dst(%dma_wait3A_630 : memref<80x128xf32, #tpu.memory_space<vmem>>)
      %dma_wait3A_635 = arith.constant 240 : i32
      %dma_wait3A_636 = tpu.memref_slice %arg18[%dma_wait3A_635] : memref<640xf32, #tpu.memory_space<vmem>> -> memref<80xf32, #tpu.memory_space<vmem>>
      %dma_wait3A_637 = tpu.memref_slice %arg25[%add3A_623] : memref<1280xi32, #tpu.memory_space<vmem>> -> memref<80xi32, #tpu.memory_space<vmem>>
      %dma_wait3A_638 = arith.constant 0 : i32
      %dma_wait3A_639 = tpu.memref_slice %arg11[%dma_wait3A_638] : memref<1000000xf32, #tpu.memory_space<hbm>> -> memref<1000000xf32, #tpu.memory_space<hbm>>
      tpu.wait_indirect_dma semaphore(%arg34 : memref<!tpu.dma_semaphore, #tpu.memory_space<semaphore_mem>>) src(%dma_wait3A_639 : memref<1000000xf32, #tpu.memory_space<hbm>>) dst(%dma_wait3A_636 : memref<80xf32, #tpu.memory_space<vmem>>)
      %dma_wait3A_640 = arith.constant 240 : i32
      %dma_wait3A_641 = tpu.memref_slice %arg19[%dma_wait3A_640] : memref<640xf32, #tpu.memory_space<vmem>> -> memref<80xf32, #tpu.memory_space<vmem>>
      %dma_wait3A_642 = tpu.memref_slice %arg26[%add3A_627] : memref<1280xi32, #tpu.memory_space<vmem>> -> memref<80xi32, #tpu.memory_space<vmem>>
      %dma_wait3A_643 = arith.constant 0 : i32
      %dma_wait3A_644 = tpu.memref_slice %arg12[%dma_wait3A_643] : memref<1000000xf32, #tpu.memory_space<hbm>> -> memref<1000000xf32, #tpu.memory_space<hbm>>
      tpu.wait_indirect_dma semaphore(%arg34 : memref<!tpu.dma_semaphore, #tpu.memory_space<semaphore_mem>>) src(%dma_wait3A_644 : memref<1000000xf32, #tpu.memory_space<hbm>>) dst(%dma_wait3A_641 : memref<80xf32, #tpu.memory_space<vmem>>)
      %mul3A_645 = arith.constant 32 : i32
      %mul3A_646 = arith.muli %scan3A_403, %mul3A_645 : i32
      %get3A_647 = arith.index_cast %mul3A_646 : i32 to index
      %get3A_648 = tpu.vector_load %arg27[%get3A_647] {strides = array<i32>} : memref<2048xf32, #tpu.memory_space<vmem>>, vector<16xf32>,
      %mul3A_649 = arith.constant 32 : i32
      %mul3A_650 = arith.muli %scan3A_403, %mul3A_649 : i32
      %add3A_651 = arith.constant 16 : i32
      %add3A_652 = arith.addi %mul3A_650, %add3A_651 : i32
      %get3A_653 = arith.index_cast %add3A_652 : i32 to index
      %get3A_654 = tpu.vector_load %arg27[%get3A_653] {strides = array<i32>} : memref<2048xf32, #tpu.memory_space<vmem>>, vector<16xf32>,
      %scan3A_655 = arith.constant 0 : i32
      %scan3A_656 = arith.constant 20 : i32
      %scan3A_657 = arith.addi %scan3A_655, %scan3A_656 : i32
      %scan3A_658 = arith.constant 1 : i32
      %scan3A_659:2 = scf.for %scan3A_800 = %scan3A_655 to %scan3A_657 step %scan3A_658 iter_args(%scan3A_801 = %get3A_648, %scan3A_802 = %get3A_654) -> (vector<16xf32>, vector<16xf32>)  : i32 {
        %mul3A_803 = arith.constant 16 : i32
        %mul3A_804 = arith.muli %scan3A_800, %mul3A_803 : i32
        %add3A_805 = arith.constant 0 : i32
        %add3A_806 = arith.addi %add3A_805, %mul3A_804 : i32
        %get3A_807 = arith.index_cast %add3A_806 : i32 to index
        %get3A_808 = tpu.vector_load %arg18[%get3A_807] {strides = array<i32>} : memref<640xf32, #tpu.memory_space<vmem>>, vector<16xf32>,
        %add3A_809 = arith.constant 0 : i32
        %add3A_810 = arith.addi %add3A_809, %mul3A_804 : i32
        %get3A_811 = arith.index_cast %add3A_810 : i32 to index
        %get3A_812 = tpu.vector_load %arg19[%get3A_811] {strides = array<i32>} : memref<640xf32, #tpu.memory_space<vmem>>, vector<16xf32>,
        %mul3A_813 = arith.constant 1920 : i32
        %mul3A_814 = arith.muli %and3A_405, %mul3A_813 : i32
        %add3A_815 = arith.constant 0 : i32
        %add3A_816 = arith.addi %mul3A_814, %add3A_815 : i32
        %add3A_817 = arith.constant 640 : i32
        %add3A_818 = arith.addi %add3A_816, %add3A_817 : i32
        %add3A_819 = arith.addi %add3A_818, %mul3A_804 : i32
        %get3A_820 = arith.index_cast %add3A_819 : i32 to index
        %get3A_821 = tpu.vector_load %arg16[%get3A_820] {strides = array<i32>} : memref<3840xi32, #tpu.memory_space<vmem>>, vector<16xi32>,
        %gather3A = tpu.vector_load_idx %arg20[%get3A_821] : memref<1024xf32, #tpu.memory_space<vmem>>[vector<16xi32>], vector<16xf32>,
        %add3A_822 = arith.addf %get3A_808, %gather3A : vector<16xf32>
        %add3A_823 = arith.addf %add3A_822, %get3A_812 : vector<16xf32>
        %add3A_824 = arith.addf %add3A_823, %get3A_43 : vector<16xf32>
        %neg3A_825 = arith.constant 0.000000e+00 : f32
        %neg3A_826 = vector.broadcast %neg3A_825 : f32 to vector<16xf32>
        %neg3A_827 = arith.subf %neg3A_826, %add3A_824 : vector<16xf32>
        %exp3A_828 = math.exp %neg3A_827 : vector<16xf32>
        %add3A_829 = arith.constant 1.000000e+00 : f32
        %add3A_830 = vector.broadcast %add3A_829 : f32 to vector<16xf32>
        %add3A_831 = arith.addf %add3A_830, %exp3A_828 : vector<16xf32>
        %div3A_832 = arith.constant 1.000000e+00 : f32
        %div3A_833 = vector.broadcast %div3A_832 : f32 to vector<16xf32>
        %div3A_834 = arith.divf %div3A_833, %add3A_831 : vector<16xf32>
        %exp3A_835 = math.exp %div3A_834 : vector<16xf32>
        %reduce_sum3A = arith.constant true
        %reduce_sum3A_836 = vector.broadcast %reduce_sum3A : i1 to vector<16xi1>
        %reduce_sum3A_837 = tpu.scan <sum>, %exp3A_835 masked %reduce_sum3A_836 : vector<16xf32>, vector<16xi1> -> vector<16xf32>
        %reduce_sum3A_838 = vector.extract %reduce_sum3A_837[15] : f32 from vector<16xf32>
        %div3A_839 = vector.broadcast %reduce_sum3A_838 : f32 to vector<16xf32>
        %div3A_840 = arith.divf %exp3A_835, %div3A_839 : vector<16xf32>
        %swap3A_841 = arith.constant 0 : index
        %swap3A_842 = tpu.vector_load %arg29[%swap3A_841] {strides = array<i32>} : memref<16xf32, #tpu.memory_space<vmem>>, vector<16xf32>,
        tpu.vector_store %arg29[%swap3A_841], %div3A_840 {strides = array<i32>} : memref<16xf32, #tpu.memory_space<vmem>>, vector<16xf32>,
        %mul3A_843 = arith.constant 640 : i32
        %mul3A_844 = arith.muli %and3A_405, %mul3A_843 : i32
        %add3A_845 = arith.constant 0 : i32
        %add3A_846 = arith.addi %mul3A_844, %add3A_845 : i32
        %add3A_847 = arith.addi %add3A_846, %mul3A_804 : i32
        %get3A_848 = arith.index_cast %add3A_847 : i32 to index
        %get3A_849 = tpu.vector_load %arg24[%get3A_848] {strides = array<i32>} : memref<1280xi32, #tpu.memory_space<vmem>>, vector<16xi32>,
        %swap3A_850 = arith.constant 0 : index
        %swap3A_851 = tpu.vector_load %arg30[%swap3A_850] {strides = array<i32>} : memref<16xi32, #tpu.memory_space<vmem>>, vector<16xi32>,
        tpu.vector_store %arg30[%swap3A_850], %get3A_849 {strides = array<i32>} : memref<16xi32, #tpu.memory_space<vmem>>, vector<16xi32>,
        %scan3A_852 = arith.constant 0 : i32
        %scan3A_853 = arith.constant 8 : i32
        %scan3A_854 = arith.addi %scan3A_852, %scan3A_853 : i32
        %scan3A_855 = arith.constant 1 : i32
        %scan3A_856:2 = scf.for %scan3A_858 = %scan3A_852 to %scan3A_854 step %scan3A_855 iter_args(%scan3A_859 = %scan3A_801, %scan3A_860 = %scan3A_802) -> (vector<16xf32>, vector<16xf32>)  : i32 {
          %mul3A_861 = arith.constant 2 : i32
          %mul3A_862 = arith.muli %scan3A_858, %mul3A_861 : i32
          %add3A_863 = arith.constant 0 : i32
          %add3A_864 = arith.addi %mul3A_862, %add3A_863 : i32
          %broadcast_in_dim3A_865 = vector.broadcast %add3A_864 : i32 to vector<16xi32>
          %gather3A_866 = tpu.vector_load_idx %arg29[%broadcast_in_dim3A_865] : memref<16xf32, #tpu.memory_space<vmem>>[vector<16xi32>], vector<16xf32>,
          %gather3A_867 = tpu.vector_load_idx %arg30[%broadcast_in_dim3A_865] : memref<16xi32, #tpu.memory_space<vmem>>[vector<16xi32>], vector<16xi32>,
          %add3A_868 = arith.addi %gather3A_867, %iota3A : vector<16xi32>
          %add3A_869 = arith.constant 0 : i32
          %add3A_870 = arith.addi %add3A_869, %mul3A_804 : i32
          %add3A_871 = arith.addi %add3A_870, %add3A_864 : i32
          %broadcast_in_dim3A_872 = vector.broadcast %add3A_871 : i32 to vector<16xi32>
          %gather3A_873 = tpu.vector_load_idx %arg17[%broadcast_in_dim3A_872, %add3A_868] : memref<640x128xf32, #tpu.memory_space<vmem>>[vector<16xi32>, vector<16xi32>], vector<16xf32>,
          %mul3A_874 = arith.mulf %gather3A_866, %gather3A_873 : vector<16xf32>
          %add3A_875 = arith.addf %scan3A_859, %mul3A_874 : vector<16xf32>
          %add3A_876 = arith.constant 16 : i32
          %add3A_877 = vector.broadcast %add3A_876 : i32 to vector<16xi32>
          %add3A_878 = arith.addi %add3A_868, %add3A_877 : vector<16xi32>
          %gather3A_879 = tpu.vector_load_idx %arg17[%broadcast_in_dim3A_872, %add3A_878] : memref<640x128xf32, #tpu.memory_space<vmem>>[vector<16xi32>, vector<16xi32>], vector<16xf32>,
          %mul3A_880 = arith.mulf %gather3A_866, %gather3A_879 : vector<16xf32>
          %add3A_881 = arith.addf %scan3A_860, %mul3A_880 : vector<16xf32>
          %mul3A_882 = arith.constant 2 : i32
          %mul3A_883 = arith.muli %scan3A_858, %mul3A_882 : i32
          %add3A_884 = arith.constant 1 : i32
          %add3A_885 = arith.addi %mul3A_883, %add3A_884 : i32
          %broadcast_in_dim3A_886 = vector.broadcast %add3A_885 : i32 to vector<16xi32>
          %gather3A_887 = tpu.vector_load_idx %arg29[%broadcast_in_dim3A_886] : memref<16xf32, #tpu.memory_space<vmem>>[vector<16xi32>], vector<16xf32>,
          %gather3A_888 = tpu.vector_load_idx %arg30[%broadcast_in_dim3A_886] : memref<16xi32, #tpu.memory_space<vmem>>[vector<16xi32>], vector<16xi32>,
          %add3A_889 = arith.addi %gather3A_888, %iota3A : vector<16xi32>
          %add3A_890 = arith.constant 0 : i32
          %add3A_891 = arith.addi %add3A_890, %mul3A_804 : i32
          %add3A_892 = arith.addi %add3A_891, %add3A_885 : i32
          %broadcast_in_dim3A_893 = vector.broadcast %add3A_892 : i32 to vector<16xi32>
          %gather3A_894 = tpu.vector_load_idx %arg17[%broadcast_in_dim3A_893, %add3A_889] : memref<640x128xf32, #tpu.memory_space<vmem>>[vector<16xi32>, vector<16xi32>], vector<16xf32>,
          %mul3A_895 = arith.mulf %gather3A_887, %gather3A_894 : vector<16xf32>
          %add3A_896 = arith.addf %add3A_875, %mul3A_895 : vector<16xf32>
          %add3A_897 = arith.constant 16 : i32
          %add3A_898 = vector.broadcast %add3A_897 : i32 to vector<16xi32>
          %add3A_899 = arith.addi %add3A_889, %add3A_898 : vector<16xi32>
          %gather3A_900 = tpu.vector_load_idx %arg17[%broadcast_in_dim3A_893, %add3A_899] : memref<640x128xf32, #tpu.memory_space<vmem>>[vector<16xi32>, vector<16xi32>], vector<16xf32>,
          %mul3A_901 = arith.mulf %gather3A_887, %gather3A_900 : vector<16xf32>
          %add3A_902 = arith.addf %add3A_881, %mul3A_901 : vector<16xf32>
          scf.yield %add3A_896, %add3A_902 : vector<16xf32>, vector<16xf32>
        }
        %scan3A_857 = arith.constant 8 : i32
        scf.yield %scan3A_856#0, %scan3A_856#1 : vector<16xf32>, vector<16xf32>
      }
      %scan3A_660 = arith.constant 20 : i32
      %lt3A_661 = arith.constant 31 : i32
      %lt3A_662 = arith.cmpi slt, %scan3A_403, %lt3A_661 : i32
      %convert_element_type3A_663 = arith.extui %lt3A_662 : i1 to i32
      %cond3A_664 = arith.constant 0 : i32
      %cond3A_665 = arith.cmpi ne, %convert_element_type3A_663, %cond3A_664 : i32
      scf.if %cond3A_665 {
        %add3A_800 = arith.constant 1 : i32
        %add3A_801 = arith.addi %scan3A_403, %add3A_800 : i32
        %mul3A_802 = arith.constant 32 : i32
        %mul3A_803 = arith.muli %add3A, %mul3A_802 : i32
        %add3A_804 = arith.addi %mul3A_803, %add3A_801 : i32
        %mul3A_805 = arith.constant 320 : i32
        %mul3A_806 = arith.muli %add3A_804, %mul3A_805 : i32
        %mul3A_807 = arith.constant 1920 : i32
        %mul3A_808 = arith.muli %sub3A_406, %mul3A_807 : i32
        %add3A_809 = arith.constant 0 : i32
        %add3A_810 = arith.addi %mul3A_808, %add3A_809 : i32
        %add3A_811 = arith.constant 0 : i32
        %add3A_812 = arith.addi %add3A_810, %add3A_811 : i32
        %dma_wait3A_813 = tpu.memref_slice %arg16[%add3A_812] : memref<3840xi32, #tpu.memory_space<vmem>> -> memref<320xi32, #tpu.memory_space<vmem>>
        %dma_wait3A_814 = tpu.memref_slice %arg2[%mul3A_806] : memref<327680xi32, #tpu.memory_space<hbm>> -> memref<320xi32, #tpu.memory_space<hbm>>
        %dma_wait3A_815 = tpu.memref_slice %arg16[%add3A_812] : memref<3840xi32, #tpu.memory_space<vmem>> -> memref<320xi32, #tpu.memory_space<vmem>>
        %dma_wait3A_816 = tpu.memref_slice %arg2[%mul3A_806] : memref<327680xi32, #tpu.memory_space<hbm>> -> memref<320xi32, #tpu.memory_space<hbm>>
        tpu.wait_dma2 semaphore(%arg33 : memref<!tpu.dma_semaphore, #tpu.memory_space<semaphore_mem>>) src(%dma_wait3A_816 : memref<320xi32, #tpu.memory_space<hbm>>) dst(%dma_wait3A_815 : memref<320xi32, #tpu.memory_space<vmem>>)
        %mul3A_817 = arith.constant 1920 : i32
        %mul3A_818 = arith.muli %sub3A_406, %mul3A_817 : i32
        %add3A_819 = arith.constant 0 : i32
        %add3A_820 = arith.addi %mul3A_818, %add3A_819 : i32
        %add3A_821 = arith.constant 320 : i32
        %add3A_822 = arith.addi %add3A_820, %add3A_821 : i32
        %dma_wait3A_823 = tpu.memref_slice %arg16[%add3A_822] : memref<3840xi32, #tpu.memory_space<vmem>> -> memref<320xi32, #tpu.memory_space<vmem>>
        %dma_wait3A_824 = tpu.memref_slice %arg3[%mul3A_806] : memref<327680xi32, #tpu.memory_space<hbm>> -> memref<320xi32, #tpu.memory_space<hbm>>
        %dma_wait3A_825 = tpu.memref_slice %arg16[%add3A_822] : memref<3840xi32, #tpu.memory_space<vmem>> -> memref<320xi32, #tpu.memory_space<vmem>>
        %dma_wait3A_826 = tpu.memref_slice %arg3[%mul3A_806] : memref<327680xi32, #tpu.memory_space<hbm>> -> memref<320xi32, #tpu.memory_space<hbm>>
        tpu.wait_dma2 semaphore(%arg33 : memref<!tpu.dma_semaphore, #tpu.memory_space<semaphore_mem>>) src(%dma_wait3A_826 : memref<320xi32, #tpu.memory_space<hbm>>) dst(%dma_wait3A_825 : memref<320xi32, #tpu.memory_space<vmem>>)
        %mul3A_827 = arith.constant 1920 : i32
        %mul3A_828 = arith.muli %sub3A_406, %mul3A_827 : i32
        %add3A_829 = arith.constant 0 : i32
        %add3A_830 = arith.addi %mul3A_828, %add3A_829 : i32
        %add3A_831 = arith.constant 640 : i32
        %add3A_832 = arith.addi %add3A_830, %add3A_831 : i32
        %dma_wait3A_833 = tpu.memref_slice %arg16[%add3A_832] : memref<3840xi32, #tpu.memory_space<vmem>> -> memref<320xi32, #tpu.memory_space<vmem>>
        %dma_wait3A_834 = tpu.memref_slice %arg4[%mul3A_806] : memref<327680xi32, #tpu.memory_space<hbm>> -> memref<320xi32, #tpu.memory_space<hbm>>
        %dma_wait3A_835 = tpu.memref_slice %arg16[%add3A_832] : memref<3840xi32, #tpu.memory_space<vmem>> -> memref<320xi32, #tpu.memory_space<vmem>>
        %dma_wait3A_836 = tpu.memref_slice %arg4[%mul3A_806] : memref<327680xi32, #tpu.memory_space<hbm>> -> memref<320xi32, #tpu.memory_space<hbm>>
        tpu.wait_dma2 semaphore(%arg33 : memref<!tpu.dma_semaphore, #tpu.memory_space<semaphore_mem>>) src(%dma_wait3A_836 : memref<320xi32, #tpu.memory_space<hbm>>) dst(%dma_wait3A_835 : memref<320xi32, #tpu.memory_space<vmem>>)
        %mul3A_837 = arith.constant 1920 : i32
        %mul3A_838 = arith.muli %sub3A_406, %mul3A_837 : i32
        %add3A_839 = arith.constant 960 : i32
        %add3A_840 = arith.addi %mul3A_838, %add3A_839 : i32
        %add3A_841 = arith.constant 0 : i32
        %add3A_842 = arith.addi %add3A_840, %add3A_841 : i32
        %dma_wait3A_843 = tpu.memref_slice %arg16[%add3A_842] : memref<3840xi32, #tpu.memory_space<vmem>> -> memref<320xi32, #tpu.memory_space<vmem>>
        %dma_wait3A_844 = tpu.memref_slice %arg5[%mul3A_806] : memref<327680xi32, #tpu.memory_space<hbm>> -> memref<320xi32, #tpu.memory_space<hbm>>
        %dma_wait3A_845 = tpu.memref_slice %arg16[%add3A_842] : memref<3840xi32, #tpu.memory_space<vmem>> -> memref<320xi32, #tpu.memory_space<vmem>>
        %dma_wait3A_846 = tpu.memref_slice %arg5[%mul3A_806] : memref<327680xi32, #tpu.memory_space<hbm>> -> memref<320xi32, #tpu.memory_space<hbm>>
        tpu.wait_dma2 semaphore(%arg33 : memref<!tpu.dma_semaphore, #tpu.memory_space<semaphore_mem>>) src(%dma_wait3A_846 : memref<320xi32, #tpu.memory_space<hbm>>) dst(%dma_wait3A_845 : memref<320xi32, #tpu.memory_space<vmem>>)
        %mul3A_847 = arith.constant 1920 : i32
        %mul3A_848 = arith.muli %sub3A_406, %mul3A_847 : i32
        %add3A_849 = arith.constant 960 : i32
        %add3A_850 = arith.addi %mul3A_848, %add3A_849 : i32
        %add3A_851 = arith.constant 320 : i32
        %add3A_852 = arith.addi %add3A_850, %add3A_851 : i32
        %dma_wait3A_853 = tpu.memref_slice %arg16[%add3A_852] : memref<3840xi32, #tpu.memory_space<vmem>> -> memref<320xi32, #tpu.memory_space<vmem>>
        %dma_wait3A_854 = tpu.memref_slice %arg6[%mul3A_806] : memref<327680xi32, #tpu.memory_space<hbm>> -> memref<320xi32, #tpu.memory_space<hbm>>
        %dma_wait3A_855 = tpu.memref_slice %arg16[%add3A_852] : memref<3840xi32, #tpu.memory_space<vmem>> -> memref<320xi32, #tpu.memory_space<vmem>>
        %dma_wait3A_856 = tpu.memref_slice %arg6[%mul3A_806] : memref<327680xi32, #tpu.memory_space<hbm>> -> memref<320xi32, #tpu.memory_space<hbm>>
        tpu.wait_dma2 semaphore(%arg33 : memref<!tpu.dma_semaphore, #tpu.memory_space<semaphore_mem>>) src(%dma_wait3A_856 : memref<320xi32, #tpu.memory_space<hbm>>) dst(%dma_wait3A_855 : memref<320xi32, #tpu.memory_space<vmem>>)
        %mul3A_857 = arith.constant 1920 : i32
        %mul3A_858 = arith.muli %sub3A_406, %mul3A_857 : i32
        %add3A_859 = arith.constant 960 : i32
        %add3A_860 = arith.addi %mul3A_858, %add3A_859 : i32
        %add3A_861 = arith.constant 640 : i32
        %add3A_862 = arith.addi %add3A_860, %add3A_861 : i32
        %dma_wait3A_863 = tpu.memref_slice %arg16[%add3A_862] : memref<3840xi32, #tpu.memory_space<vmem>> -> memref<320xi32, #tpu.memory_space<vmem>>
        %dma_wait3A_864 = tpu.memref_slice %arg7[%mul3A_806] : memref<327680xi32, #tpu.memory_space<hbm>> -> memref<320xi32, #tpu.memory_space<hbm>>
        %dma_wait3A_865 = tpu.memref_slice %arg16[%add3A_862] : memref<3840xi32, #tpu.memory_space<vmem>> -> memref<320xi32, #tpu.memory_space<vmem>>
        %dma_wait3A_866 = tpu.memref_slice %arg7[%mul3A_806] : memref<327680xi32, #tpu.memory_space<hbm>> -> memref<320xi32, #tpu.memory_space<hbm>>
        tpu.wait_dma2 semaphore(%arg33 : memref<!tpu.dma_semaphore, #tpu.memory_space<semaphore_mem>>) src(%dma_wait3A_866 : memref<320xi32, #tpu.memory_space<hbm>>) dst(%dma_wait3A_865 : memref<320xi32, #tpu.memory_space<vmem>>)
        %mul3A_867 = arith.constant 1920 : i32
        %mul3A_868 = arith.muli %sub3A_406, %mul3A_867 : i32
        %mul3A_869 = arith.constant 640 : i32
        %mul3A_870 = arith.muli %sub3A_406, %mul3A_869 : i32
        %scan3A_871 = arith.constant 0 : i32
        %scan3A_872 = arith.constant 0 : i32
        %scan3A_873 = arith.constant 40 : i32
        %scan3A_874 = arith.addi %scan3A_872, %scan3A_873 : i32
        %scan3A_875 = arith.constant 1 : i32
        scf.for %scan3A_995 = %scan3A_872 to %scan3A_874 step %scan3A_875  : i32 {
          %jit3A = arith.constant 20 : i32
          %div3A_996 = arith.divsi %scan3A_995, %jit3A : i32
          %sign3A = arith.constant 0 : i32
          %sign3A_997 = arith.cmpi sgt, %scan3A_995, %sign3A : i32
          %sign3A_998 = arith.extui %sign3A_997 : i1 to i32
          %sign3A_999 = arith.constant 0 : i32
          %sign3A_1000 = arith.cmpi slt, %scan3A_995, %sign3A_999 : i32
          %sign3A_1001 = arith.extui %sign3A_1000 : i1 to i32
          %sign3A_1002 = arith.subi %sign3A_998, %sign3A_1001 : i32
          %sign3A_1003 = arith.constant 0 : i32
          %sign3A_1004 = arith.cmpi sgt, %jit3A, %sign3A_1003 : i32
          %sign3A_1005 = arith.extui %sign3A_1004 : i1 to i32
          %sign3A_1006 = arith.constant 0 : i32
          %sign3A_1007 = arith.cmpi slt, %jit3A, %sign3A_1006 : i32
          %sign3A_1008 = arith.extui %sign3A_1007 : i1 to i32
          %sign3A_1009 = arith.subi %sign3A_1005, %sign3A_1008 : i32
          %ne3A = arith.cmpi ne, %sign3A_1002, %sign3A_1009 : i32
          %rem3A = arith.remsi %scan3A_995, %jit3A : i32
          %ne3A_1010 = arith.constant 0 : i32
          %ne3A_1011 = arith.cmpi ne, %rem3A, %ne3A_1010 : i32
          %and3A_1012 = arith.andi %ne3A, %ne3A_1011 : i1
          %sub3A_1013 = arith.constant 1 : i32
          %sub3A_1014 = arith.subi %div3A_996, %sub3A_1013 : i32
          %select_n3A = arith.select %and3A_1012, %sub3A_1014, %div3A_996 : i32
          %mul3A_1015 = arith.constant 20 : i32
          %mul3A_1016 = arith.muli %select_n3A, %mul3A_1015 : i32
          %sub3A_1017 = arith.subi %scan3A_995, %mul3A_1016 : i32
          %mul3A_1018 = arith.constant 960 : i32
          %mul3A_1019 = arith.muli %select_n3A, %mul3A_1018 : i32
          %add3A_1020 = arith.addi %mul3A_868, %mul3A_1019 : i32
          %add3A_1021 = arith.constant 320 : i32
          %add3A_1022 = arith.addi %add3A_1020, %add3A_1021 : i32
          %mul3A_1023 = arith.constant 16 : i32
          %mul3A_1024 = arith.muli %sub3A_1017, %mul3A_1023 : i32
          %add3A_1025 = arith.addi %add3A_1022, %mul3A_1024 : i32
          %get3A_1026 = arith.index_cast %add3A_1025 : i32 to index
          %get3A_1027 = tpu.vector_load %arg16[%get3A_1026] {strides = array<i32>} : memref<3840xi32, #tpu.memory_space<vmem>>, vector<16xi32>,
          %shift_right_logical3A_1028 = arith.constant 2 : i32
          %shift_right_logical3A_1029 = vector.broadcast %shift_right_logical3A_1028 : i32 to vector<16xi32>
          %shift_right_logical3A_1030 = arith.shrui %get3A_1027, %shift_right_logical3A_1029 : vector<16xi32>
          %mul3A_1031 = arith.constant 16 : i32
          %mul3A_1032 = arith.muli %scan3A_995, %mul3A_1031 : i32
          %add3A_1033 = arith.addi %mul3A_870, %mul3A_1032 : i32
          %swap3A_1034 = arith.index_cast %add3A_1033 : i32 to index
          %swap3A_1035 = tpu.vector_load %arg23[%swap3A_1034] {strides = array<i32>} : memref<1280xi32, #tpu.memory_space<vmem>>, vector<16xi32>,
          tpu.vector_store %arg23[%swap3A_1034], %shift_right_logical3A_1030 {strides = array<i32>} : memref<1280xi32, #tpu.memory_space<vmem>>, vector<16xi32>,
          %and3A_1036 = arith.andi %get3A_1027, %broadcast_in_dim3A_191 : vector<16xi32>
          %shift_left3A_1037 = arith.constant 5 : i32
          %shift_left3A_1038 = vector.broadcast %shift_left3A_1037 : i32 to vector<16xi32>
          %shift_left3A_1039 = arith.shli %and3A_1036, %shift_left3A_1038 : vector<16xi32>
          %mul3A_1040 = arith.constant 16 : i32
          %mul3A_1041 = arith.muli %scan3A_995, %mul3A_1040 : i32
          %add3A_1042 = arith.addi %mul3A_870, %mul3A_1041 : i32
          %swap3A_1043 = arith.index_cast %add3A_1042 : i32 to index
          %swap3A_1044 = tpu.vector_load %arg24[%swap3A_1043] {strides = array<i32>} : memref<1280xi32, #tpu.memory_space<vmem>>, vector<16xi32>,
          tpu.vector_store %arg24[%swap3A_1043], %shift_left3A_1039 {strides = array<i32>} : memref<1280xi32, #tpu.memory_space<vmem>>, vector<16xi32>,
          %and3A_1045 = arith.andi %get3A_1027, %broadcast_in_dim3A_191 : vector<16xi32>
          %mul3A_1046 = arith.muli %and3A_1045, %broadcast_in_dim3A_193 : vector<16xi32>
          %add3A_1047 = arith.addi %mul3A_1046, %shift_right_logical3A_1030 : vector<16xi32>
          %mul3A_1048 = arith.constant 16 : i32
          %mul3A_1049 = arith.muli %scan3A_995, %mul3A_1048 : i32
          %add3A_1050 = arith.addi %mul3A_870, %mul3A_1049 : i32
          %swap3A_1051 = arith.index_cast %add3A_1050 : i32 to index
          %swap3A_1052 = tpu.vector_load %arg26[%swap3A_1051] {strides = array<i32>} : memref<1280xi32, #tpu.memory_space<vmem>>, vector<16xi32>,
          tpu.vector_store %arg26[%swap3A_1051], %add3A_1047 {strides = array<i32>} : memref<1280xi32, #tpu.memory_space<vmem>>, vector<16xi32>,
          %mul3A_1053 = arith.constant 960 : i32
          %mul3A_1054 = arith.muli %select_n3A, %mul3A_1053 : i32
          %add3A_1055 = arith.addi %mul3A_868, %mul3A_1054 : i32
          %mul3A_1056 = arith.constant 16 : i32
          %mul3A_1057 = arith.muli %sub3A_1017, %mul3A_1056 : i32
          %add3A_1058 = arith.addi %add3A_1055, %mul3A_1057 : i32
          %get3A_1059 = arith.index_cast %add3A_1058 : i32 to index
          %get3A_1060 = tpu.vector_load %arg16[%get3A_1059] {strides = array<i32>} : memref<3840xi32, #tpu.memory_space<vmem>>, vector<16xi32>,
          %and3A_1061 = arith.andi %get3A_1060, %broadcast_in_dim3A_191 : vector<16xi32>
          %mul3A_1062 = arith.muli %and3A_1061, %broadcast_in_dim3A_193 : vector<16xi32>
          %shift_right_logical3A_1063 = arith.constant 2 : i32
          %shift_right_logical3A_1064 = vector.broadcast %shift_right_logical3A_1063 : i32 to vector<16xi32>
          %shift_right_logical3A_1065 = arith.shrui %get3A_1060, %shift_right_logical3A_1064 : vector<16xi32>
          %add3A_1066 = arith.addi %mul3A_1062, %shift_right_logical3A_1065 : vector<16xi32>
          %mul3A_1067 = arith.constant 16 : i32
          %mul3A_1068 = arith.muli %scan3A_995, %mul3A_1067 : i32
          %add3A_1069 = arith.addi %mul3A_870, %mul3A_1068 : i32
          %swap3A_1070 = arith.index_cast %add3A_1069 : i32 to index
          %swap3A_1071 = tpu.vector_load %arg25[%swap3A_1070] {strides = array<i32>} : memref<1280xi32, #tpu.memory_space<vmem>>, vector<16xi32>,
          tpu.vector_store %arg25[%swap3A_1070], %add3A_1066 {strides = array<i32>} : memref<1280xi32, #tpu.memory_space<vmem>>, vector<16xi32>,
        }
        %scan3A_876 = arith.constant 40 : i32
        %mul3A_877 = arith.constant 640 : i32
        %mul3A_878 = arith.muli %sub3A_406, %mul3A_877 : i32
        %add3A_879 = arith.constant 0 : i32
        %add3A_880 = arith.addi %mul3A_878, %add3A_879 : i32
        %add3A_881 = arith.constant 0 : i32
        %add3A_882 = arith.addi %add3A_880, %add3A_881 : i32
        %add3A_883 = arith.constant 0 : i32
        %add3A_884 = arith.addi %mul3A_878, %add3A_883 : i32
        %add3A_885 = arith.constant 0 : i32
        %add3A_886 = arith.addi %add3A_884, %add3A_885 : i32
        %add3A_887 = arith.constant 0 : i32
        %add3A_888 = arith.addi %mul3A_878, %add3A_887 : i32
        %add3A_889 = arith.constant 0 : i32
        %add3A_890 = arith.addi %add3A_888, %add3A_889 : i32
        %dma_start3A_891 = arith.constant 0 : i32
        %dma_start3A_892 = arith.constant 0 : i32
        %dma_start3A_893 = tpu.memref_slice %arg17[%dma_start3A_891, %dma_start3A_892] : memref<640x128xf32, #tpu.memory_space<vmem>> -> memref<80x128xf32, #tpu.memory_space<vmem>>
        %dma_start3A_894 = tpu.memref_slice %arg23[%add3A_882] : memref<1280xi32, #tpu.memory_space<vmem>> -> memref<80xi32, #tpu.memory_space<vmem>>
        %dma_start3A_895 = arith.constant 0 : i32
        %dma_start3A_896 = arith.constant 0 : i32
        %dma_start3A_897 = tpu.memref_slice %arg14[%dma_start3A_895, %dma_start3A_896] : memref<250000x128xf32, #tpu.memory_space<hbm>> -> memref<250000x128xf32, #tpu.memory_space<hbm>>
        tpu.enqueue_indirect_dma source(%dma_start3A_897 : memref<250000x128xf32, #tpu.memory_space<hbm>>) target(%dma_start3A_893 : memref<80x128xf32, #tpu.memory_space<vmem>>) offsets(%dma_start3A_894 : memref<80xi32, #tpu.memory_space<vmem>>) semaphore(%arg34 : memref<!tpu.dma_semaphore, #tpu.memory_space<semaphore_mem>>)
        %dma_start3A_898 = arith.constant 0 : i32
        %dma_start3A_899 = tpu.memref_slice %arg18[%dma_start3A_898] : memref<640xf32, #tpu.memory_space<vmem>> -> memref<80xf32, #tpu.memory_space<vmem>>
        %dma_start3A_900 = tpu.memref_slice %arg25[%add3A_886] : memref<1280xi32, #tpu.memory_space<vmem>> -> memref<80xi32, #tpu.memory_space<vmem>>
        %dma_start3A_901 = arith.constant 0 : i32
        %dma_start3A_902 = tpu.memref_slice %arg11[%dma_start3A_901] : memref<1000000xf32, #tpu.memory_space<hbm>> -> memref<1000000xf32, #tpu.memory_space<hbm>>
        tpu.enqueue_indirect_dma source(%dma_start3A_902 : memref<1000000xf32, #tpu.memory_space<hbm>>) target(%dma_start3A_899 : memref<80xf32, #tpu.memory_space<vmem>>) offsets(%dma_start3A_900 : memref<80xi32, #tpu.memory_space<vmem>>) semaphore(%arg34 : memref<!tpu.dma_semaphore, #tpu.memory_space<semaphore_mem>>)
        %dma_start3A_903 = arith.constant 0 : i32
        %dma_start3A_904 = tpu.memref_slice %arg19[%dma_start3A_903] : memref<640xf32, #tpu.memory_space<vmem>> -> memref<80xf32, #tpu.memory_space<vmem>>
        %dma_start3A_905 = tpu.memref_slice %arg26[%add3A_890] : memref<1280xi32, #tpu.memory_space<vmem>> -> memref<80xi32, #tpu.memory_space<vmem>>
        %dma_start3A_906 = arith.constant 0 : i32
        %dma_start3A_907 = tpu.memref_slice %arg12[%dma_start3A_906] : memref<1000000xf32, #tpu.memory_space<hbm>> -> memref<1000000xf32, #tpu.memory_space<hbm>>
        tpu.enqueue_indirect_dma source(%dma_start3A_907 : memref<1000000xf32, #tpu.memory_space<hbm>>) target(%dma_start3A_904 : memref<80xf32, #tpu.memory_space<vmem>>) offsets(%dma_start3A_905 : memref<80xi32, #tpu.memory_space<vmem>>) semaphore(%arg34 : memref<!tpu.dma_semaphore, #tpu.memory_space<semaphore_mem>>)
        %add3A_908 = arith.constant 0 : i32
        %add3A_909 = arith.addi %mul3A_878, %add3A_908 : i32
        %add3A_910 = arith.constant 80 : i32
        %add3A_911 = arith.addi %add3A_909, %add3A_910 : i32
        %add3A_912 = arith.constant 0 : i32
        %add3A_913 = arith.addi %mul3A_878, %add3A_912 : i32
        %add3A_914 = arith.constant 80 : i32
        %add3A_915 = arith.addi %add3A_913, %add3A_914 : i32
        %add3A_916 = arith.constant 0 : i32
        %add3A_917 = arith.addi %mul3A_878, %add3A_916 : i32
        %add3A_918 = arith.constant 80 : i32
        %add3A_919 = arith.addi %add3A_917, %add3A_918 : i32
        %dma_start3A_920 = arith.constant 80 : i32
        %dma_start3A_921 = arith.constant 0 : i32
        %dma_start3A_922 = tpu.memref_slice %arg17[%dma_start3A_920, %dma_start3A_921] : memref<640x128xf32, #tpu.memory_space<vmem>> -> memref<80x128xf32, #tpu.memory_space<vmem>>
        %dma_start3A_923 = tpu.memref_slice %arg23[%add3A_911] : memref<1280xi32, #tpu.memory_space<vmem>> -> memref<80xi32, #tpu.memory_space<vmem>>
        %dma_start3A_924 = arith.constant 0 : i32
        %dma_start3A_925 = arith.constant 0 : i32
        %dma_start3A_926 = tpu.memref_slice %arg14[%dma_start3A_924, %dma_start3A_925] : memref<250000x128xf32, #tpu.memory_space<hbm>> -> memref<250000x128xf32, #tpu.memory_space<hbm>>
        tpu.enqueue_indirect_dma source(%dma_start3A_926 : memref<250000x128xf32, #tpu.memory_space<hbm>>) target(%dma_start3A_922 : memref<80x128xf32, #tpu.memory_space<vmem>>) offsets(%dma_start3A_923 : memref<80xi32, #tpu.memory_space<vmem>>) semaphore(%arg34 : memref<!tpu.dma_semaphore, #tpu.memory_space<semaphore_mem>>)
        %dma_start3A_927 = arith.constant 80 : i32
        %dma_start3A_928 = tpu.memref_slice %arg18[%dma_start3A_927] : memref<640xf32, #tpu.memory_space<vmem>> -> memref<80xf32, #tpu.memory_space<vmem>>
        %dma_start3A_929 = tpu.memref_slice %arg25[%add3A_915] : memref<1280xi32, #tpu.memory_space<vmem>> -> memref<80xi32, #tpu.memory_space<vmem>>
        %dma_start3A_930 = arith.constant 0 : i32
        %dma_start3A_931 = tpu.memref_slice %arg11[%dma_start3A_930] : memref<1000000xf32, #tpu.memory_space<hbm>> -> memref<1000000xf32, #tpu.memory_space<hbm>>
        tpu.enqueue_indirect_dma source(%dma_start3A_931 : memref<1000000xf32, #tpu.memory_space<hbm>>) target(%dma_start3A_928 : memref<80xf32, #tpu.memory_space<vmem>>) offsets(%dma_start3A_929 : memref<80xi32, #tpu.memory_space<vmem>>) semaphore(%arg34 : memref<!tpu.dma_semaphore, #tpu.memory_space<semaphore_mem>>)
        %dma_start3A_932 = arith.constant 80 : i32
        %dma_start3A_933 = tpu.memref_slice %arg19[%dma_start3A_932] : memref<640xf32, #tpu.memory_space<vmem>> -> memref<80xf32, #tpu.memory_space<vmem>>
        %dma_start3A_934 = tpu.memref_slice %arg26[%add3A_919] : memref<1280xi32, #tpu.memory_space<vmem>> -> memref<80xi32, #tpu.memory_space<vmem>>
        %dma_start3A_935 = arith.constant 0 : i32
        %dma_start3A_936 = tpu.memref_slice %arg12[%dma_start3A_935] : memref<1000000xf32, #tpu.memory_space<hbm>> -> memref<1000000xf32, #tpu.memory_space<hbm>>
        tpu.enqueue_indirect_dma source(%dma_start3A_936 : memref<1000000xf32, #tpu.memory_space<hbm>>) target(%dma_start3A_933 : memref<80xf32, #tpu.memory_space<vmem>>) offsets(%dma_start3A_934 : memref<80xi32, #tpu.memory_space<vmem>>) semaphore(%arg34 : memref<!tpu.dma_semaphore, #tpu.memory_space<semaphore_mem>>)
        %add3A_937 = arith.constant 0 : i32
        %add3A_938 = arith.addi %mul3A_878, %add3A_937 : i32
        %add3A_939 = arith.constant 160 : i32
        %add3A_940 = arith.addi %add3A_938, %add3A_939 : i32
        %add3A_941 = arith.constant 0 : i32
        %add3A_942 = arith.addi %mul3A_878, %add3A_941 : i32
        %add3A_943 = arith.constant 160 : i32
        %add3A_944 = arith.addi %add3A_942, %add3A_943 : i32
        %add3A_945 = arith.constant 0 : i32
        %add3A_946 = arith.addi %mul3A_878, %add3A_945 : i32
        %add3A_947 = arith.constant 160 : i32
        %add3A_948 = arith.addi %add3A_946, %add3A_947 : i32
        %dma_start3A_949 = arith.constant 160 : i32
        %dma_start3A_950 = arith.constant 0 : i32
        %dma_start3A_951 = tpu.memref_slice %arg17[%dma_start3A_949, %dma_start3A_950] : memref<640x128xf32, #tpu.memory_space<vmem>> -> memref<80x128xf32, #tpu.memory_space<vmem>>
        %dma_start3A_952 = tpu.memref_slice %arg23[%add3A_940] : memref<1280xi32, #tpu.memory_space<vmem>> -> memref<80xi32, #tpu.memory_space<vmem>>
        %dma_start3A_953 = arith.constant 0 : i32
        %dma_start3A_954 = arith.constant 0 : i32
        %dma_start3A_955 = tpu.memref_slice %arg14[%dma_start3A_953, %dma_start3A_954] : memref<250000x128xf32, #tpu.memory_space<hbm>> -> memref<250000x128xf32, #tpu.memory_space<hbm>>
        tpu.enqueue_indirect_dma source(%dma_start3A_955 : memref<250000x128xf32, #tpu.memory_space<hbm>>) target(%dma_start3A_951 : memref<80x128xf32, #tpu.memory_space<vmem>>) offsets(%dma_start3A_952 : memref<80xi32, #tpu.memory_space<vmem>>) semaphore(%arg34 : memref<!tpu.dma_semaphore, #tpu.memory_space<semaphore_mem>>)
        %dma_start3A_956 = arith.constant 160 : i32
        %dma_start3A_957 = tpu.memref_slice %arg18[%dma_start3A_956] : memref<640xf32, #tpu.memory_space<vmem>> -> memref<80xf32, #tpu.memory_space<vmem>>
        %dma_start3A_958 = tpu.memref_slice %arg25[%add3A_944] : memref<1280xi32, #tpu.memory_space<vmem>> -> memref<80xi32, #tpu.memory_space<vmem>>
        %dma_start3A_959 = arith.constant 0 : i32
        %dma_start3A_960 = tpu.memref_slice %arg11[%dma_start3A_959] : memref<1000000xf32, #tpu.memory_space<hbm>> -> memref<1000000xf32, #tpu.memory_space<hbm>>
        tpu.enqueue_indirect_dma source(%dma_start3A_960 : memref<1000000xf32, #tpu.memory_space<hbm>>) target(%dma_start3A_957 : memref<80xf32, #tpu.memory_space<vmem>>) offsets(%dma_start3A_958 : memref<80xi32, #tpu.memory_space<vmem>>) semaphore(%arg34 : memref<!tpu.dma_semaphore, #tpu.memory_space<semaphore_mem>>)
        %dma_start3A_961 = arith.constant 160 : i32
        %dma_start3A_962 = tpu.memref_slice %arg19[%dma_start3A_961] : memref<640xf32, #tpu.memory_space<vmem>> -> memref<80xf32, #tpu.memory_space<vmem>>
        %dma_start3A_963 = tpu.memref_slice %arg26[%add3A_948] : memref<1280xi32, #tpu.memory_space<vmem>> -> memref<80xi32, #tpu.memory_space<vmem>>
        %dma_start3A_964 = arith.constant 0 : i32
        %dma_start3A_965 = tpu.memref_slice %arg12[%dma_start3A_964] : memref<1000000xf32, #tpu.memory_space<hbm>> -> memref<1000000xf32, #tpu.memory_space<hbm>>
        tpu.enqueue_indirect_dma source(%dma_start3A_965 : memref<1000000xf32, #tpu.memory_space<hbm>>) target(%dma_start3A_962 : memref<80xf32, #tpu.memory_space<vmem>>) offsets(%dma_start3A_963 : memref<80xi32, #tpu.memory_space<vmem>>) semaphore(%arg34 : memref<!tpu.dma_semaphore, #tpu.memory_space<semaphore_mem>>)
        %add3A_966 = arith.constant 0 : i32
        %add3A_967 = arith.addi %mul3A_878, %add3A_966 : i32
        %add3A_968 = arith.constant 240 : i32
        %add3A_969 = arith.addi %add3A_967, %add3A_968 : i32
        %add3A_970 = arith.constant 0 : i32
        %add3A_971 = arith.addi %mul3A_878, %add3A_970 : i32
        %add3A_972 = arith.constant 240 : i32
        %add3A_973 = arith.addi %add3A_971, %add3A_972 : i32
        %add3A_974 = arith.constant 0 : i32
        %add3A_975 = arith.addi %mul3A_878, %add3A_974 : i32
        %add3A_976 = arith.constant 240 : i32
        %add3A_977 = arith.addi %add3A_975, %add3A_976 : i32
        %dma_start3A_978 = arith.constant 240 : i32
        %dma_start3A_979 = arith.constant 0 : i32
        %dma_start3A_980 = tpu.memref_slice %arg17[%dma_start3A_978, %dma_start3A_979] : memref<640x128xf32, #tpu.memory_space<vmem>> -> memref<80x128xf32, #tpu.memory_space<vmem>>
        %dma_start3A_981 = tpu.memref_slice %arg23[%add3A_969] : memref<1280xi32, #tpu.memory_space<vmem>> -> memref<80xi32, #tpu.memory_space<vmem>>
        %dma_start3A_982 = arith.constant 0 : i32
        %dma_start3A_983 = arith.constant 0 : i32
        %dma_start3A_984 = tpu.memref_slice %arg14[%dma_start3A_982, %dma_start3A_983] : memref<250000x128xf32, #tpu.memory_space<hbm>> -> memref<250000x128xf32, #tpu.memory_space<hbm>>
        tpu.enqueue_indirect_dma source(%dma_start3A_984 : memref<250000x128xf32, #tpu.memory_space<hbm>>) target(%dma_start3A_980 : memref<80x128xf32, #tpu.memory_space<vmem>>) offsets(%dma_start3A_981 : memref<80xi32, #tpu.memory_space<vmem>>) semaphore(%arg34 : memref<!tpu.dma_semaphore, #tpu.memory_space<semaphore_mem>>)
        %dma_start3A_985 = arith.constant 240 : i32
        %dma_start3A_986 = tpu.memref_slice %arg18[%dma_start3A_985] : memref<640xf32, #tpu.memory_space<vmem>> -> memref<80xf32, #tpu.memory_space<vmem>>
        %dma_start3A_987 = tpu.memref_slice %arg25[%add3A_973] : memref<1280xi32, #tpu.memory_space<vmem>> -> memref<80xi32, #tpu.memory_space<vmem>>
        %dma_start3A_988 = arith.constant 0 : i32
        %dma_start3A_989 = tpu.memref_slice %arg11[%dma_start3A_988] : memref<1000000xf32, #tpu.memory_space<hbm>> -> memref<1000000xf32, #tpu.memory_space<hbm>>
        tpu.enqueue_indirect_dma source(%dma_start3A_989 : memref<1000000xf32, #tpu.memory_space<hbm>>) target(%dma_start3A_986 : memref<80xf32, #tpu.memory_space<vmem>>) offsets(%dma_start3A_987 : memref<80xi32, #tpu.memory_space<vmem>>) semaphore(%arg34 : memref<!tpu.dma_semaphore, #tpu.memory_space<semaphore_mem>>)
        %dma_start3A_990 = arith.constant 240 : i32
        %dma_start3A_991 = tpu.memref_slice %arg19[%dma_start3A_990] : memref<640xf32, #tpu.memory_space<vmem>> -> memref<80xf32, #tpu.memory_space<vmem>>
        %dma_start3A_992 = tpu.memref_slice %arg26[%add3A_977] : memref<1280xi32, #tpu.memory_space<vmem>> -> memref<80xi32, #tpu.memory_space<vmem>>
        %dma_start3A_993 = arith.constant 0 : i32
        %dma_start3A_994 = tpu.memref_slice %arg12[%dma_start3A_993] : memref<1000000xf32, #tpu.memory_space<hbm>> -> memref<1000000xf32, #tpu.memory_space<hbm>>
        tpu.enqueue_indirect_dma source(%dma_start3A_994 : memref<1000000xf32, #tpu.memory_space<hbm>>) target(%dma_start3A_991 : memref<80xf32, #tpu.memory_space<vmem>>) offsets(%dma_start3A_992 : memref<80xi32, #tpu.memory_space<vmem>>) semaphore(%arg34 : memref<!tpu.dma_semaphore, #tpu.memory_space<semaphore_mem>>)
      } else {
      }
      %mul3A_666 = arith.constant 640 : i32
      %mul3A_667 = arith.muli %and3A_405, %mul3A_666 : i32
      %add3A_668 = arith.constant 320 : i32
      %add3A_669 = arith.addi %mul3A_667, %add3A_668 : i32
      %add3A_670 = arith.constant 0 : i32
      %add3A_671 = arith.addi %add3A_669, %add3A_670 : i32
      %add3A_672 = arith.constant 320 : i32
      %add3A_673 = arith.addi %mul3A_667, %add3A_672 : i32
      %add3A_674 = arith.constant 0 : i32
      %add3A_675 = arith.addi %add3A_673, %add3A_674 : i32
      %add3A_676 = arith.constant 320 : i32
      %add3A_677 = arith.addi %mul3A_667, %add3A_676 : i32
      %add3A_678 = arith.constant 0 : i32
      %add3A_679 = arith.addi %add3A_677, %add3A_678 : i32
      %dma_wait3A_680 = arith.constant 320 : i32
      %dma_wait3A_681 = arith.constant 0 : i32
      %dma_wait3A_682 = tpu.memref_slice %arg17[%dma_wait3A_680, %dma_wait3A_681] : memref<640x128xf32, #tpu.memory_space<vmem>> -> memref<80x128xf32, #tpu.memory_space<vmem>>
      %dma_wait3A_683 = tpu.memref_slice %arg23[%add3A_671] : memref<1280xi32, #tpu.memory_space<vmem>> -> memref<80xi32, #tpu.memory_space<vmem>>
      %dma_wait3A_684 = arith.constant 0 : i32
      %dma_wait3A_685 = arith.constant 0 : i32
      %dma_wait3A_686 = tpu.memref_slice %arg14[%dma_wait3A_684, %dma_wait3A_685] : memref<250000x128xf32, #tpu.memory_space<hbm>> -> memref<250000x128xf32, #tpu.memory_space<hbm>>
      tpu.wait_indirect_dma semaphore(%arg35 : memref<!tpu.dma_semaphore, #tpu.memory_space<semaphore_mem>>) src(%dma_wait3A_686 : memref<250000x128xf32, #tpu.memory_space<hbm>>) dst(%dma_wait3A_682 : memref<80x128xf32, #tpu.memory_space<vmem>>)
      %dma_wait3A_687 = arith.constant 320 : i32
      %dma_wait3A_688 = tpu.memref_slice %arg18[%dma_wait3A_687] : memref<640xf32, #tpu.memory_space<vmem>> -> memref<80xf32, #tpu.memory_space<vmem>>
      %dma_wait3A_689 = tpu.memref_slice %arg25[%add3A_675] : memref<1280xi32, #tpu.memory_space<vmem>> -> memref<80xi32, #tpu.memory_space<vmem>>
      %dma_wait3A_690 = arith.constant 0 : i32
      %dma_wait3A_691 = tpu.memref_slice %arg11[%dma_wait3A_690] : memref<1000000xf32, #tpu.memory_space<hbm>> -> memref<1000000xf32, #tpu.memory_space<hbm>>
      tpu.wait_indirect_dma semaphore(%arg35 : memref<!tpu.dma_semaphore, #tpu.memory_space<semaphore_mem>>) src(%dma_wait3A_691 : memref<1000000xf32, #tpu.memory_space<hbm>>) dst(%dma_wait3A_688 : memref<80xf32, #tpu.memory_space<vmem>>)
      %dma_wait3A_692 = arith.constant 320 : i32
      %dma_wait3A_693 = tpu.memref_slice %arg19[%dma_wait3A_692] : memref<640xf32, #tpu.memory_space<vmem>> -> memref<80xf32, #tpu.memory_space<vmem>>
      %dma_wait3A_694 = tpu.memref_slice %arg26[%add3A_679] : memref<1280xi32, #tpu.memory_space<vmem>> -> memref<80xi32, #tpu.memory_space<vmem>>
      %dma_wait3A_695 = arith.constant 0 : i32
      %dma_wait3A_696 = tpu.memref_slice %arg12[%dma_wait3A_695] : memref<1000000xf32, #tpu.memory_space<hbm>> -> memref<1000000xf32, #tpu.memory_space<hbm>>
      tpu.wait_indirect_dma semaphore(%arg35 : memref<!tpu.dma_semaphore, #tpu.memory_space<semaphore_mem>>) src(%dma_wait3A_696 : memref<1000000xf32, #tpu.memory_space<hbm>>) dst(%dma_wait3A_693 : memref<80xf32, #tpu.memory_space<vmem>>)
      %add3A_697 = arith.constant 320 : i32
      %add3A_698 = arith.addi %mul3A_667, %add3A_697 : i32
      %add3A_699 = arith.constant 80 : i32
      %add3A_700 = arith.addi %add3A_698, %add3A_699 : i32
      %add3A_701 = arith.constant 320 : i32
      %add3A_702 = arith.addi %mul3A_667, %add3A_701 : i32
      %add3A_703 = arith.constant 80 : i32
      %add3A_704 = arith.addi %add3A_702, %add3A_703 : i32
      %add3A_705 = arith.constant 320 : i32
      %add3A_706 = arith.addi %mul3A_667, %add3A_705 : i32
      %add3A_707 = arith.constant 80 : i32
      %add3A_708 = arith.addi %add3A_706, %add3A_707 : i32
      %dma_wait3A_709 = arith.constant 400 : i32
      %dma_wait3A_710 = arith.constant 0 : i32
      %dma_wait3A_711 = tpu.memref_slice %arg17[%dma_wait3A_709, %dma_wait3A_710] : memref<640x128xf32, #tpu.memory_space<vmem>> -> memref<80x128xf32, #tpu.memory_space<vmem>>
      %dma_wait3A_712 = tpu.memref_slice %arg23[%add3A_700] : memref<1280xi32, #tpu.memory_space<vmem>> -> memref<80xi32, #tpu.memory_space<vmem>>
      %dma_wait3A_713 = arith.constant 0 : i32
      %dma_wait3A_714 = arith.constant 0 : i32
      %dma_wait3A_715 = tpu.memref_slice %arg14[%dma_wait3A_713, %dma_wait3A_714] : memref<250000x128xf32, #tpu.memory_space<hbm>> -> memref<250000x128xf32, #tpu.memory_space<hbm>>
      tpu.wait_indirect_dma semaphore(%arg35 : memref<!tpu.dma_semaphore, #tpu.memory_space<semaphore_mem>>) src(%dma_wait3A_715 : memref<250000x128xf32, #tpu.memory_space<hbm>>) dst(%dma_wait3A_711 : memref<80x128xf32, #tpu.memory_space<vmem>>)
      %dma_wait3A_716 = arith.constant 400 : i32
      %dma_wait3A_717 = tpu.memref_slice %arg18[%dma_wait3A_716] : memref<640xf32, #tpu.memory_space<vmem>> -> memref<80xf32, #tpu.memory_space<vmem>>
      %dma_wait3A_718 = tpu.memref_slice %arg25[%add3A_704] : memref<1280xi32, #tpu.memory_space<vmem>> -> memref<80xi32, #tpu.memory_space<vmem>>
      %dma_wait3A_719 = arith.constant 0 : i32
      %dma_wait3A_720 = tpu.memref_slice %arg11[%dma_wait3A_719] : memref<1000000xf32, #tpu.memory_space<hbm>> -> memref<1000000xf32, #tpu.memory_space<hbm>>
      tpu.wait_indirect_dma semaphore(%arg35 : memref<!tpu.dma_semaphore, #tpu.memory_space<semaphore_mem>>) src(%dma_wait3A_720 : memref<1000000xf32, #tpu.memory_space<hbm>>) dst(%dma_wait3A_717 : memref<80xf32, #tpu.memory_space<vmem>>)
      %dma_wait3A_721 = arith.constant 400 : i32
      %dma_wait3A_722 = tpu.memref_slice %arg19[%dma_wait3A_721] : memref<640xf32, #tpu.memory_space<vmem>> -> memref<80xf32, #tpu.memory_space<vmem>>
      %dma_wait3A_723 = tpu.memref_slice %arg26[%add3A_708] : memref<1280xi32, #tpu.memory_space<vmem>> -> memref<80xi32, #tpu.memory_space<vmem>>
      %dma_wait3A_724 = arith.constant 0 : i32
      %dma_wait3A_725 = tpu.memref_slice %arg12[%dma_wait3A_724] : memref<1000000xf32, #tpu.memory_space<hbm>> -> memref<1000000xf32, #tpu.memory_space<hbm>>
      tpu.wait_indirect_dma semaphore(%arg35 : memref<!tpu.dma_semaphore, #tpu.memory_space<semaphore_mem>>) src(%dma_wait3A_725 : memref<1000000xf32, #tpu.memory_space<hbm>>) dst(%dma_wait3A_722 : memref<80xf32, #tpu.memory_space<vmem>>)
      %add3A_726 = arith.constant 320 : i32
      %add3A_727 = arith.addi %mul3A_667, %add3A_726 : i32
      %add3A_728 = arith.constant 160 : i32
      %add3A_729 = arith.addi %add3A_727, %add3A_728 : i32
      %add3A_730 = arith.constant 320 : i32
      %add3A_731 = arith.addi %mul3A_667, %add3A_730 : i32
      %add3A_732 = arith.constant 160 : i32
      %add3A_733 = arith.addi %add3A_731, %add3A_732 : i32
      %add3A_734 = arith.constant 320 : i32
      %add3A_735 = arith.addi %mul3A_667, %add3A_734 : i32
      %add3A_736 = arith.constant 160 : i32
      %add3A_737 = arith.addi %add3A_735, %add3A_736 : i32
      %dma_wait3A_738 = arith.constant 480 : i32
      %dma_wait3A_739 = arith.constant 0 : i32
      %dma_wait3A_740 = tpu.memref_slice %arg17[%dma_wait3A_738, %dma_wait3A_739] : memref<640x128xf32, #tpu.memory_space<vmem>> -> memref<80x128xf32, #tpu.memory_space<vmem>>
      %dma_wait3A_741 = tpu.memref_slice %arg23[%add3A_729] : memref<1280xi32, #tpu.memory_space<vmem>> -> memref<80xi32, #tpu.memory_space<vmem>>
      %dma_wait3A_742 = arith.constant 0 : i32
      %dma_wait3A_743 = arith.constant 0 : i32
      %dma_wait3A_744 = tpu.memref_slice %arg14[%dma_wait3A_742, %dma_wait3A_743] : memref<250000x128xf32, #tpu.memory_space<hbm>> -> memref<250000x128xf32, #tpu.memory_space<hbm>>
      tpu.wait_indirect_dma semaphore(%arg35 : memref<!tpu.dma_semaphore, #tpu.memory_space<semaphore_mem>>) src(%dma_wait3A_744 : memref<250000x128xf32, #tpu.memory_space<hbm>>) dst(%dma_wait3A_740 : memref<80x128xf32, #tpu.memory_space<vmem>>)
      %dma_wait3A_745 = arith.constant 480 : i32
      %dma_wait3A_746 = tpu.memref_slice %arg18[%dma_wait3A_745] : memref<640xf32, #tpu.memory_space<vmem>> -> memref<80xf32, #tpu.memory_space<vmem>>
      %dma_wait3A_747 = tpu.memref_slice %arg25[%add3A_733] : memref<1280xi32, #tpu.memory_space<vmem>> -> memref<80xi32, #tpu.memory_space<vmem>>
      %dma_wait3A_748 = arith.constant 0 : i32
      %dma_wait3A_749 = tpu.memref_slice %arg11[%dma_wait3A_748] : memref<1000000xf32, #tpu.memory_space<hbm>> -> memref<1000000xf32, #tpu.memory_space<hbm>>
      tpu.wait_indirect_dma semaphore(%arg35 : memref<!tpu.dma_semaphore, #tpu.memory_space<semaphore_mem>>) src(%dma_wait3A_749 : memref<1000000xf32, #tpu.memory_space<hbm>>) dst(%dma_wait3A_746 : memref<80xf32, #tpu.memory_space<vmem>>)
      %dma_wait3A_750 = arith.constant 480 : i32
      %dma_wait3A_751 = tpu.memref_slice %arg19[%dma_wait3A_750] : memref<640xf32, #tpu.memory_space<vmem>> -> memref<80xf32, #tpu.memory_space<vmem>>
      %dma_wait3A_752 = tpu.memref_slice %arg26[%add3A_737] : memref<1280xi32, #tpu.memory_space<vmem>> -> memref<80xi32, #tpu.memory_space<vmem>>
      %dma_wait3A_753 = arith.constant 0 : i32
      %dma_wait3A_754 = tpu.memref_slice %arg12[%dma_wait3A_753] : memref<1000000xf32, #tpu.memory_space<hbm>> -> memref<1000000xf32, #tpu.memory_space<hbm>>
      tpu.wait_indirect_dma semaphore(%arg35 : memref<!tpu.dma_semaphore, #tpu.memory_space<semaphore_mem>>) src(%dma_wait3A_754 : memref<1000000xf32, #tpu.memory_space<hbm>>) dst(%dma_wait3A_751 : memref<80xf32, #tpu.memory_space<vmem>>)
      %add3A_755 = arith.constant 320 : i32
      %add3A_756 = arith.addi %mul3A_667, %add3A_755 : i32
      %add3A_757 = arith.constant 240 : i32
      %add3A_758 = arith.addi %add3A_756, %add3A_757 : i32
      %add3A_759 = arith.constant 320 : i32
      %add3A_760 = arith.addi %mul3A_667, %add3A_759 : i32
      %add3A_761 = arith.constant 240 : i32
      %add3A_762 = arith.addi %add3A_760, %add3A_761 : i32
      %add3A_763 = arith.constant 320 : i32
      %add3A_764 = arith.addi %mul3A_667, %add3A_763 : i32
      %add3A_765 = arith.constant 240 : i32
      %add3A_766 = arith.addi %add3A_764, %add3A_765 : i32
      %dma_wait3A_767 = arith.constant 560 : i32
      %dma_wait3A_768 = arith.constant 0 : i32
      %dma_wait3A_769 = tpu.memref_slice %arg17[%dma_wait3A_767, %dma_wait3A_768] : memref<640x128xf32, #tpu.memory_space<vmem>> -> memref<80x128xf32, #tpu.memory_space<vmem>>
      %dma_wait3A_770 = tpu.memref_slice %arg23[%add3A_758] : memref<1280xi32, #tpu.memory_space<vmem>> -> memref<80xi32, #tpu.memory_space<vmem>>
      %dma_wait3A_771 = arith.constant 0 : i32
      %dma_wait3A_772 = arith.constant 0 : i32
      %dma_wait3A_773 = tpu.memref_slice %arg14[%dma_wait3A_771, %dma_wait3A_772] : memref<250000x128xf32, #tpu.memory_space<hbm>> -> memref<250000x128xf32, #tpu.memory_space<hbm>>
      tpu.wait_indirect_dma semaphore(%arg35 : memref<!tpu.dma_semaphore, #tpu.memory_space<semaphore_mem>>) src(%dma_wait3A_773 : memref<250000x128xf32, #tpu.memory_space<hbm>>) dst(%dma_wait3A_769 : memref<80x128xf32, #tpu.memory_space<vmem>>)
      %dma_wait3A_774 = arith.constant 560 : i32
      %dma_wait3A_775 = tpu.memref_slice %arg18[%dma_wait3A_774] : memref<640xf32, #tpu.memory_space<vmem>> -> memref<80xf32, #tpu.memory_space<vmem>>
      %dma_wait3A_776 = tpu.memref_slice %arg25[%add3A_762] : memref<1280xi32, #tpu.memory_space<vmem>> -> memref<80xi32, #tpu.memory_space<vmem>>
      %dma_wait3A_777 = arith.constant 0 : i32
      %dma_wait3A_778 = tpu.memref_slice %arg11[%dma_wait3A_777] : memref<1000000xf32, #tpu.memory_space<hbm>> -> memref<1000000xf32, #tpu.memory_space<hbm>>
      tpu.wait_indirect_dma semaphore(%arg35 : memref<!tpu.dma_semaphore, #tpu.memory_space<semaphore_mem>>) src(%dma_wait3A_778 : memref<1000000xf32, #tpu.memory_space<hbm>>) dst(%dma_wait3A_775 : memref<80xf32, #tpu.memory_space<vmem>>)
      %dma_wait3A_779 = arith.constant 560 : i32
      %dma_wait3A_780 = tpu.memref_slice %arg19[%dma_wait3A_779] : memref<640xf32, #tpu.memory_space<vmem>> -> memref<80xf32, #tpu.memory_space<vmem>>
      %dma_wait3A_781 = tpu.memref_slice %arg26[%add3A_766] : memref<1280xi32, #tpu.memory_space<vmem>> -> memref<80xi32, #tpu.memory_space<vmem>>
      %dma_wait3A_782 = arith.constant 0 : i32
      %dma_wait3A_783 = tpu.memref_slice %arg12[%dma_wait3A_782] : memref<1000000xf32, #tpu.memory_space<hbm>> -> memref<1000000xf32, #tpu.memory_space<hbm>>
      tpu.wait_indirect_dma semaphore(%arg35 : memref<!tpu.dma_semaphore, #tpu.memory_space<semaphore_mem>>) src(%dma_wait3A_783 : memref<1000000xf32, #tpu.memory_space<hbm>>) dst(%dma_wait3A_780 : memref<80xf32, #tpu.memory_space<vmem>>)
      %scan3A_784 = arith.constant 0 : i32
      %scan3A_785 = arith.constant 20 : i32
      %scan3A_786 = arith.addi %scan3A_784, %scan3A_785 : i32
      %scan3A_787 = arith.constant 1 : i32
      %scan3A_788:2 = scf.for %scan3A_800 = %scan3A_784 to %scan3A_786 step %scan3A_787 iter_args(%scan3A_801 = %scan3A_659#0, %scan3A_802 = %scan3A_659#1) -> (vector<16xf32>, vector<16xf32>)  : i32 {
        %mul3A_803 = arith.constant 16 : i32
        %mul3A_804 = arith.muli %scan3A_800, %mul3A_803 : i32
        %add3A_805 = arith.constant 320 : i32
        %add3A_806 = arith.addi %add3A_805, %mul3A_804 : i32
        %get3A_807 = arith.index_cast %add3A_806 : i32 to index
        %get3A_808 = tpu.vector_load %arg18[%get3A_807] {strides = array<i32>} : memref<640xf32, #tpu.memory_space<vmem>>, vector<16xf32>,
        %add3A_809 = arith.constant 320 : i32
        %add3A_810 = arith.addi %add3A_809, %mul3A_804 : i32
        %get3A_811 = arith.index_cast %add3A_810 : i32 to index
        %get3A_812 = tpu.vector_load %arg19[%get3A_811] {strides = array<i32>} : memref<640xf32, #tpu.memory_space<vmem>>, vector<16xf32>,
        %mul3A_813 = arith.constant 1920 : i32
        %mul3A_814 = arith.muli %and3A_405, %mul3A_813 : i32
        %add3A_815 = arith.constant 960 : i32
        %add3A_816 = arith.addi %mul3A_814, %add3A_815 : i32
        %add3A_817 = arith.constant 640 : i32
        %add3A_818 = arith.addi %add3A_816, %add3A_817 : i32
        %add3A_819 = arith.addi %add3A_818, %mul3A_804 : i32
        %get3A_820 = arith.index_cast %add3A_819 : i32 to index
        %get3A_821 = tpu.vector_load %arg16[%get3A_820] {strides = array<i32>} : memref<3840xi32, #tpu.memory_space<vmem>>, vector<16xi32>,
        %gather3A = tpu.vector_load_idx %arg20[%get3A_821] : memref<1024xf32, #tpu.memory_space<vmem>>[vector<16xi32>], vector<16xf32>,
        %add3A_822 = arith.addf %get3A_808, %gather3A : vector<16xf32>
        %add3A_823 = arith.addf %add3A_822, %get3A_812 : vector<16xf32>
        %add3A_824 = arith.addf %add3A_823, %get3A_43 : vector<16xf32>
        %neg3A_825 = arith.constant 0.000000e+00 : f32
        %neg3A_826 = vector.broadcast %neg3A_825 : f32 to vector<16xf32>
        %neg3A_827 = arith.subf %neg3A_826, %add3A_824 : vector<16xf32>
        %exp3A_828 = math.exp %neg3A_827 : vector<16xf32>
        %add3A_829 = arith.constant 1.000000e+00 : f32
        %add3A_830 = vector.broadcast %add3A_829 : f32 to vector<16xf32>
        %add3A_831 = arith.addf %add3A_830, %exp3A_828 : vector<16xf32>
        %div3A_832 = arith.constant 1.000000e+00 : f32
        %div3A_833 = vector.broadcast %div3A_832 : f32 to vector<16xf32>
        %div3A_834 = arith.divf %div3A_833, %add3A_831 : vector<16xf32>
        %exp3A_835 = math.exp %div3A_834 : vector<16xf32>
        %reduce_sum3A = arith.constant true
        %reduce_sum3A_836 = vector.broadcast %reduce_sum3A : i1 to vector<16xi1>
        %reduce_sum3A_837 = tpu.scan <sum>, %exp3A_835 masked %reduce_sum3A_836 : vector<16xf32>, vector<16xi1> -> vector<16xf32>
        %reduce_sum3A_838 = vector.extract %reduce_sum3A_837[15] : f32 from vector<16xf32>
        %div3A_839 = vector.broadcast %reduce_sum3A_838 : f32 to vector<16xf32>
        %div3A_840 = arith.divf %exp3A_835, %div3A_839 : vector<16xf32>
        %swap3A_841 = arith.constant 0 : index
        %swap3A_842 = tpu.vector_load %arg29[%swap3A_841] {strides = array<i32>} : memref<16xf32, #tpu.memory_space<vmem>>, vector<16xf32>,
        tpu.vector_store %arg29[%swap3A_841], %div3A_840 {strides = array<i32>} : memref<16xf32, #tpu.memory_space<vmem>>, vector<16xf32>,
        %mul3A_843 = arith.constant 640 : i32
        %mul3A_844 = arith.muli %and3A_405, %mul3A_843 : i32
        %add3A_845 = arith.constant 320 : i32
        %add3A_846 = arith.addi %mul3A_844, %add3A_845 : i32
        %add3A_847 = arith.addi %add3A_846, %mul3A_804 : i32
        %get3A_848 = arith.index_cast %add3A_847 : i32 to index
        %get3A_849 = tpu.vector_load %arg24[%get3A_848] {strides = array<i32>} : memref<1280xi32, #tpu.memory_space<vmem>>, vector<16xi32>,
        %swap3A_850 = arith.constant 0 : index
        %swap3A_851 = tpu.vector_load %arg30[%swap3A_850] {strides = array<i32>} : memref<16xi32, #tpu.memory_space<vmem>>, vector<16xi32>,
        tpu.vector_store %arg30[%swap3A_850], %get3A_849 {strides = array<i32>} : memref<16xi32, #tpu.memory_space<vmem>>, vector<16xi32>,
        %scan3A_852 = arith.constant 0 : i32
        %scan3A_853 = arith.constant 8 : i32
        %scan3A_854 = arith.addi %scan3A_852, %scan3A_853 : i32
        %scan3A_855 = arith.constant 1 : i32
        %scan3A_856:2 = scf.for %scan3A_858 = %scan3A_852 to %scan3A_854 step %scan3A_855 iter_args(%scan3A_859 = %scan3A_801, %scan3A_860 = %scan3A_802) -> (vector<16xf32>, vector<16xf32>)  : i32 {
          %mul3A_861 = arith.constant 2 : i32
          %mul3A_862 = arith.muli %scan3A_858, %mul3A_861 : i32
          %add3A_863 = arith.constant 0 : i32
          %add3A_864 = arith.addi %mul3A_862, %add3A_863 : i32
          %broadcast_in_dim3A_865 = vector.broadcast %add3A_864 : i32 to vector<16xi32>
          %gather3A_866 = tpu.vector_load_idx %arg29[%broadcast_in_dim3A_865] : memref<16xf32, #tpu.memory_space<vmem>>[vector<16xi32>], vector<16xf32>,
          %gather3A_867 = tpu.vector_load_idx %arg30[%broadcast_in_dim3A_865] : memref<16xi32, #tpu.memory_space<vmem>>[vector<16xi32>], vector<16xi32>,
          %add3A_868 = arith.addi %gather3A_867, %iota3A : vector<16xi32>
          %add3A_869 = arith.constant 320 : i32
          %add3A_870 = arith.addi %add3A_869, %mul3A_804 : i32
          %add3A_871 = arith.addi %add3A_870, %add3A_864 : i32
          %broadcast_in_dim3A_872 = vector.broadcast %add3A_871 : i32 to vector<16xi32>
          %gather3A_873 = tpu.vector_load_idx %arg17[%broadcast_in_dim3A_872, %add3A_868] : memref<640x128xf32, #tpu.memory_space<vmem>>[vector<16xi32>, vector<16xi32>], vector<16xf32>,
          %mul3A_874 = arith.mulf %gather3A_866, %gather3A_873 : vector<16xf32>
          %add3A_875 = arith.addf %scan3A_859, %mul3A_874 : vector<16xf32>
          %add3A_876 = arith.constant 16 : i32
          %add3A_877 = vector.broadcast %add3A_876 : i32 to vector<16xi32>
          %add3A_878 = arith.addi %add3A_868, %add3A_877 : vector<16xi32>
          %gather3A_879 = tpu.vector_load_idx %arg17[%broadcast_in_dim3A_872, %add3A_878] : memref<640x128xf32, #tpu.memory_space<vmem>>[vector<16xi32>, vector<16xi32>], vector<16xf32>,
          %mul3A_880 = arith.mulf %gather3A_866, %gather3A_879 : vector<16xf32>
          %add3A_881 = arith.addf %scan3A_860, %mul3A_880 : vector<16xf32>
          %mul3A_882 = arith.constant 2 : i32
          %mul3A_883 = arith.muli %scan3A_858, %mul3A_882 : i32
          %add3A_884 = arith.constant 1 : i32
          %add3A_885 = arith.addi %mul3A_883, %add3A_884 : i32
          %broadcast_in_dim3A_886 = vector.broadcast %add3A_885 : i32 to vector<16xi32>
          %gather3A_887 = tpu.vector_load_idx %arg29[%broadcast_in_dim3A_886] : memref<16xf32, #tpu.memory_space<vmem>>[vector<16xi32>], vector<16xf32>,
          %gather3A_888 = tpu.vector_load_idx %arg30[%broadcast_in_dim3A_886] : memref<16xi32, #tpu.memory_space<vmem>>[vector<16xi32>], vector<16xi32>,
          %add3A_889 = arith.addi %gather3A_888, %iota3A : vector<16xi32>
          %add3A_890 = arith.constant 320 : i32
          %add3A_891 = arith.addi %add3A_890, %mul3A_804 : i32
          %add3A_892 = arith.addi %add3A_891, %add3A_885 : i32
          %broadcast_in_dim3A_893 = vector.broadcast %add3A_892 : i32 to vector<16xi32>
          %gather3A_894 = tpu.vector_load_idx %arg17[%broadcast_in_dim3A_893, %add3A_889] : memref<640x128xf32, #tpu.memory_space<vmem>>[vector<16xi32>, vector<16xi32>], vector<16xf32>,
          %mul3A_895 = arith.mulf %gather3A_887, %gather3A_894 : vector<16xf32>
          %add3A_896 = arith.addf %add3A_875, %mul3A_895 : vector<16xf32>
          %add3A_897 = arith.constant 16 : i32
          %add3A_898 = vector.broadcast %add3A_897 : i32 to vector<16xi32>
          %add3A_899 = arith.addi %add3A_889, %add3A_898 : vector<16xi32>
          %gather3A_900 = tpu.vector_load_idx %arg17[%broadcast_in_dim3A_893, %add3A_899] : memref<640x128xf32, #tpu.memory_space<vmem>>[vector<16xi32>, vector<16xi32>], vector<16xf32>,
          %mul3A_901 = arith.mulf %gather3A_887, %gather3A_900 : vector<16xf32>
          %add3A_902 = arith.addf %add3A_881, %mul3A_901 : vector<16xf32>
          scf.yield %add3A_896, %add3A_902 : vector<16xf32>, vector<16xf32>
        }
        %scan3A_857 = arith.constant 8 : i32
        scf.yield %scan3A_856#0, %scan3A_856#1 : vector<16xf32>, vector<16xf32>
      }
      %scan3A_789 = arith.constant 20 : i32
      %mul3A_790 = arith.constant 32 : i32
      %mul3A_791 = arith.muli %scan3A_403, %mul3A_790 : i32
      %swap3A_792 = arith.index_cast %mul3A_791 : i32 to index
      %swap3A_793 = tpu.vector_load %arg27[%swap3A_792] {strides = array<i32>} : memref<2048xf32, #tpu.memory_space<vmem>>, vector<16xf32>,
      tpu.vector_store %arg27[%swap3A_792], %scan3A_788#0 {strides = array<i32>} : memref<2048xf32, #tpu.memory_space<vmem>>, vector<16xf32>,
      %mul3A_794 = arith.constant 32 : i32
      %mul3A_795 = arith.muli %scan3A_403, %mul3A_794 : i32
      %add3A_796 = arith.constant 16 : i32
      %add3A_797 = arith.addi %mul3A_795, %add3A_796 : i32
      %swap3A_798 = arith.index_cast %add3A_797 : i32 to index
      %swap3A_799 = tpu.vector_load %arg27[%swap3A_798] {strides = array<i32>} : memref<2048xf32, #tpu.memory_space<vmem>>, vector<16xf32>,
      tpu.vector_store %arg27[%swap3A_798], %scan3A_788#1 {strides = array<i32>} : memref<2048xf32, #tpu.memory_space<vmem>>, vector<16xf32>,
    }
    %scan3A_363 = arith.constant 32 : i32
    %broadcast_in_dim3A_364 = arith.constant 0.000000e+00 : f32
    %broadcast_in_dim3A_365 = vector.broadcast %broadcast_in_dim3A_364 : f32 to vector<16xf32>
    %scan3A_366 = arith.constant 0 : i32
    %scan3A_367 = arith.constant 16 : i32
    %scan3A_368 = arith.addi %scan3A_366, %scan3A_367 : i32
    %scan3A_369 = arith.constant 1 : i32
    %scan3A_370 = scf.for %scan3A_403 = %scan3A_366 to %scan3A_368 step %scan3A_369 iter_args(%scan3A_404 = %broadcast_in_dim3A_365) -> (vector<16xf32>)  : i32 {
      %add3A_405 = arith.constant 0 : i32
      %add3A_406 = arith.addi %add3A_405, %scan3A_403 : i32
      %mul3A_407 = arith.constant 32 : i32
      %mul3A_408 = arith.muli %add3A_406, %mul3A_407 : i32
      %get3A_409 = arith.index_cast %mul3A_408 : i32 to index
      %get3A_410 = tpu.vector_load %arg27[%get3A_409] {strides = array<i32>} : memref<2048xf32, #tpu.memory_space<vmem>>, vector<16xf32>,
      %mul3A_411 = arith.constant 32 : i32
      %mul3A_412 = arith.muli %add3A_406, %mul3A_411 : i32
      %add3A_413 = arith.constant 16 : i32
      %add3A_414 = arith.addi %mul3A_412, %add3A_413 : i32
      %get3A_415 = arith.index_cast %add3A_414 : i32 to index
      %get3A_416 = tpu.vector_load %arg27[%get3A_415] {strides = array<i32>} : memref<2048xf32, #tpu.memory_space<vmem>>, vector<16xf32>,
      %mul3A_417 = arith.constant 32 : i32
      %mul3A_418 = arith.muli %add3A_406, %mul3A_417 : i32
      %add3A_419 = arith.constant 1024 : i32
      %add3A_420 = arith.addi %add3A_419, %mul3A_418 : i32
      %get3A_421 = arith.index_cast %add3A_420 : i32 to index
      %get3A_422 = tpu.vector_load %arg27[%get3A_421] {strides = array<i32>} : memref<2048xf32, #tpu.memory_space<vmem>>, vector<16xf32>,
      %mul3A_423 = arith.constant 32 : i32
      %mul3A_424 = arith.muli %add3A_406, %mul3A_423 : i32
      %add3A_425 = arith.constant 1024 : i32
      %add3A_426 = arith.addi %add3A_425, %mul3A_424 : i32
      %add3A_427 = arith.constant 16 : i32
      %add3A_428 = arith.addi %add3A_426, %add3A_427 : i32
      %get3A_429 = arith.index_cast %add3A_428 : i32 to index
      %get3A_430 = tpu.vector_load %arg27[%get3A_429] {strides = array<i32>} : memref<2048xf32, #tpu.memory_space<vmem>>, vector<16xf32>,
      %mul3A_431 = arith.mulf %get3A_410, %get3A_422 : vector<16xf32>
      %mul3A_432 = arith.mulf %get3A_416, %get3A_430 : vector<16xf32>
      %add3A_433 = arith.addf %mul3A_431, %mul3A_432 : vector<16xf32>
      %reduce_sum3A = arith.constant true
      %reduce_sum3A_434 = vector.broadcast %reduce_sum3A : i1 to vector<16xi1>
      %reduce_sum3A_435 = tpu.scan <sum>, %add3A_433 masked %reduce_sum3A_434 : vector<16xf32>, vector<16xi1> -> vector<16xf32>
      %reduce_sum3A_436 = vector.extract %reduce_sum3A_435[15] : f32 from vector<16xf32>
      %eq3A = vector.broadcast %scan3A_403 : i32 to vector<16xi32>
      %eq3A_437 = arith.cmpi eq, %iota3A, %eq3A : vector<16xi32>
      %broadcast_in_dim3A_438 = vector.broadcast %reduce_sum3A_436 : f32 to vector<16xf32>
      %select_n3A = arith.select %eq3A_437, %broadcast_in_dim3A_438, %scan3A_404 : vector<16xi1>, vector<16xf32>
      scf.yield %select_n3A : vector<16xf32>
    }
    %scan3A_371 = arith.constant 16 : i32
    %neg3A = arith.constant 0.000000e+00 : f32
    %neg3A_372 = vector.broadcast %neg3A : f32 to vector<16xf32>
    %neg3A_373 = arith.subf %neg3A_372, %scan3A_370 : vector<16xf32>
    %exp3A = math.exp %neg3A_373 : vector<16xf32>
    %add3A_374 = arith.constant 1.000000e+00 : f32
    %add3A_375 = vector.broadcast %add3A_374 : f32 to vector<16xf32>
    %add3A_376 = arith.addf %add3A_375, %exp3A : vector<16xf32>
    %div3A = arith.constant 1.000000e+00 : f32
    %div3A_377 = vector.broadcast %div3A : f32 to vector<16xf32>
    %div3A_378 = arith.divf %div3A_377, %add3A_376 : vector<16xf32>
    %swap3A_379 = arith.constant 0 : index
    %swap3A_380 = tpu.vector_load %arg31[%swap3A_379] {strides = array<i32>} : memref<32xf32, #tpu.memory_space<vmem>>, vector<16xf32>,
    tpu.vector_store %arg31[%swap3A_379], %div3A_378 {strides = array<i32>} : memref<32xf32, #tpu.memory_space<vmem>>, vector<16xf32>,
    %broadcast_in_dim3A_381 = arith.constant 0.000000e+00 : f32
    %broadcast_in_dim3A_382 = vector.broadcast %broadcast_in_dim3A_381 : f32 to vector<16xf32>
    %scan3A_383 = arith.constant 0 : i32
    %scan3A_384 = arith.constant 16 : i32
    %scan3A_385 = arith.addi %scan3A_383, %scan3A_384 : i32
    %scan3A_386 = arith.constant 1 : i32
    %scan3A_387 = scf.for %scan3A_403 = %scan3A_383 to %scan3A_385 step %scan3A_386 iter_args(%scan3A_404 = %broadcast_in_dim3A_382) -> (vector<16xf32>)  : i32 {
      %add3A_405 = arith.constant 16 : i32
      %add3A_406 = arith.addi %add3A_405, %scan3A_403 : i32
      %mul3A_407 = arith.constant 32 : i32
      %mul3A_408 = arith.muli %add3A_406, %mul3A_407 : i32
      %get3A_409 = arith.index_cast %mul3A_408 : i32 to index
      %get3A_410 = tpu.vector_load %arg27[%get3A_409] {strides = array<i32>} : memref<2048xf32, #tpu.memory_space<vmem>>, vector<16xf32>,
      %mul3A_411 = arith.constant 32 : i32
      %mul3A_412 = arith.muli %add3A_406, %mul3A_411 : i32
      %add3A_413 = arith.constant 16 : i32
      %add3A_414 = arith.addi %mul3A_412, %add3A_413 : i32
      %get3A_415 = arith.index_cast %add3A_414 : i32 to index
      %get3A_416 = tpu.vector_load %arg27[%get3A_415] {strides = array<i32>} : memref<2048xf32, #tpu.memory_space<vmem>>, vector<16xf32>,
      %mul3A_417 = arith.constant 32 : i32
      %mul3A_418 = arith.muli %add3A_406, %mul3A_417 : i32
      %add3A_419 = arith.constant 1024 : i32
      %add3A_420 = arith.addi %add3A_419, %mul3A_418 : i32
      %get3A_421 = arith.index_cast %add3A_420 : i32 to index
      %get3A_422 = tpu.vector_load %arg27[%get3A_421] {strides = array<i32>} : memref<2048xf32, #tpu.memory_space<vmem>>, vector<16xf32>,
      %mul3A_423 = arith.constant 32 : i32
      %mul3A_424 = arith.muli %add3A_406, %mul3A_423 : i32
      %add3A_425 = arith.constant 1024 : i32
      %add3A_426 = arith.addi %add3A_425, %mul3A_424 : i32
      %add3A_427 = arith.constant 16 : i32
      %add3A_428 = arith.addi %add3A_426, %add3A_427 : i32
      %get3A_429 = arith.index_cast %add3A_428 : i32 to index
      %get3A_430 = tpu.vector_load %arg27[%get3A_429] {strides = array<i32>} : memref<2048xf32, #tpu.memory_space<vmem>>, vector<16xf32>,
      %mul3A_431 = arith.mulf %get3A_410, %get3A_422 : vector<16xf32>
      %mul3A_432 = arith.mulf %get3A_416, %get3A_430 : vector<16xf32>
      %add3A_433 = arith.addf %mul3A_431, %mul3A_432 : vector<16xf32>
      %reduce_sum3A = arith.constant true
      %reduce_sum3A_434 = vector.broadcast %reduce_sum3A : i1 to vector<16xi1>
      %reduce_sum3A_435 = tpu.scan <sum>, %add3A_433 masked %reduce_sum3A_434 : vector<16xf32>, vector<16xi1> -> vector<16xf32>
      %reduce_sum3A_436 = vector.extract %reduce_sum3A_435[15] : f32 from vector<16xf32>
      %eq3A = vector.broadcast %scan3A_403 : i32 to vector<16xi32>
      %eq3A_437 = arith.cmpi eq, %iota3A, %eq3A : vector<16xi32>
      %broadcast_in_dim3A_438 = vector.broadcast %reduce_sum3A_436 : f32 to vector<16xf32>
      %select_n3A = arith.select %eq3A_437, %broadcast_in_dim3A_438, %scan3A_404 : vector<16xi1>, vector<16xf32>
      scf.yield %select_n3A : vector<16xf32>
    }
    %scan3A_388 = arith.constant 16 : i32
    %neg3A_389 = arith.constant 0.000000e+00 : f32
    %neg3A_390 = vector.broadcast %neg3A_389 : f32 to vector<16xf32>
    %neg3A_391 = arith.subf %neg3A_390, %scan3A_387 : vector<16xf32>
    %exp3A_392 = math.exp %neg3A_391 : vector<16xf32>
    %add3A_393 = arith.constant 1.000000e+00 : f32
    %add3A_394 = vector.broadcast %add3A_393 : f32 to vector<16xf32>
    %add3A_395 = arith.addf %add3A_394, %exp3A_392 : vector<16xf32>
    %div3A_396 = arith.constant 1.000000e+00 : f32
    %div3A_397 = vector.broadcast %div3A_396 : f32 to vector<16xf32>
    %div3A_398 = arith.divf %div3A_397, %add3A_395 : vector<16xf32>
    %swap3A_399 = arith.constant 16 : index
    %swap3A_400 = tpu.vector_load %arg31[%swap3A_399] {strides = array<i32>} : memref<32xf32, #tpu.memory_space<vmem>>, vector<16xf32>,
    tpu.vector_store %arg31[%swap3A_399], %div3A_398 {strides = array<i32>} : memref<32xf32, #tpu.memory_space<vmem>>, vector<16xf32>,
    %mul3A_401 = arith.constant 32 : i32
    %mul3A_402 = arith.muli %add3A, %mul3A_401 : i32
    "tpu.region"() ({
      %run_scoped3A = tpu.sem_alloc : memref<!tpu.dma_semaphore, #tpu.memory_space<semaphore_mem>>
      %dma_start3A_403 = tpu.memref_slice %arg15[%mul3A_402] : memref<1024xf32, #tpu.memory_space<hbm>> -> memref<32xf32, #tpu.memory_space<hbm>>
      %dma_start3A_404 = tpu.memref_slice %arg15[%mul3A_402] : memref<1024xf32, #tpu.memory_space<hbm>> -> memref<32xf32, #tpu.memory_space<hbm>>
      tpu.enqueue_dma source(%arg31 : memref<32xf32, #tpu.memory_space<vmem>>) target(%dma_start3A_404 : memref<32xf32, #tpu.memory_space<hbm>>) target_semaphore(%run_scoped3A : memref<!tpu.dma_semaphore, #tpu.memory_space<semaphore_mem>>)
      %dma_wait3A_405 = tpu.memref_slice %arg15[%mul3A_402] : memref<1024xf32, #tpu.memory_space<hbm>> -> memref<32xf32, #tpu.memory_space<hbm>>
      %dma_wait3A_406 = tpu.memref_slice %arg15[%mul3A_402] : memref<1024xf32, #tpu.memory_space<hbm>> -> memref<32xf32, #tpu.memory_space<hbm>>
      tpu.wait_dma2 semaphore(%run_scoped3A : memref<!tpu.dma_semaphore, #tpu.memory_space<semaphore_mem>>) src(%arg31 : memref<32xf32, #tpu.memory_space<vmem>>) dst(%dma_wait3A_406 : memref<32xf32, #tpu.memory_space<hbm>>)
      tpu.yield
    }) : () -> ()
    return
  }
}

module attributes {stable_mosaic.version = 14 : i64} {
  func.func @_proj_body(%arg0: i32, %arg1: memref<8192x128xf32, #tpu.memory_space<vmem>>, %arg2: memref<128x8xf32, #tpu.memory_space<vmem>>, %arg3: memref<8192xf32, #tpu.memory_space<vmem>>, %arg4: memref<8192xf32, #tpu.memory_space<vmem>>, %arg5: memref<8192xf32, #tpu.memory_space<vmem>>, %arg6: memref<8192xf32, #tpu.memory_space<vmem>>, %arg7: memref<8192xf32, #tpu.memory_space<vmem>>, %arg8: memref<8192xf32, #tpu.memory_space<vmem>>, %arg9: memref<8192xf32, #tpu.memory_space<vmem>>, %arg10: memref<8192xf32, #tpu.memory_space<vmem>>) attributes {dimension_semantics = [#tpu.dimension_semantics<arbitrary>], iteration_bounds = array<i64: 31>, scalar_prefetch = 0 : i64, scratch_operands = 0 : i64, tpu.core_type = #tpu.core_type<tc>, window_params = [{transform_indices = @transform_0, window_bounds = array<i64: 8192, 128>}, {pipeline_mode = #tpu.pipeline_mode<synchronous>, transform_indices = @transform_1, window_bounds = array<i64: 128, 8>}, {transform_indices = @transform_2, window_bounds = array<i64: 8192>}, {transform_indices = @transform_3, window_bounds = array<i64: 8192>}, {transform_indices = @transform_4, window_bounds = array<i64: 8192>}, {transform_indices = @transform_5, window_bounds = array<i64: 8192>}, {transform_indices = @transform_6, window_bounds = array<i64: 8192>}, {transform_indices = @transform_7, window_bounds = array<i64: 8192>}, {transform_indices = @transform_8, window_bounds = array<i64: 8192>}, {transform_indices = @transform_9, window_bounds = array<i64: 8192>}]} {
    %get3A = arith.constant 0 : index
    %get3A_0 = arith.constant 0 : index
    %get3A_1 = vector.load %arg2[%get3A, %get3A_0] : memref<128x8xf32, #tpu.memory_space<vmem>>, vector<128x8xf32>
    %get3A_2 = arith.constant 0 : index
    %get3A_3 = arith.constant 0 : index
    %get3A_4 = vector.load %arg1[%get3A_2, %get3A_3] : memref<8192x128xf32, #tpu.memory_space<vmem>>, vector<8192x128xf32>
    %dot_general3A = arith.constant dense<0.000000e+00> : vector<8x8192xf32>
    %dot_general3A_5 = tpu.matmul %get3A_1, %get3A_4, %dot_general3A {dimension_numbers = #tpu.dot_dimension_numbers<[0], [1], [1], [0], [0, 1, 1, 0], [], []>, transpose_lhs_hint = false} : vector<128x8xf32>, vector<8192x128xf32>, vector<8x8192xf32> -> vector<8x8192xf32>
    %slice3A = vector.extract_strided_slice %dot_general3A_5 {offsets = [0, 0], sizes = [1, 8192], strides = [1, 1]} : vector<8x8192xf32> to vector<1x8192xf32>
    %squeeze3A = vector.shape_cast %slice3A : vector<1x8192xf32> to vector<8192xf32>
    %swap3A = arith.constant 0 : index
    %swap3A_6 = vector.load %arg3[%swap3A] : memref<8192xf32, #tpu.memory_space<vmem>>, vector<8192xf32>
    tpu.vector_store %arg3[%swap3A], %squeeze3A {strides = array<i32>} : memref<8192xf32, #tpu.memory_space<vmem>>, vector<8192xf32>,
    %slice3A_7 = vector.extract_strided_slice %dot_general3A_5 {offsets = [1, 0], sizes = [1, 8192], strides = [1, 1]} : vector<8x8192xf32> to vector<1x8192xf32>
    %squeeze3A_8 = vector.shape_cast %slice3A_7 : vector<1x8192xf32> to vector<8192xf32>
    %swap3A_9 = arith.constant 0 : index
    %swap3A_10 = vector.load %arg4[%swap3A_9] : memref<8192xf32, #tpu.memory_space<vmem>>, vector<8192xf32>
    tpu.vector_store %arg4[%swap3A_9], %squeeze3A_8 {strides = array<i32>} : memref<8192xf32, #tpu.memory_space<vmem>>, vector<8192xf32>,
    %slice3A_11 = vector.extract_strided_slice %dot_general3A_5 {offsets = [2, 0], sizes = [1, 8192], strides = [1, 1]} : vector<8x8192xf32> to vector<1x8192xf32>
    %squeeze3A_12 = vector.shape_cast %slice3A_11 : vector<1x8192xf32> to vector<8192xf32>
    %swap3A_13 = arith.constant 0 : index
    %swap3A_14 = vector.load %arg5[%swap3A_13] : memref<8192xf32, #tpu.memory_space<vmem>>, vector<8192xf32>
    tpu.vector_store %arg5[%swap3A_13], %squeeze3A_12 {strides = array<i32>} : memref<8192xf32, #tpu.memory_space<vmem>>, vector<8192xf32>,
    %slice3A_15 = vector.extract_strided_slice %dot_general3A_5 {offsets = [3, 0], sizes = [1, 8192], strides = [1, 1]} : vector<8x8192xf32> to vector<1x8192xf32>
    %squeeze3A_16 = vector.shape_cast %slice3A_15 : vector<1x8192xf32> to vector<8192xf32>
    %swap3A_17 = arith.constant 0 : index
    %swap3A_18 = vector.load %arg6[%swap3A_17] : memref<8192xf32, #tpu.memory_space<vmem>>, vector<8192xf32>
    tpu.vector_store %arg6[%swap3A_17], %squeeze3A_16 {strides = array<i32>} : memref<8192xf32, #tpu.memory_space<vmem>>, vector<8192xf32>,
    %slice3A_19 = vector.extract_strided_slice %dot_general3A_5 {offsets = [4, 0], sizes = [1, 8192], strides = [1, 1]} : vector<8x8192xf32> to vector<1x8192xf32>
    %squeeze3A_20 = vector.shape_cast %slice3A_19 : vector<1x8192xf32> to vector<8192xf32>
    %swap3A_21 = arith.constant 0 : index
    %swap3A_22 = vector.load %arg7[%swap3A_21] : memref<8192xf32, #tpu.memory_space<vmem>>, vector<8192xf32>
    tpu.vector_store %arg7[%swap3A_21], %squeeze3A_20 {strides = array<i32>} : memref<8192xf32, #tpu.memory_space<vmem>>, vector<8192xf32>,
    %slice3A_23 = vector.extract_strided_slice %dot_general3A_5 {offsets = [5, 0], sizes = [1, 8192], strides = [1, 1]} : vector<8x8192xf32> to vector<1x8192xf32>
    %squeeze3A_24 = vector.shape_cast %slice3A_23 : vector<1x8192xf32> to vector<8192xf32>
    %swap3A_25 = arith.constant 0 : index
    %swap3A_26 = vector.load %arg8[%swap3A_25] : memref<8192xf32, #tpu.memory_space<vmem>>, vector<8192xf32>
    tpu.vector_store %arg8[%swap3A_25], %squeeze3A_24 {strides = array<i32>} : memref<8192xf32, #tpu.memory_space<vmem>>, vector<8192xf32>,
    %slice3A_27 = vector.extract_strided_slice %dot_general3A_5 {offsets = [6, 0], sizes = [1, 8192], strides = [1, 1]} : vector<8x8192xf32> to vector<1x8192xf32>
    %squeeze3A_28 = vector.shape_cast %slice3A_27 : vector<1x8192xf32> to vector<8192xf32>
    %swap3A_29 = arith.constant 0 : index
    %swap3A_30 = vector.load %arg9[%swap3A_29] : memref<8192xf32, #tpu.memory_space<vmem>>, vector<8192xf32>
    tpu.vector_store %arg9[%swap3A_29], %squeeze3A_28 {strides = array<i32>} : memref<8192xf32, #tpu.memory_space<vmem>>, vector<8192xf32>,
    %slice3A_31 = vector.extract_strided_slice %dot_general3A_5 {offsets = [7, 0], sizes = [1, 8192], strides = [1, 1]} : vector<8x8192xf32> to vector<1x8192xf32>
    %squeeze3A_32 = vector.shape_cast %slice3A_31 : vector<1x8192xf32> to vector<8192xf32>
    %swap3A_33 = arith.constant 0 : index
    %swap3A_34 = vector.load %arg10[%swap3A_33] : memref<8192xf32, #tpu.memory_space<vmem>>, vector<8192xf32>
    tpu.vector_store %arg10[%swap3A_33], %squeeze3A_32 {strides = array<i32>} : memref<8192xf32, #tpu.memory_space<vmem>>, vector<8192xf32>,
    return
  }
  func.func @transform_0(%arg0: i32) -> (i32, i32) {
    %c0_i32 = arith.constant 0 : i32
    %c0_i32_0 = arith.constant 0 : i32
    return %arg0, %c0_i32 : i32, i32
  }
  func.func @transform_1(%arg0: i32) -> (i32, i32) {
    %c0_i32 = arith.constant 0 : i32
    %c0_i32_0 = arith.constant 0 : i32
    %c0_i32_1 = arith.constant 0 : i32
    return %c0_i32, %c0_i32_0 : i32, i32
  }
  func.func @transform_2(%arg0: i32) -> i32 {
    %c0_i32 = arith.constant 0 : i32
    return %arg0 : i32
  }
  func.func @transform_3(%arg0: i32) -> i32 {
    %c0_i32 = arith.constant 0 : i32
    return %arg0 : i32
  }
  func.func @transform_4(%arg0: i32) -> i32 {
    %c0_i32 = arith.constant 0 : i32
    return %arg0 : i32
  }
  func.func @transform_5(%arg0: i32) -> i32 {
    %c0_i32 = arith.constant 0 : i32
    return %arg0 : i32
  }
  func.func @transform_6(%arg0: i32) -> i32 {
    %c0_i32 = arith.constant 0 : i32
    return %arg0 : i32
  }
  func.func @transform_7(%arg0: i32) -> i32 {
    %c0_i32 = arith.constant 0 : i32
    return %arg0 : i32
  }
  func.func @transform_8(%arg0: i32) -> i32 {
    %c0_i32 = arith.constant 0 : i32
    return %arg0 : i32
  }
  func.func @transform_9(%arg0: i32) -> i32 {
    %c0_i32 = arith.constant 0 : i32
    return %arg0 : i32
  }
}

module attributes {stable_mosaic.version = 14 : i64} {
  func.func @_rel_body(%arg0: memref<1024x32xf32, #tpu.memory_space<vmem>>, %arg1: memref<1x32xf32, #tpu.memory_space<vmem>>, %arg2: memref<1024xf32, #tpu.memory_space<vmem>>) attributes {dimension_semantics = [], scalar_prefetch = 0 : i64, scratch_operands = 0 : i64, tpu.core_type = #tpu.core_type<tc>} {
    %get3A = arith.constant 0 : index
    %get3A_0 = arith.constant 0 : index
    %get3A_1 = vector.load %arg0[%get3A, %get3A_0] : memref<1024x32xf32, #tpu.memory_space<vmem>>, vector<1024x32xf32>
    %get3A_2 = arith.constant 0 : index
    %get3A_3 = arith.constant 0 : index
    %get3A_4 = vector.load %arg1[%get3A_2, %get3A_3] : memref<1x32xf32, #tpu.memory_space<vmem>>, vector<1x32xf32>
    %get3A_5 = vector.shape_cast %get3A_4 : vector<1x32xf32> to vector<32xf32>
    %broadcast_in_dim3A = vector.shape_cast %get3A_5 : vector<32xf32> to vector<1x32xf32>
    %mul3A = vector.broadcast %broadcast_in_dim3A : vector<1x32xf32> to vector<1024x32xf32>
    %mul3A_6 = arith.mulf %get3A_1, %mul3A : vector<1024x32xf32>
    %reduce_sum3A = arith.constant dense<0.000000e+00> : vector<1024xf32>
    %reduce_sum3A_7 = vector.multi_reduction <add>, %mul3A_6, %reduce_sum3A [1] : vector<1024x32xf32> to vector<1024xf32>
    %swap3A = arith.constant 0 : index
    %swap3A_8 = vector.load %arg2[%swap3A] : memref<1024xf32, #tpu.memory_space<vmem>>, vector<1024xf32>
    tpu.vector_store %arg2[%swap3A], %reduce_sum3A_7 {strides = array<i32>} : memref<1024xf32, #tpu.memory_space<vmem>>, vector<1024xf32>,
    return
  }
}

</mosaic_0001>

<sc_bundles>
// kernel: kernel.5.cloned.1.call-start
scs
__scs_entry_jumppad:
0x0: {  	(pc) =	sbr.rel $0x88, $3  }
0x1: {  	(tag) =	ssettag $0x0;
	lr =	simm.s32 $0x1  }
0x2: {  	[smem:$0x3F98] =	sst lr;
	_ =	strace $0xD0000000  }
0x3: {  	_ = 	snop  }
0x4: {  	_ = 	snop  }
0x5: {  	_ = 	snop  }
0x6: {  	_ = 	snop  }
0x7: {  	_ = 	snop  }
__scs_overlays_trampoline_lowered:
0x8: {  	[smem:$0x3FA7] =	sst s0  }
0x9: {  	[smem:$0x3FA8] =	sst s1  }
0xa: {  	[smem:$0x3FA9] =	sst s2  }
0xb: {  	[smem:$0x3FAA] =	sst s3  }
0xc: {  	[smem:$0x3FAB] =	sst s4  }
0xd: {  	[smem:$0x3FAC] =	sst s5  }
0xe: {  	[smem:$0x3FAD] =	sst s6  }
0xf: {  	[smem:$0x3FAE] =	sst s7  }
0x10: {  	[smem:$0x3FAF] =	sst s8  }
0x11: {  	[smem:$0x3FB0] =	sst s9;
	s0 =	simm.s32 @!p0 $0x0  }
0x12: {  	s1 =	sld [smem:$0x3F96];
	s0 =	simm.s32 @p0 $0x1  }
0x13: {  	[smem:$0x3FB1] =	sst s0;
	s0 =	simm.s32 @!p1 $0x0  }
0x14: {  	s2 =	sld [smem:$0x3F95];
	s0 =	simm.s32 @p1 $0x1  }
0x15: {  	[smem:$0x3FB2] =	sst s0;
	s0 =	simm.s32 @!p2 $0x0  }
0x16: {  	s3 =	sld [smem:$0x3FDB];
	s0 =	simm.s32 @p2 $0x1  }
0x17: {  	s4 =	simm.s32 $0x1BF5;
	[smem:$0x3FB4] =	sst s0  }
0x18: {  	s0 =	sld [smem:$0x3F97];
	_ =	swait.ge [sflag:s4], $0x0  }
0x19: {  	s7 =	sld [smem:$0x3F98]  }
0x1a: {  	s8 =	sadd.s32 $0xFFFFE003, lr  }
0x1b: {  	s9 =	sadd.s32 $0xFFFFFEF7, lr;
	s5 =	simm.s32 $0xFFFFFFFF;
	p2 =	slt.u32 s8, $0xFFFFF086  }
0x1c: {  	p1 =	slt.u32 s9, $0xF7A;
	s5 =	simm.s32 @!p2 $0x0  }
0x1d: {  	s5 =	simm.s32 @p1 $0x1;
	p0 =	seq.s32 s7, s2  }
0x1e: {  	s7 =	smul.u32 @!p0 $0xF7A, s2;
	p2 =	seq.s32 @!p0 s5, $0x0  }
0x1f: {  	s9 =	smul.u32 $0xF7A, s1;
	s8 =	simm.s32 @!p0 $0x1BF5;
	p2 =	por !p2, p0  }
0x20: {  	[sflag:s8] =	ssyncset.s32 @!p0 $0xFFFFF086;
	s6 =	sadd.s32 @!p0 s3, s7;
	s7 =	simm.s32 @!p0 $0x108  }
0x21: {  	s3 =	sadd.s32 s3, s9;
	s6 =	sadd.s32 @!p0 $0x88, s6;
	s7 =	simm.s32 @p2 $0x1082  }
0x22: {  	[simem:s7], [sflag:s8] =	dma.local @!p0 [hbm:s6], $0xF7A  }
0x23: {  	s9 =	sor.u32 $0xD0000000, s2;
	s6 =	simm.s32 $0x108;
	_ =	swait.ge @!p0 [sflag:s8], $0x0  }
0x24: {  	s3 =	sadd.s32 $0x88, s3;
	s6 =	simm.s32 @!p1 $0x1082;
	[sflag:s4] =	ssyncset.s32 $0xFFFFF086  }
0x25: {  	[simem:s6], [sflag:s4] =	dma.local [hbm:s3], $0xF7A  }
0x26: {  	[smem:$0x3F98] =	sst s1;
	(tag) =	ssettag s2;
	_ =	strace s9  }
0x27: {  	s1 =	sld [smem:$0x3FA8]  }
0x28: {  	s2 =	sld [smem:$0x3FA9]  }
0x29: {  	s4 =	sld [smem:$0x3FAB]  }
0x2a: {  	p0 =	seq.s32 s5, $0x0;
	s5 =	sld [smem:$0x3FAC]  }
0x2b: {  	s6 =	sld [smem:$0x3FAD]  }
0x2c: {  	s7 =	sld [smem:$0x3FAE]  }
0x2d: {  	s3 =	simm.s32 $0x108;
	s8 =	sld [smem:$0x3FAF]  }
0x2e: {  	s3 =	simm.s32 @!p0 $0x1082;
	s9 =	sld [smem:$0x3FB0]  }
0x2f: {  	lr =	sadd.s32 s0, s3;
	s0 =	sld [smem:$0x3FA7]  }
0x30: {  	s3 =	sld [smem:$0x3FAA]  }
0x31: {  	[smem:$0x3FB3] =	sst s10  }
0x32: {  	s10 =	sld [smem:$0x3FB1];
	_ =	sdelay $0x3  }
0x33: {  	p0 =	seq.s32 s10, $0x1;
	s10 =	sld [smem:$0x3FB3];
	_ =	sdelay $0x3  }
0x34: {  	[smem:$0x3FB3] =	sst s10  }
0x35: {  	s10 =	sld [smem:$0x3FB2];
	_ =	sdelay $0x3  }
0x36: {  	p1 =	seq.s32 s10, $0x1;
	s10 =	sld [smem:$0x3FB3];
	_ =	sdelay $0x3  }
0x37: {  	[smem:$0x3FB3] =	sst s10  }
0x38: {  	s10 =	sld [smem:$0x3FB4]  }
0x39: {  	_ = 	snop;
	(pc) =	sbr.ind lr, $3  }
0x3a: {  	_ = 	snop  }
0x3b: {  	_ = 	snop  }
0x3c: {  	p2 =	seq.s32 s10, $0x1;
	s10 =	sld [smem:$0x3FB3]  }
0x3d: {  	_ =	shalt  }
0x3e: {  	_ =	shalt  }
0x3f: {  	_ =	shalt  }
0x40: {  	_ =	shalt  }
0x41: {  	_ =	shalt  }
0x42: {  	_ =	shalt  }
0x43: {  	_ =	shalt  }
0x44: {  	_ =	shalt  }
0x45: {  	_ =	shalt  }
0x46: {  	_ =	shalt  }
0x47: {  	_ =	shalt  }
0x48: {  	_ =	shalt  }
0x49: {  	_ =	shalt  }
0x4a: {  	_ =	shalt  }
0x4b: {  	_ =	shalt  }
0x4c: {  	_ =	shalt  }
0x4d: {  	_ =	shalt  }
0x4e: {  	_ =	shalt  }
0x4f: {  	_ =	shalt  }
0x50: {  	_ =	shalt  }
0x51: {  	_ =	shalt  }
0x52: {  	_ =	shalt  }
0x53: {  	_ =	shalt  }
0x54: {  	_ =	shalt  }
0x55: {  	_ =	shalt  }
0x56: {  	_ =	shalt  }
0x57: {  	_ =	shalt  }
0x58: {  	_ =	shalt  }
0x59: {  	_ =	shalt  }
0x5a: {  	_ =	shalt  }
0x5b: {  	_ =	shalt  }
0x5c: {  	_ =	shalt  }
0x5d: {  	_ =	shalt  }
0x5e: {  	_ =	shalt  }
0x5f: {  	_ =	shalt  }
0x60: {  	_ =	shalt  }
0x61: {  	_ =	shalt  }
0x62: {  	_ =	shalt  }
0x63: {  	_ =	shalt  }
0x64: {  	_ =	shalt  }
0x65: {  	_ =	shalt  }
0x66: {  	_ =	shalt  }
0x67: {  	_ =	shalt  }
0x68: {  	_ =	shalt  }
0x69: {  	_ =	shalt  }
0x6a: {  	_ =	shalt  }
0x6b: {  	_ =	shalt  }
0x6c: {  	_ =	shalt  }
0x6d: {  	_ =	shalt  }
0x6e: {  	_ =	shalt  }
0x6f: {  	_ =	shalt  }
0x70: {  	_ =	shalt  }
0x71: {  	_ =	shalt  }
0x72: {  	_ =	shalt  }
0x73: {  	_ =	shalt  }
0x74: {  	_ =	shalt  }
0x75: {  	_ =	shalt  }
0x76: {  	_ =	shalt  }
0x77: {  	_ =	shalt  }
0x78: {  	_ =	shalt  }
0x79: {  	_ =	shalt  }
0x7a: {  	_ =	shalt  }
0x7b: {  	_ =	shalt  }
0x7c: {  	_ =	shalt  }
0x7d: {  	_ =	shalt  }
0x7e: {  	_ =	shalt  }
0x7f: {  	_ =	shalt  }
0x80: {  	_ =	shalt  }
0x81: {  	_ =	shalt  }
0x82: {  	_ =	shalt  }
0x83: {  	_ =	shalt  }
0x84: {  	_ =	shalt  }
0x85: {  	_ =	shalt  }
0x86: {  	_ =	shalt  }
0x87: {  	_ =	shalt  }
.Lfunc_end0:
.L_simem_size_0:
called_computation_lowered:
.L_overlay_start_0:
0x88: {  	s2 =	sld [smem:$0x3FD9]  }
0x89: {  	s3 =	sld [smem:$0x3FFE];
	_ =	sdelay $0x1  }
0x8a: {  	s1 =	srdreg.scid  }
0x8b: {  	s0 =	sand.u32 $0x1, s1  }
0x8c: {  	s17 =	sshll.u32 s0, $0xA;
	s2 =	sadd.s32 s3, s2  }
0x8d: {  	s2 =	sadd.s32 s2, s17  }
0x8e: {  	[smem:$0x3FBF] =	sst s2  }
0x8f: {  	_ = 	snop  }
0x90: {  	s2 =	sld [smem:$0x3FD0];
	(tm) =	ssettm $0x1  }
0x91: {  	s18 =	sld [smem:$0x3FFB];
	_ =	sdelay $0x3  }
0x92: {  	_ =	strace s18  }
0x93: {  	s3 =	sld [smem:$0x3FFC];
	_ =	sdelay $0x3  }
0x94: {  	_ =	strace s3  }
0x95: {  	s3 =	sld [smem:$0x3FFD];
	_ =	sdelay $0x3  }
0x96: {  	_ =	strace s3  }
0x97: {  	_ =	strace $0x8FFFFFFF  }
0x98: {  	s19 =	sld [smem:$0x3FDB];
	_ =	sdelay $0x1  }
0x99: {  	s4 =	simm.s32 $_scs_section_size  }
0x9a: {  	s5 =	simm.s32 $_size__tile_overlayer_lowered;
	s6 =	simm.s32 $_tile_overlayer_lowered  }
0x9b: {  	s22 =	simm.s32 $0x1BFF;
	s21 =	sshll.u32 s6, $0x1;
	s3 =	sadd.s32 s4, s19  }
0x9c: {  	s7 =	simm.s32 $0x0;
	s20 =	sshll.u32 s5, $0x1;
	s5 =	sadd.s32 s21, s3  }
0x9d: {  	[timem:s7], [sflag:s22] =	dma.local [hbm:s5], s20  }
0x9e: {  	_ =	swait.ge [sflag:s22], s20  }
0x9f: {  	s4 =	ssub.s32 $0x0, s20;
	[sflag:s22] =	ssyncset.done $0x0  }
0xa0: {  	[sflag:s22] =	ssyncadd.s32 s4;
	_ =	sdelay $0x1  }
0xa1: {  	s23 =	simm.s32 $0x1B8B  }
0xa2: {  	_ =	swait.ge [sflag:s23], $0x1  }
0xa3: {  	[sflag:s23] =	ssyncset.done $0x0  }
0xa4: {  	s25 =	simm.s32 $0x1B8E;
	s24 =	sld [smem:$0x3FFE];
	[sflag:s23] =	ssyncadd.s32 $0xFFFFFFFF  }
0xa5: {  	s26 =	simm.s32 $execute0_lowered;
	[smem:$0x3FD2] =	sst s25  }
0xa6: {  	s5 =	sshll.u32 s26, $0x1;
	_ =	strace $0x80000046;
	[dreg:$0x1] =	wrdreg $0xFFFFFFFF  }
0xa7: {  	s28 =	simm.s32 $_size_execute0_lowered;
	s3 =	sadd.s32 s3, s5;
	[dreg:$0x0] =	wrdreg $0x0  }
0xa8: {  	s5 =	sshll.u32 s28, $0x1;
	[dreg:$0x2] =	wrdreg s3  }
0xa9: {  	[dreg:$0x3] =	wrdreg s5  }
0xaa: {  	[dreg:$0x4] =	wrdreg $0xC0  }
0xab: {  	_ =	task [dreg:s7], $0x5FFFF  }
0xac: {  	[dreg:$0x1] =	wrdreg $0xFFFFFFFF  }
0xad: {  	[dreg:$0x0] =	wrdreg $0x60  }
0xae: {  	[dreg:$0x2] =	wrdreg s24  }
0xaf: {  	[dreg:$0x3] =	wrdreg s2  }
0xb0: {  	[dreg:$0x4] =	wrdreg $0x9  }
0xb1: {  	_ =	task.clear_ibuf [dreg:s7], $0x5FFFF;
	_ =	strace $0x90000046  }
0xb2: {  	s29 =	simm.s32 $0x9;
	_ =	strace $0x80000048  }
0xb3: {  	_ =	swait.ge [sflag:s29], $0x1  }
0xb4: {  	[sflag:s29] =	ssyncadd.s32 $0xFFFFFFFF  }
0xb5: {  	_ =	strace $0x90000048  }
0xb6: {  	_ =	sfence  }
0xb7: {  	s30 =	sld [smem:$0x0];
	_ =	sdelay $0x2  }
0xb8: {  	s31 =	sshll.u32 s1, $0xD;
	s1 =	sshrl.u32 s1, $0x2  }
0xb9: {  	s3 =	sand.u32 $0x4000, s31;
	s1 =	sadd.s32 s1, s30  }
0xba: {  	s0 =	sor.u32 s3, s0;
	s1 =	sshll.u32 s1, $0x11  }
0xbb: {  	s0 =	sor.u32 s1, s0  }
0xbc: {  	s0 =	sadd.s32 $0x8F2B, s0  }
0xbd: {  	[sflag:s0] =	ssyncadd.remote.s32 $0x1  }
0xbe: {  	_ =	sfence.sel $0xFFFF  }
0xbf: {  	[dreg:$0x0] =	wrdreg $0xFFFFFFFF;
	(pc) =	sbr.abs _section_cstart, $3  }
0xc0: {  	[dreg:$0x1] =	wrdreg $0xFFFFFFFF  }
0xc1: {  	_ =	task.clear_ibuf [dreg:s7], $0x2FFFF;
	_ =	strace $0x9FFFFFFF  }
0xc2: {  	(tm) =	ssettm $0x7FFFFFFF  }
0xc3: {  	_ =	shalt  }
tec
execute0_lowered:
.L_overlay_start_1:
0x0: {  	(tag) =	ssettag $0x1  }
0x1: {  	s0 =	rddreg [dreg:$0x0]  }
0x2: {  	s1 =	rddreg [dreg:$0x1]  }
0x3: {  	s5 =	simm.s32 $0x0;
	s2 =	srdreg.scid;
	s3 =	stileid.u32  }
0x4: {  	s28 =	simm.s32 $0x15400;
	s29 =	simm.s32 $0x50;
	s30 =	simm.s32 $0xF00  }
0x5: {  	s31 =	simm.s32 $0x4;
	[smem:$0x7FF] =	sst s5;
	s2 =	sand.u32 $0x1, s2  }
0x6: {  	s3 =	sshll.u32 s3, $0x1;
	s16 =	sadd.s32 $0x2A00, s0;
	s17 =	sadd.s32 $0x16A00, s0  }
0x7: {  	s18 =	sadd.s32 $0x2AA00, s0;
	s19 =	sadd.s32 $0xCA00, s0;
	s20 =	sadd.s32 $0x20A00, s0  }
0x8: {  	s21 =	sadd.s32 $0x34A00, s0;
	s6 =	sadd.s32 $0x2200, s0;
	s10 =	sadd.s32 $0x5E000, s0  }
0x9: {  	s25 =	sadd.s32 $0x2000, s0;
	_ =	strace $0x80000047;
	[dreg:$0x5] =	wrdreg s6  }
0xa: {  	s11 =	sadd.s32 $0x3F600, s0;
	s13 =	sadd.s32 $0xF44E00, s0;
	[dreg:$0x6] =	wrdreg s25  }
0xb: {  	s3 =	sor.u32 s2, s3;
	s2 =	ssub.s32 $0x2, s2;
	[dreg:$0x3] =	wrdreg s16  }
0xc: {  	[dreg:$0x4] =	wrdreg s17;
	s8 =	smov.u32 s18;
	s6 =	smov.u32 s20  }
0xd: {  	s7 =	smov.u32 s21;
	s4 =	smul.u32 $0x50, s3;
	s9 =	sshll.u32 s3, $0x2  }
0xe: {  	s14 =	sshrl.u32 s2, $0x1;
	s15 =	smul.u32 $0x500, s3;
	s12 =	sadd.s32 s9, s0  }
0xf: {  	s1 =	sadd.s32 s1, s9;
	s9 =	simm.s32 $0x3;
	s4 =	sadd.s32 s4, s0  }
0x10: {  	s0 =	ssub.s32 s2, s14;
	s14 =	sadd.s32 $0x3F400, s12;
	[dreg:$0x10] =	wrdreg s1  }
0x11: {  	s16 =	sadd.s32 s16, s15;
	s22 =	sadd.s32 s17, s15;
	[dreg:$0x8] =	wrdreg s14  }
0x12: {  	s23 =	sadd.s32 s18, s15;
	s24 =	sadd.s32 s19, s15;
	[dreg:$0x9] =	wrdreg s16  }
0x13: {  	s25 =	sadd.s32 s20, s15;
	s17 =	simm.s32 $0x1;
	[dreg:$0xa] =	wrdreg s22  }
0x14: {  	s1 =	simm.s32 $0x18780;
	s26 =	sadd.s32 $0x3EA00, s4;
	[dreg:$0xb] =	wrdreg s23  }
0x15: {  	s4 =	sshll.u32 s3, $0x5;
	s22 =	smov.u32 s19;
	[dreg:$0xc] =	wrdreg s24  }
0x16: {  	[dreg:$0xd] =	wrdreg s25;
	s0 =	smax.u32 s0, $0x1;
	s25 =	simm.s32 $0x16F80  }
0x17: {  	s23 =	simm.s32 $0x16AD0;
	s24 =	simm.s32 $0x16B20;
	s14 =	simm.s32 $0x18700  }
0x18: {  	s3 =	simm.s32 $0x0;
	[dreg:$0x7] =	wrdreg s26;
	s26 =	sadd.s32 s21, s15  }
0x19: {  	s2 =	sor.u32 $0x1, s4;
	[dreg:$0x11] =	wrdreg s0;
	s4 =	simm.s32 $0x5  }
0x1a: {  	v0 =	vlaneseq.u32;
	s21 =	simm.s32 $0x16A80;
	s0 =	simm.s32 $0x15800;
	[dreg:$0xe] =	wrdreg s26  }
0x1b: {  	v1 =	vor.u32 $0x10, v0;
	s15 =	simm.s32 $0x2;
	[dreg:$0xf] =	wrdreg s2;
	s26 =	simm.s32 $0x16B70  }
.LBB2_1:
0x1c: {  	[dreg:$0x12] =	wrdreg s3  }
0x1d: {  	s2 =	rddreg [dreg:$0x5];
	s16 =	simm.s32 $0x18680  }
0x1e: {  	[tilespmem:s16], [sflag:$0x5] =	stream.linear.gather [hbm4b:s2+s5], $0x80, $0x38;
	[tilespmem:$0x18880] =	vst v63  }
0x1f: {  	_ =	swait.ge [sflag:s4], $0x80  }
0x20: {  	[sflag:s4] =	ssyncset.done $0x0  }
0x21: {  	s18 =	rddreg [dreg:$0x6];
	[sflag:s4] =	ssyncadd.s32 $0xFFFFFF80  }
0x22: {  	[tilespmem:s28], [sflag:$0x5] =	stream.linear.gather [hbm4b:s18+s5], $0x400, $0x38;
	[tilespmem:$0x18880] =	vst v63  }
0x23: {  	_ =	swait.ge [sflag:s4], $0x400  }
0x24: {  	[sflag:s4] =	ssyncset.done $0x0  }
0x25: {  	s20 =	simm.s32 $0x16800;
	s19 =	rddreg [dreg:$0x7];
	[sflag:s4] =	ssyncadd.s32 $0xFFFFFC00  }
0x26: {  	[tilespmem:s20], [sflag:$0x5] =	stream.linear.gather [hbm4b:s19+s5], $0x280, $0x38;
	[tilespmem:$0x18880] =	vst v63  }
0x27: {  	_ =	swait.ge [sflag:s4], $0x280  }
0x28: {  	[sflag:s4] =	ssyncset.done $0x0  }
0x29: {  	s12 =	rddreg [dreg:$0x8];
	[sflag:s4] =	ssyncadd.s32 $0xFFFFFD80  }
0x2a: {  	[tilespmem:s5], [sflag:$0x5] =	stream.linear.gather [hbm4b:s12+s5], $0x20, $0x38;
	[tilespmem:$0x18880] =	vst v63  }
0x2b: {  	_ =	swait.ge [sflag:s4], $0x20  }
0x2c: {  	[sflag:s4] =	ssyncset.done $0x0  }
0x2d: {  	[sflag:s4] =	ssyncadd.s32 $0xFFFFFFE0  }
0x2e: {  	v2 =	vld [tilespmem:$0x0];
	_ =	sdelay $0x1  }
0x2f: {  	v3 =	vld [tilespmem:$0x10];
	_ =	sdelay $0x2  }
0x30: {  	v4 =	vshrl.u32 v2, $0x2;
	v2 =	vshll.u32 v2, $0x5  }
0x31: {  	[tilespmem:$0x16A80] =	vst v4;
	v2 =	vand.u32 $0x60, v2  }
0x32: {  	[tilespmem:$0x16F80] =	vst v2;
	v2 =	vshrl.u32 v3, $0x2;
	v3 =	vshll.u32 v3, $0x5  }
0x33: {  	[tilespmem:$0x16A90] =	vst v2;
	v2 =	vand.u32 $0x60, v3  }
0x34: {  	s16 =	simm.s32 $0x20;
	[tilespmem:$0x16F90] =	vst v2;
	v2 =	vmov s5  }
0x35: {  	[tilespmem:s0], [sflag:$0x1] =	stream.indirect.gather [hbm4b:s13+s16], $0x80, s21, s16, $0xb8;
	[tilespmem:$0x18880] =	vst v63  }
0x36: {  	_ =	swait.ge [sflag:s17], $0x1000  }
0x37: {  	[sflag:s17] =	ssyncset.done $0x0  }
0x38: {  	[sflag:s17] =	ssyncadd.s32 $0xFFFFF000  }
0x39: {  	v3 =	vld.idx.msk [tilespmem:v2+s25+$0x0], $0xffff;
	_ =	sdelay $0x4  }
0x3a: {  	v4 =	vadd.s32 v0, v3  }
0x3b: {  	v2 =	vshll.u32 v2, $0x7;
	v3 =	vadd.s32 v1, v3;
	v5 =	vand.u32 $0xFFFFFF80, v4  }
0x3c: {  	v4 =	vand.u32 $0x7F, v4;
	v6 =	vand.u32 $0xFFFFFF80, v3;
	v5 =	vadd.s32 v2, v5  }
0x3d: {  	v3 =	vand.u32 $0x7F, v3;
	v2 =	vadd.s32 v2, v6;
	v4 =	vor.u32 v4, v5  }
0x3e: {  	v2 =	vor.u32 v3, v2;
	_ =	sdelay $0x3  }
0x3f: {  	v3 =	vld.idx.msk [tilespmem:v4+s0+$0x0], $0xffff  }
0x40: {  	s18 =	simm.s32 $0x1;
	v2 =	vld.idx.msk [tilespmem:v2+s0+$0x0], $0xffff  }
0x41: {  	v4 =	vmov s18;
	_ =	sdelay $0x1  }
0x42: {  	s19 =	sand.u32 $0x3E0, s5  }
0x43: {  	s2 =	simm.s32 $0x18290;
	[tilespmem:s19+$0x18280] =	vst v3  }
0x44: {  	[tilespmem:s2+$0x0] =	vst v2  }
0x45: {  	v2 =	vld.idx.msk [tilespmem:v4+s25+$0x0], $0xffff;
	_ =	sdelay $0x4  }
0x46: {  	v3 =	vadd.s32 v0, v2  }
0x47: {  	v4 =	vshll.u32 v4, $0x7;
	v2 =	vadd.s32 v1, v2;
	v5 =	vand.u32 $0xFFFFFF80, v3  }
0x48: {  	v3 =	vand.u32 $0x7F, v3;
	v6 =	vand.u32 $0xFFFFFF80, v2;
	v5 =	vadd.s32 v4, v5  }
0x49: {  	v2 =	vand.u32 $0x7F, v2;
	v4 =	vadd.s32 v4, v6;
	v3 =	vor.u32 v3, v5  }
0x4a: {  	v2 =	vor.u32 v2, v4;
	_ =	sdelay $0x3  }
0x4b: {  	v4 =	vld.idx.msk [tilespmem:v3+s0+$0x0], $0xffff  }
0x4c: {  	s20 =	simm.s32 $0x2;
	v3 =	vld.idx.msk [tilespmem:v2+s0+$0x0], $0xffff  }
0x4d: {  	v2 =	vmov s20  }
0x4e: {  	s3 =	simm.s32 $0x20;
	s4 =	simm.s32 $0x3  }
.LBB2_2:
0x4f: {  	p0 =	sne.s32 s4, $0x1F;
	s12 =	sand.u32 $0x3E0, s3  }
0x50: {  	s2 =	sadd.s32 $0x20, s2;
	[tilespmem:s12+$0x18280] =	vst v4  }
0x51: {  	[tilespmem:s2+$0x0] =	vst v3  }
0x52: {  	v3 =	vld.idx.msk [tilespmem:v2+s25+$0x0], $0xffff;
	_ =	sdelay $0x5  }
0x53: {  	v4 =	vadd.s32 v0, v3  }
0x54: {  	v2 =	vshll.u32 v2, $0x7;
	v3 =	vadd.s32 v1, v3;
	v5 =	vand.u32 $0xFFFFFF80, v4  }
0x55: {  	v4 =	vand.u32 $0x7F, v4;
	v6 =	vand.u32 $0xFFFFFF80, v3;
	v5 =	vadd.s32 v2, v5  }
0x56: {  	v3 =	vand.u32 $0x7F, v3;
	v2 =	vadd.s32 v2, v6;
	v4 =	vor.u32 v4, v5  }
0x57: {  	v2 =	vor.u32 v3, v2;
	_ =	sdelay $0x3  }
.Ltmp0:
0x58: {  	v4 =	vld.idx.msk [tilespmem:v4+s0+$0x0], $0xffff;
	(pc) =	sbr.rel @p0 .LBB2_2-.Ltmp0, $3  }
0x59: {  	v3 =	vld.idx.msk [tilespmem:v2+s0+$0x0], $0xffff;
	_ =	sdelay $0x1  }
0x5a: {  	v2 =	vmov s4  }
0x5b: {  	s3 =	sadd.s32 $0x20, s3;
	s4 =	sadd.s32 $0x1, s4  }
0x5c: {  	_ = 	snop  }
0x5d: {  	s4 =	sand.u32 $0x3E0, s3  }
0x5e: {  	s2 =	sadd.s32 $0x20, s2;
	[tilespmem:s4+$0x18280] =	vst v4  }
0x5f: {  	[tilespmem:s2+$0x0] =	vst v3  }
0x60: {  	v3 =	vld.idx.msk [tilespmem:v2+s25+$0x0], $0xffff;
	_ =	sdelay $0x4  }
0x61: {  	v4 =	vadd.s32 v0, v3  }
0x62: {  	v2 =	vshll.u32 v2, $0x7;
	v3 =	vadd.s32 v1, v3;
	v5 =	vand.u32 $0xFFFFFF80, v4  }
0x63: {  	v4 =	vand.u32 $0x7F, v4;
	v6 =	vand.u32 $0xFFFFFF80, v3;
	v5 =	vadd.s32 v2, v5  }
0x64: {  	v3 =	vand.u32 $0x7F, v3;
	v2 =	vadd.s32 v2, v6;
	v4 =	vor.u32 v4, v5  }
0x65: {  	v2 =	vor.u32 v3, v2;
	_ =	sdelay $0x3  }
0x66: {  	v3 =	vld.idx.msk [tilespmem:v4+s0+$0x0], $0xffff  }
0x67: {  	v2 =	vld.idx.msk [tilespmem:v2+s0+$0x0], $0xffff;
	_ =	sdelay $0x1  }
0x68: {  	s20 =	sadd.s32 $0x20, s3  }
0x69: {  	s3 =	sand.u32 $0x3E0, s20  }
0x6a: {  	s2 =	sadd.s32 $0x20, s2;
	[tilespmem:s3+$0x18280] =	vst v3  }
0x6b: {  	[tilespmem:s2+$0x0] =	vst v2;
	s2 =	simm.s32 $0x0  }
0x6c: {  	v3 =	vld [tilespmem:s2+$0x16800]  }
0x6d: {  	s3 =	simm.s32 $0x40;
	v2 =	vld [tilespmem:$0x18680]  }
.LBB2_4:
0x6e: {  	p0 =	sne.s32 s3, $0x9C0  }
.Ltmp1:
0x6f: {  	_ = 	snop;
	(pc) =	sbr.rel @p0 .LBB2_4-.Ltmp1, $4  }
0x70: {  	_ = 	snop  }
0x71: {  	s4 =	sshra.s32 s3, $0x2;
	s3 =	sadd.s32 $0x40, s3;
	v4 =	vshrl.u32 v3, $0x2;
	v5 =	vshll.u32 v3, $0x5  }
0x72: {  	v3 =	vld [tilespmem:s4+$0x16800];
	[tilespmem:s2+$0x16A80] =	vst v4;
	v4 =	vand.u32 $0x60, v5  }
0x73: {  	[tilespmem:s2+$0x16F80] =	vst v4;
	s2 =	smov.u32 s4  }
0x74: {  	_ =	sdelay $0x2  }
0x75: {  	v4 =	vshrl.u32 v3, $0x2;
	v3 =	vshll.u32 v3, $0x5  }
0x76: {  	[tilespmem:s2+$0x16A80] =	vst v4;
	v3 =	vand.u32 $0x60, v3  }
0x77: {  	[tilespmem:s2+$0x16F80] =	vst v3  }
0x78: {  	[tilespmem:s30], [sflag:$0x1] =	stream.indirect.gather [hbm4b:s13+s29], $0x80, s21, s29, $0xb8;
	[tilespmem:$0x18880] =	vst v63  }
0x79: {  	s18 =	simm.s32 $0x3700  }
0x7a: {  	[tilespmem:s18], [sflag:$0x1] =	stream.indirect.gather [hbm4b:s13+s29], $0x80, s23, s29, $0xb8;
	[tilespmem:$0x18880] =	vst v63  }
0x7b: {  	s19 =	simm.s32 $0x5F00  }
0x7c: {  	[tilespmem:s19], [sflag:$0x1] =	stream.indirect.gather [hbm4b:s13+s29], $0x80, s24, s29, $0xb8;
	[tilespmem:$0x18880] =	vst v63  }
0x7d: {  	s20 =	simm.s32 $0x8700  }
0x7e: {  	[tilespmem:s20], [sflag:$0x1] =	stream.indirect.gather [hbm4b:s13+s29], $0x80, s26, s29, $0xb8;
	[tilespmem:$0x18880] =	vst v63  }
0x7f: {  	_ =	swait.ge [sflag:s17], $0x2800  }
0x80: {  	[sflag:s17] =	ssyncset.done $0x0  }
0x81: {  	[sflag:s17] =	ssyncadd.s32 $0xFFFFD800  }
0x82: {  	_ =	swait.ge [sflag:s17], $0x2800  }
0x83: {  	[sflag:s17] =	ssyncset.done $0x0  }
0x84: {  	[sflag:s17] =	ssyncadd.s32 $0xFFFFD800  }
0x85: {  	_ =	swait.ge [sflag:s17], $0x2800  }
0x86: {  	[sflag:s17] =	ssyncset.done $0x0  }
0x87: {  	[sflag:s17] =	ssyncadd.s32 $0xFFFFD800  }
0x88: {  	_ =	swait.ge [sflag:s17], $0x2800  }
0x89: {  	[sflag:s17] =	ssyncset.done $0x0  }
0x8a: {  	s16 =	simm.s32 $0x0;
	s2 =	simm.s32 $0x0;
	[sflag:s17] =	ssyncadd.s32 $0xFFFFD800  }
.LBB2_6:
0x8b: {  	s3 =	sadd.s32 $0x0, s2  }
0x8c: {  	v3 =	vmov s3;
	_ =	sdelay $0x3  }
0x8d: {  	s18 =	sadd.s32 $0x1, s2  }
0x8e: {  	v7 =	vmov s18;
	v4 =	vld.idx.msk [tilespmem:v3+s25+$0x0], $0xffff;
	_ =	sdelay $0x4  }
0x8f: {  	s19 =	sadd.s32 $0x2, s2;
	v6 =	vld.idx.msk [tilespmem:v7+s25+$0x0], $0xffff;
	v8 =	vadd.s32 v0, v4;
	v4 =	vadd.s32 v1, v4  }
0x90: {  	v5 =	vmov s19;
	v3 =	vshll.u32 v3, $0x7;
	v9 =	vand.u32 $0xFFFFFF80, v4  }
0x91: {  	v4 =	vand.u32 $0x7F, v4;
	v9 =	vadd.s32 v3, v9  }
0x92: {  	v10 =	vand.u32 $0xFFFFFF80, v8;
	v4 =	vor.u32 v4, v9  }
0x93: {  	v8 =	vand.u32 $0x7F, v8;
	v3 =	vadd.s32 v3, v10  }
0x94: {  	s20 =	sadd.s32 $0x3, s2;
	v7 =	vshll.u32 v7, $0x7;
	v10 =	vadd.s32 v1, v6;
	v8 =	vor.u32 v8, v3  }
0x95: {  	v11 =	vld.idx.msk [tilespmem:v5+s25+$0x0], $0xffff;
	v9 =	vadd.s32 v0, v6;
	v6 =	vmov s20;
	v12 =	vand.u32 $0xFFFFFF80, v10  }
0x96: {  	v10 =	vand.u32 $0x7F, v10;
	v12 =	vadd.s32 v7, v12  }
0x97: {  	v13 =	vand.u32 $0xFFFFFF80, v9;
	v14 =	vand.u32 $0x7F, v9;
	v9 =	vor.u32 v10, v12;
	v4 =	vld.idx.msk [tilespmem:v4+s30+$0x0], $0xffff  }
0x98: {  	v13 =	vadd.s32 v7, v13  }
0x99: {  	s3 =	simm.s32 $0x4;
	v3 =	vimm.f32 $0.0e+00;
	v10 =	vor.u32 v14, v13;
	v7 =	vld.idx.msk [tilespmem:v8+s30+$0x0], $0xffff;
	v8 =	vimm.f32 $0.0e+00  }
.LBB2_7:
0x9a: {  	s4 =	sadd.s32 s3, s2;
	p0 =	sne.s32 s3, $0x13;
	s3 =	sadd.s32 $0x1, s3;
	v12 =	vadd.s32 v0, v11;
	v13 =	vadd.s32 v1, v11;
	v11 =	vld.idx.msk [tilespmem:v6+s25+$0x0], $0xffff  }
.Ltmp2:
0x9b: {  	v14 =	vshll.u32 v5, $0x7;
	v5 =	vmovc v6;
	v15 =	vand.u32 $0xFFFFFF80, v13;
	v6 =	vmov s4;
	(pc) =	sbr.rel @p0 .LBB2_7-.Ltmp2, $4  }
0x9c: {  	v13 =	vand.u32 $0x7F, v13;
	v3 =	vadd.f32 v4, v3;
	v15 =	vadd.s32 v14, v15;
	v4 =	vld.idx.msk [tilespmem:v9+s30+$0x0], $0xffff  }
0x9d: {  	v16 =	vand.u32 $0xFFFFFF80, v12;
	v12 =	vand.u32 $0x7F, v12;
	v9 =	vor.u32 v13, v15  }
0x9e: {  	v13 =	vadd.s32 v14, v16;
	v8 =	vadd.f32 v7, v8;
	v7 =	vld.idx.msk [tilespmem:v10+s30+$0x0], $0xffff  }
0x9f: {  	v10 =	vor.u32 v12, v13  }
0xa0: {  	_ =	sdelay $0x3  }
0xa1: {  	v12 =	vld.idx.msk [tilespmem:v6+s25+$0x0], $0xffff;
	_ =	sdelay $0x1  }
0xa2: {  	v13 =	vadd.s32 v0, v11;
	v57 =	vadd.s32 v1, v11;
	v5 =	vshll.u32 v5, $0x7  }
0xa3: {  	v59 =	vshll.u32 v6, $0x7;
	v14 =	vand.u32 $0xFFFFFF80, v57;
	v11 =	vand.u32 $0x7F, v57  }
0xa4: {  	v15 =	vand.u32 $0xFFFFFF80, v13;
	v13 =	vand.u32 $0x7F, v13;
	v14 =	vadd.s32 v5, v14  }
0xa5: {  	v5 =	vadd.s32 v5, v15;
	v11 =	vor.u32 v11, v14;
	v58 =	vadd.s32 v0, v12  }
0xa6: {  	v5 =	vor.u32 v13, v5;
	v12 =	vadd.s32 v1, v12;
	v60 =	vand.u32 $0xFFFFFF80, v58  }
0xa7: {  	v61 =	vand.u32 $0xFFFFFF80, v12;
	v13 =	vand.u32 $0x7F, v58;
	v14 =	vadd.s32 v59, v60  }
0xa8: {  	v12 =	vand.u32 $0x7F, v12;
	v6 =	vadd.s32 v59, v61;
	v13 =	vor.u32 v13, v14  }
0xa9: {  	v10 =	vld.idx.msk [tilespmem:v10+s30+$0x0], $0xffff;
	v6 =	vor.u32 v12, v6  }
0xaa: {  	v9 =	vld.idx.msk [tilespmem:v9+s30+$0x0], $0xffff  }
0xab: {  	v5 =	vld.idx.msk [tilespmem:v5+s30+$0x0], $0xffff  }
0xac: {  	v7 =	vadd.f32 v7, v8;
	v62 =	vld.idx.msk [tilespmem:v11+s30+$0x0], $0xffff  }
0xad: {  	v3 =	vadd.f32 v4, v3;
	v63 =	vld.idx.msk [tilespmem:v13+s30+$0x0], $0xffff  }
0xae: {  	v7 =	vadd.f32 v10, v7;
	v6 =	vld.idx.msk [tilespmem:v6+s30+$0x0], $0xffff  }
0xaf: {  	s3 =	sshll.u32 s16, $0x5;
	s16 =	sadd.s32 $0x1, s16;
	v3 =	vadd.f32 v9, v3  }
0xb0: {  	p0 =	sne.s32 s16, $0x10;
	v5 =	vadd.f32 v5, v7  }
.Ltmp3:
0xb1: {  	v3 =	vadd.f32 v62, v3;
	(pc) =	sbr.rel @p0 .LBB2_6-.Ltmp3, $4  }
0xb2: {  	v4 =	vadd.f32 v63, v5  }
0xb3: {  	s3 =	sand.u32 $0x3FFFFFE0, s3;
	v3 =	vadd.f32 v6, v3  }
0xb4: {  	[tilespmem:s3+$0x17E80] =	vst v4  }
0xb5: {  	s2 =	sadd.s32 $0x14, s2;
	[tilespmem:s3+$0x17E90] =	vst v3  }
0xb6: {  	s2 =	simm.s32 $0x16BC0  }
0xb7: {  	[tilespmem:s30], [sflag:$0x1] =	stream.indirect.gather [hbm4b:s13+s29], $0x80, s2, s29, $0xb8;
	[tilespmem:$0x18880] =	vst v63  }
0xb8: {  	s12 =	simm.s32 $0x3700;
	s3 =	simm.s32 $0x16C10  }
0xb9: {  	[tilespmem:s12], [sflag:$0x1] =	stream.indirect.gather [hbm4b:s13+s29], $0x80, s3, s29, $0xb8;
	[tilespmem:$0x18880] =	vst v63  }
0xba: {  	s16 =	simm.s32 $0x5F00;
	s18 =	simm.s32 $0x16C60  }
0xbb: {  	[tilespmem:s16], [sflag:$0x1] =	stream.indirect.gather [hbm4b:s13+s29], $0x80, s18, s29, $0xb8;
	[tilespmem:$0x18880] =	vst v63  }
0xbc: {  	s19 =	simm.s32 $0x8700;
	s20 =	simm.s32 $0x16CB0  }
0xbd: {  	[tilespmem:s19], [sflag:$0x1] =	stream.indirect.gather [hbm4b:s13+s29], $0x80, s20, s29, $0xb8;
	[tilespmem:$0x18880] =	vst v63  }
0xbe: {  	_ =	swait.ge [sflag:s17], $0x2800  }
0xbf: {  	[sflag:s17] =	ssyncset.done $0x0  }
0xc0: {  	[sflag:s17] =	ssyncadd.s32 $0xFFFFD800  }
0xc1: {  	_ =	swait.ge [sflag:s17], $0x2800  }
0xc2: {  	[sflag:s17] =	ssyncset.done $0x0  }
0xc3: {  	[sflag:s17] =	ssyncadd.s32 $0xFFFFD800  }
0xc4: {  	_ =	swait.ge [sflag:s17], $0x2800  }
0xc5: {  	[sflag:s17] =	ssyncset.done $0x0  }
0xc6: {  	[sflag:s17] =	ssyncadd.s32 $0xFFFFD800  }
0xc7: {  	_ =	swait.ge [sflag:s17], $0x2800  }
0xc8: {  	[sflag:s17] =	ssyncset.done $0x0  }
0xc9: {  	s2 =	simm.s32 $0x0;
	s16 =	simm.s32 $0x0;
	[sflag:s17] =	ssyncadd.s32 $0xFFFFD800  }
.LBB2_10:
0xca: {  	s3 =	sadd.s32 $0x0, s2  }
0xcb: {  	s4 =	sadd.s32 $0x140, s3  }
0xcc: {  	v3 =	vmov s4;
	_ =	sdelay $0x2  }
0xcd: {  	s18 =	sadd.s32 $0x1, s2  }
0xce: {  	s12 =	sadd.s32 $0x140, s18  }
0xcf: {  	v4 =	vmov s12;
	v3 =	vld.idx.msk [tilespmem:v3+s25+$0x0], $0xffff;
	_ =	sdelay $0x3  }
0xd0: {  	s12 =	sadd.s32 $0x2, s2  }
0xd1: {  	s17 =	sadd.s32 $0x140, s12;
	v4 =	vld.idx.msk [tilespmem:v4+s25+$0x0], $0xffff;
	v5 =	vadd.s32 v1, v3  }
0xd2: {  	s3 =	sshll.u32 s3, $0x7;
	v6 =	vmov s17;
	v3 =	vadd.s32 v0, v3;
	v7 =	vand.u32 $0xFFFFFF80, v5  }
0xd3: {  	v8 =	vand.u32 $0xFFFFFF80, v3;
	v5 =	vand.u32 $0x7F, v5;
	v7 =	vadd.s32 s3, v7  }
0xd4: {  	v3 =	vand.u32 $0x7F, v3;
	v8 =	vadd.s32 s3, v8;
	v5 =	vor.u32 v5, v7  }
0xd5: {  	s17 =	sadd.s32 $0x3, s2;
	v8 =	vor.u32 v3, v8  }
0xd6: {  	s19 =	sadd.s32 $0x140, s17;
	v7 =	vadd.s32 v0, v4;
	v4 =	vadd.s32 v1, v4  }
0xd7: {  	s20 =	sshll.u32 s18, $0x7;
	v10 =	vmov s19;
	v9 =	vld.idx.msk [tilespmem:v6+s25+$0x0], $0xffff;
	v11 =	vand.u32 $0xFFFFFF80, v4  }
0xd8: {  	v6 =	vand.u32 $0xFFFFFF80, v7;
	v12 =	vand.u32 $0x7F, v4;
	v11 =	vadd.s32 s20, v11  }
0xd9: {  	v13 =	vand.u32 $0x7F, v7;
	v6 =	vadd.s32 s20, v6;
	v7 =	vor.u32 v12, v11;
	v4 =	vld.idx.msk [tilespmem:v5+s30+$0x0], $0xffff  }
0xda: {  	s3 =	simm.s32 $0x4;
	v3 =	vimm.f32 $0.0e+00;
	v5 =	vld.idx.msk [tilespmem:v8+s30+$0x0], $0xffff;
	v8 =	vor.u32 v13, v6;
	v6 =	vimm.f32 $0.0e+00  }
.LBB2_11:
0xdb: {  	s4 =	sadd.s32 s3, s2;
	p0 =	sne.s32 s3, $0x13;
	s3 =	sadd.s32 $0x1, s3  }
.Ltmp4:
0xdc: {  	v11 =	vadd.s32 v0, v9;
	v12 =	vadd.s32 v1, v9;
	s18 =	sadd.s32 $0x140, s4;
	v9 =	vld.idx.msk [tilespmem:v10+s25+$0x0], $0xffff;
	(pc) =	sbr.rel @p0 .LBB2_11-.Ltmp4, $4  }
0xdd: {  	v13 =	vand.u32 $0xFFFFFF80, v11;
	v14 =	vand.u32 $0xFFFFFF80, v12;
	v10 =	vmov s18;
	s18 =	sshll.u32 s12, $0x7;
	s12 =	smov.u32 s17;
	s17 =	smov.u32 s4  }
0xde: {  	v15 =	vand.u32 $0x7F, v12;
	v3 =	vadd.f32 v4, v3;
	v14 =	vadd.s32 s18, v14;
	v4 =	vld.idx.msk [tilespmem:v7+s30+$0x0], $0xffff  }
0xdf: {  	v11 =	vand.u32 $0x7F, v11;
	v13 =	vadd.s32 s18, v13;
	v12 =	vmovc v5;
	v7 =	vor.u32 v15, v14;
	v5 =	vld.idx.msk [tilespmem:v8+s30+$0x0], $0xffff  }
0xe0: {  	v8 =	vor.u32 v11, v13;
	v6 =	vadd.f32 v12, v6  }
0xe1: {  	_ =	sdelay $0x3  }
0xe2: {  	v10 =	vld.idx.msk [tilespmem:v10+s25+$0x0], $0xffff;
	_ =	sdelay $0x1  }
0xe3: {  	v11 =	vadd.s32 v0, v9;
	v57 =	vadd.s32 v1, v9  }
0xe4: {  	s3 =	sshll.u32 s12, $0x7;
	v12 =	vand.u32 $0xFFFFFF80, v11;
	v13 =	vand.u32 $0xFFFFFF80, v57  }
0xe5: {  	v9 =	vand.u32 $0x7F, v57;
	v11 =	vand.u32 $0x7F, v11;
	v13 =	vadd.s32 s3, v13  }
0xe6: {  	v12 =	vadd.s32 s3, v12;
	v9 =	vor.u32 v9, v13;
	v58 =	vadd.s32 v0, v10  }
0xe7: {  	s19 =	sshll.u32 s17, $0x7;
	v11 =	vor.u32 v11, v12;
	v10 =	vadd.s32 v1, v10;
	v59 =	vand.u32 $0xFFFFFF80, v58  }
0xe8: {  	v14 =	vand.u32 $0xFFFFFF80, v10;
	v13 =	vand.u32 $0x7F, v58;
	v12 =	vadd.s32 s19, v59  }
0xe9: {  	v10 =	vand.u32 $0x7F, v10;
	v60 =	vadd.s32 s19, v14;
	v12 =	vor.u32 v13, v12  }
0xea: {  	v8 =	vld.idx.msk [tilespmem:v8+s30+$0x0], $0xffff;
	v10 =	vor.u32 v10, v60  }
0xeb: {  	v7 =	vld.idx.msk [tilespmem:v7+s30+$0x0], $0xffff  }
0xec: {  	v11 =	vld.idx.msk [tilespmem:v11+s30+$0x0], $0xffff  }
0xed: {  	v5 =	vadd.f32 v5, v6;
	v61 =	vld.idx.msk [tilespmem:v9+s30+$0x0], $0xffff  }
0xee: {  	v3 =	vadd.f32 v4, v3;
	v62 =	vld.idx.msk [tilespmem:v12+s30+$0x0], $0xffff  }
0xef: {  	v5 =	vadd.f32 v8, v5;
	v63 =	vld.idx.msk [tilespmem:v10+s30+$0x0], $0xffff  }
0xf0: {  	s20 =	sshll.u32 s16, $0x5;
	s16 =	sadd.s32 $0x1, s16;
	v3 =	vadd.f32 v7, v3  }
0xf1: {  	p0 =	sne.s32 s16, $0x10;
	v5 =	vadd.f32 v11, v5  }
.Ltmp5:
0xf2: {  	v3 =	vadd.f32 v61, v3;
	(pc) =	sbr.rel @p0 .LBB2_10-.Ltmp5, $4  }
0xf3: {  	v4 =	vadd.f32 v62, v5  }
0xf4: {  	s4 =	sand.u32 $0x1E0, s20;
	v3 =	vadd.f32 v63, v3  }
0xf5: {  	[tilespmem:s4+$0x18080] =	vst v4  }
0xf6: {  	s2 =	sadd.s32 $0x14, s2;
	[tilespmem:s20+$0x18090] =	vst v3  }
0xf7: {  	s2 =	simm.s32 $0x0;
	s3 =	rddreg [dreg:$0x9]  }
0xf8: {  	[tilespmem:s2], [sflag:$0x2] =	stream.linear.gather [hbm4b:s3+s2], $0x140, $0x38;
	[tilespmem:$0x18880] =	vst v63  }
0xf9: {  	s18 =	rddreg [dreg:$0xa];
	s4 =	simm.s32 $0x140  }
0xfa: {  	[tilespmem:s4], [sflag:$0x2] =	stream.linear.gather [hbm4b:s18+s2], $0x140, $0x38;
	[tilespmem:$0x18880] =	vst v63  }
0xfb: {  	s19 =	rddreg [dreg:$0xb];
	s20 =	simm.s32 $0x280  }
0xfc: {  	[tilespmem:s20], [sflag:$0x2] =	stream.linear.gather [hbm4b:s19+s2], $0x140, $0x38;
	[tilespmem:$0x18880] =	vst v63  }
0xfd: {  	s5 =	rddreg [dreg:$0xc];
	s12 =	simm.s32 $0x3C0  }
0xfe: {  	[tilespmem:s12], [sflag:$0x2] =	stream.linear.gather [hbm4b:s5+s2], $0x140, $0x38;
	[tilespmem:$0x18880] =	vst v63  }
0xff: {  	s16 =	rddreg [dreg:$0xd];
	s17 =	simm.s32 $0x500  }
0x100: {  	[tilespmem:s17], [sflag:$0x2] =	stream.linear.gather [hbm4b:s16+s2], $0x140, $0x38;
	[tilespmem:$0x18880] =	vst v63  }
0x101: {  	s18 =	rddreg [dreg:$0xe];
	s19 =	simm.s32 $0x640  }
0x102: {  	[tilespmem:s19], [sflag:$0x2] =	stream.linear.gather [hbm4b:s18+s2], $0x140, $0x38;
	[tilespmem:$0x18880] =	vst v63  }
0x103: {  	_ =	swait.ge [sflag:s15], $0x140  }
0x104: {  	[sflag:s15] =	ssyncset.done $0x0  }
0x105: {  	[sflag:s15] =	ssyncadd.s32 $0xFFFFFEC0  }
0x106: {  	_ =	swait.ge [sflag:s15], $0x140  }
0x107: {  	[sflag:s15] =	ssyncset.done $0x0  }
0x108: {  	[sflag:s15] =	ssyncadd.s32 $0xFFFFFEC0  }
0x109: {  	_ =	swait.ge [sflag:s15], $0x140  }
0x10a: {  	[sflag:s15] =	ssyncset.done $0x0  }
0x10b: {  	[sflag:s15] =	ssyncadd.s32 $0xFFFFFEC0  }
0x10c: {  	_ =	swait.ge [sflag:s15], $0x140  }
0x10d: {  	[sflag:s15] =	ssyncset.done $0x0  }
0x10e: {  	[sflag:s15] =	ssyncadd.s32 $0xFFFFFEC0  }
0x10f: {  	_ =	swait.ge [sflag:s15], $0x140  }
0x110: {  	p0 =	por $0x0, $0x0;
	s2 =	simm.s32 $0xFFFFFEC;
	[sflag:s15] =	ssyncset.done $0x0  }
0x111: {  	s2 =	simm.s32 @!p0 $0x0;
	[sflag:s15] =	ssyncadd.s32 $0xFFFFFEC0  }
0x112: {  	s3 =	simm.s32 $0x3C0;
	s2 =	sadd.s32 $0x0, s2;
	_ =	swait.ge [sflag:s15], $0x140  }
0x113: {  	s3 =	simm.s32 @!p0 $0x0;
	s2 =	sshll.u32 s2, $0x4;
	[sflag:s15] =	ssyncset.done $0x0  }
0x114: {  	s3 =	sadd.s32 s2, s3;
	[sflag:s15] =	ssyncadd.s32 $0xFFFFFEC0  }
0x115: {  	v3 =	vld [tilespmem:s3+$0x140];
	_ =	sdelay $0x4  }
0x116: {  	v4 =	vand.u32 $0x3, v3  }
0x117: {  	s2 =	simm.s32 $0x16A80;
	v3 =	vshrl.u32 v3, $0x2;
	v5 =	vmul.u32 $0x3D090, v4  }
0x118: {  	s20 =	simm.s32 $0x16F80;
	[tilespmem:s2+$0x0] =	vst v3;
	v4 =	vshll.u32 v4, $0x5  }
0x119: {  	s12 =	simm.s32 $0x17980;
	[tilespmem:s20+$0x0] =	vst v4;
	v3 =	vadd.s32 v3, v5  }
0x11a: {  	[tilespmem:s12+$0x0] =	vst v3  }
0x11b: {  	v3 =	vld [tilespmem:s3+$0x0];
	_ =	sdelay $0x4  }
0x11c: {  	s4 =	simm.s32 $0x2;
	p0 =	por $0x0, $0x0;
	s3 =	simm.s32 $0xFFFFFEC;
	v4 =	vand.u32 $0x3, v3  }
0x11d: {  	s17 =	simm.s32 $0x17480;
	s18 =	simm.s32 $0x3C0;
	s3 =	simm.s32 @!p0 $0x0;
	v4 =	vmul.u32 $0x3D090, v4  }
0x11e: {  	s16 =	simm.s32 $0x17990;
	s18 =	simm.s32 @!p0 $0x0;
	s3 =	sadd.s32 $0x1, s3;
	v3 =	vshrl.u32 v3, $0x2  }
0x11f: {  	s12 =	simm.s32 $0x17490;
	s19 =	sshll.u32 s3, $0x4;
	s3 =	simm.s32 $0x16F90;
	v3 =	vadd.s32 v3, v4  }
.LBB2_14:
0x120: {  	s18 =	sadd.s32 s19, s18;
	s2 =	sadd.s32 $0x10, s2  }
0x121: {  	[tilespmem:s17+$0x0] =	vst v3;
	s19 =	smov.u32 s4;
	s20 =	sadd.s32 $0x1, s4;
	s17 =	smov.u32 s12  }
0x122: {  	p0 =	sne.s32 s4, $0x27;
	v3 =	vld [tilespmem:s18+$0x140];
	_ =	sdelay $0x4  }
0x123: {  	v4 =	vand.u32 $0x3, v3  }
0x124: {  	v3 =	vshrl.u32 v3, $0x2;
	v5 =	vmul.u32 $0x3D090, v4  }
0x125: {  	v4 =	vshll.u32 v4, $0x5;
	[tilespmem:s2+$0x0] =	vst v3  }
0x126: {  	[tilespmem:s3+$0x0] =	vst v4;
	v3 =	vadd.s32 v3, v5  }
0x127: {  	[tilespmem:s16+$0x0] =	vst v3  }
0x128: {  	v3 =	vld [tilespmem:s18+$0x0];
	_ =	sdelay $0x3  }
.Ltmp6:
0x129: {  	s4 =	simm.s32 $0xFFFFFEC;
	p1 =	sgt.u32 s19, $0x13;
	(pc) =	sbr.rel @p0 .LBB2_14-.Ltmp6, $4  }
0x12a: {  	s4 =	simm.s32 @!p1 $0x0;
	v4 =	vand.u32 $0x3, v3  }
0x12b: {  	s12 =	sadd.s32 $0x10, s12;
	s4 =	sadd.s32 s19, s4;
	v4 =	vmul.u32 $0x3D090, v4  }
0x12c: {  	s19 =	sshll.u32 s4, $0x4;
	s16 =	sadd.s32 $0x10, s16;
	s18 =	simm.s32 $0x3C0;
	v3 =	vshrl.u32 v3, $0x2  }
0x12d: {  	s4 =	smov.u32 s20;
	s3 =	sadd.s32 $0x10, s3;
	s18 =	simm.s32 @!p1 $0x0;
	v3 =	vadd.s32 v3, v4  }
0x12e: {  	s4 =	sadd.s32 s19, s18;
	[tilespmem:s17+$0x0] =	vst v3  }
0x12f: {  	v3 =	vld [tilespmem:s4+$0x140];
	_ =	sdelay $0x4  }
0x130: {  	v4 =	vand.u32 $0x3, v3  }
0x131: {  	s2 =	sadd.s32 $0x10, s2;
	v3 =	vshrl.u32 v3, $0x2;
	v5 =	vmul.u32 $0x3D090, v4  }
0x132: {  	[tilespmem:s2+$0x0] =	vst v3;
	v4 =	vshll.u32 v4, $0x5  }
0x133: {  	[tilespmem:s3+$0x0] =	vst v4;
	v3 =	vadd.s32 v3, v5  }
0x134: {  	[tilespmem:s16+$0x0] =	vst v3  }
0x135: {  	v3 =	vld [tilespmem:s4+$0x0];
	_ =	sdelay $0x4  }
0x136: {  	v63 =	vand.u32 $0x3, v3  }
0x137: {  	v4 =	vmul.u32 $0x3D090, v63  }
0x138: {  	v3 =	vshrl.u32 v3, $0x2  }
0x139: {  	v3 =	vadd.s32 v3, v4  }
0x13a: {  	[tilespmem:s12+$0x0] =	vst v3  }
0x13b: {  	[tilespmem:s30], [sflag:$0x3] =	stream.indirect.gather [hbm4b:s13+s29], $0x80, s21, s29, $0xb8;
	[tilespmem:$0x18880] =	vst v63  }
0x13c: {  	s17 =	simm.s32 $0x14F00;
	s16 =	simm.s32 $0x17480  }
0x13d: {  	[tilespmem:s17], [sflag:$0x3] =	stream.indirect.gather [hbm4b:s10+s29], $0x1, s16, s29, $0xb8;
	[tilespmem:$0x18880] =	vst v63  }
0x13e: {  	s18 =	simm.s32 $0x17980;
	s19 =	simm.s32 $0x15180  }
0x13f: {  	[tilespmem:s19], [sflag:$0x3] =	stream.indirect.gather [hbm4b:s11+s29], $0x1, s18, s29, $0xb8;
	[tilespmem:$0x18880] =	vst v63  }
0x140: {  	s20 =	simm.s32 $0x3700  }
0x141: {  	[tilespmem:s20], [sflag:$0x3] =	stream.indirect.gather [hbm4b:s13+s29], $0x80, s23, s29, $0xb8;
	[tilespmem:$0x18880] =	vst v63  }
0x142: {  	s21 =	simm.s32 $0x174D0;
	s23 =	simm.s32 $0x14F50  }
0x143: {  	[tilespmem:s23], [sflag:$0x3] =	stream.indirect.gather [hbm4b:s10+s29], $0x1, s21, s29, $0xb8;
	[tilespmem:$0x18880] =	vst v63  }
0x144: {  	s5 =	simm.s32 $0x151D0;
	s4 =	simm.s32 $0x179D0  }
0x145: {  	[tilespmem:s5], [sflag:$0x3] =	stream.indirect.gather [hbm4b:s11+s29], $0x1, s4, s29, $0xb8;
	[tilespmem:$0x18880] =	vst v63  }
0x146: {  	s12 =	simm.s32 $0x5F00  }
0x147: {  	[tilespmem:s12], [sflag:$0x3] =	stream.indirect.gather [hbm4b:s13+s29], $0x80, s24, s29, $0xb8;
	[tilespmem:$0x18880] =	vst v63  }
0x148: {  	s16 =	simm.s32 $0x17520;
	s17 =	simm.s32 $0x14FA0  }
0x149: {  	[tilespmem:s17], [sflag:$0x3] =	stream.indirect.gather [hbm4b:s10+s29], $0x1, s16, s29, $0xb8;
	[tilespmem:$0x18880] =	vst v63  }
0x14a: {  	s18 =	simm.s32 $0x17A20;
	s19 =	simm.s32 $0x15220  }
0x14b: {  	[tilespmem:s19], [sflag:$0x3] =	stream.indirect.gather [hbm4b:s11+s29], $0x1, s18, s29, $0xb8;
	[tilespmem:$0x18880] =	vst v63  }
0x14c: {  	s20 =	simm.s32 $0x8700  }
0x14d: {  	[tilespmem:s20], [sflag:$0x3] =	stream.indirect.gather [hbm4b:s13+s29], $0x80, s26, s29, $0xb8;
	[tilespmem:$0x18880] =	vst v63  }
0x14e: {  	p0 =	por $0x1, $0x1;
	s21 =	simm.s32 $0x17570;
	s23 =	simm.s32 $0x14FF0  }
0x14f: {  	[tilespmem:s23], [sflag:$0x3] =	stream.indirect.gather [hbm4b:s10+s29], $0x1, s21, s29, $0xb8;
	[tilespmem:$0x18880] =	vst v63  }
0x150: {  	s2 =	simm.s32 $0x0;
	s24 =	simm.s32 $0x17A70;
	s26 =	simm.s32 $0x15270  }
0x151: {  	[tilespmem:s26], [sflag:$0x3] =	stream.indirect.gather [hbm4b:s11+s29], $0x1, s24, s29, $0xb8;
	[tilespmem:$0x18880] =	vst v63  }
.LBB2_16:
0x152: {  	s16 =	sand.u32 $0x1, s2  }
0x153: {  	s20 =	smul.u32 $0x280, s16;
	_ =	sdelay $0x1  }
0x154: {  	s4 =	simm.s32 $0xAF00;
	s3 =	sadd.s32 $0x16BC0, s20  }
0x155: {  	[tilespmem:s4], [sflag:$0x4] =	stream.indirect.gather [hbm4b:s13+s29], $0x80, s3, s29, $0xb8;
	[tilespmem:$0x18880] =	vst v63  }
0x156: {  	s23 =	simm.s32 $0x15040;
	s21 =	sadd.s32 $0x175C0, s20  }
0x157: {  	[tilespmem:s23], [sflag:$0x4] =	stream.indirect.gather [hbm4b:s10+s29], $0x1, s21, s29, $0xb8;
	[tilespmem:$0x18880] =	vst v63  }
0x158: {  	s26 =	simm.s32 $0x152C0;
	s24 =	sadd.s32 $0x17AC0, s20  }
0x159: {  	[tilespmem:s26], [sflag:$0x4] =	stream.indirect.gather [hbm4b:s11+s29], $0x1, s24, s29, $0xb8;
	[tilespmem:$0x18880] =	vst v63  }
0x15a: {  	s5 =	simm.s32 $0xD700;
	s4 =	sor.u32 $0x16C10, s20  }
0x15b: {  	[tilespmem:s5], [sflag:$0x4] =	stream.indirect.gather [hbm4b:s13+s29], $0x80, s4, s29, $0xb8;
	[tilespmem:$0x18880] =	vst v63  }
0x15c: {  	s17 =	simm.s32 $0x15090;
	s12 =	sadd.s32 $0x17610, s20  }
0x15d: {  	[tilespmem:s17], [sflag:$0x4] =	stream.indirect.gather [hbm4b:s10+s29], $0x1, s12, s29, $0xb8;
	[tilespmem:$0x18880] =	vst v63  }
0x15e: {  	s19 =	simm.s32 $0x15310;
	s18 =	sadd.s32 $0x17B10, s20  }
0x15f: {  	[tilespmem:s19], [sflag:$0x4] =	stream.indirect.gather [hbm4b:s11+s29], $0x1, s18, s29, $0xb8;
	[tilespmem:$0x18880] =	vst v63  }
0x160: {  	s21 =	sor.u32 $0x16C60, s20;
	s23 =	simm.s32 $0xFF00  }
0x161: {  	[tilespmem:s23], [sflag:$0x4] =	stream.indirect.gather [hbm4b:s13+s29], $0x80, s21, s29, $0xb8;
	[tilespmem:$0x18880] =	vst v63  }
0x162: {  	s24 =	sadd.s32 $0x17660, s20;
	s26 =	simm.s32 $0x150E0  }
0x163: {  	[tilespmem:s26], [sflag:$0x4] =	stream.indirect.gather [hbm4b:s10+s29], $0x1, s24, s29, $0xb8;
	[tilespmem:$0x18880] =	vst v63  }
0x164: {  	p1 =	seq.s32 s2, $0x1F;
	s5 =	sadd.s32 $0x17B60, s20;
	s12 =	simm.s32 $0x15360  }
0x165: {  	[tilespmem:s12], [sflag:$0x4] =	stream.indirect.gather [hbm4b:s11+s29], $0x1, s5, s29, $0xb8;
	[tilespmem:$0x18880] =	vst v63  }
0x166: {  	s4 =	rddreg [dreg:$0xf];
	s17 =	sadd.s32 $0x16CB0, s20;
	s18 =	simm.s32 $0x12700  }
0x167: {  	[tilespmem:s18], [sflag:$0x4] =	stream.indirect.gather [hbm4b:s13+s29], $0x80, s17, s29, $0xb8;
	[tilespmem:$0x18880] =	vst v63  }
0x168: {  	s4 =	sadd.s32 @!p1 s2, s4;
	s19 =	sadd.s32 $0x176B0, s20;
	s21 =	simm.s32 $0x15130  }
0x169: {  	[tilespmem:s21], [sflag:$0x4] =	stream.indirect.gather [hbm4b:s10+s29], $0x1, s19, s29, $0xb8;
	[tilespmem:$0x18880] =	vst v63  }
0x16a: {  	s4 =	smul.u32 @!p1 $0x28, s4;
	s19 =	sxor.u32 $0x1, s16  }
0x16b: {  	s12 =	sadd.s32 $0x17BB0, s20;
	s5 =	simm.s32 $0x153B0;
	s3 =	smul.u32 @!p1 $0x1E00, s19  }
0x16c: {  	[tilespmem:s5], [sflag:$0x4] =	stream.indirect.gather [hbm4b:s11+s29], $0x1, s12, s29, $0xb8;
	[tilespmem:$0x18880] =	vst v63  }
0x16d: {  	s17 =	simm.s32 @!p1 $0x0;
	s5 =	rddreg [dreg:$0x3]  }
0x16e: {  	s3 =	sshrl.u32 @!p1 s3, $0x2;
	s12 =	sadd.s32 @!p1 s5, s4;
	s5 =	rddreg [dreg:$0x4]  }
0x16f: {  	[tilespmem:s3], [sflag:$0x2] =	stream.linear.gather @!p1 [hbm4b:s12+s17], $0x140, $0x38;
	[tilespmem:$0x18880] =	vst v63  }
0x170: {  	s12 =	sadd.s32 @!p1 $0x140, s3;
	s18 =	sadd.s32 @!p1 s5, s4  }
0x171: {  	[tilespmem:s12], [sflag:$0x2] =	stream.linear.gather @!p1 [hbm4b:s18+s17], $0x140, $0x38;
	[tilespmem:$0x18880] =	vst v63  }
0x172: {  	s12 =	sadd.s32 @!p1 $0x280, s3;
	s18 =	sadd.s32 @!p1 s8, s4  }
0x173: {  	[tilespmem:s12], [sflag:$0x2] =	stream.linear.gather @!p1 [hbm4b:s18+s17], $0x140, $0x38;
	[tilespmem:$0x18880] =	vst v63  }
0x174: {  	s12 =	sadd.s32 @!p1 $0x3C0, s3;
	s18 =	sadd.s32 @!p1 s22, s4  }
0x175: {  	[tilespmem:s12], [sflag:$0x2] =	stream.linear.gather @!p1 [hbm4b:s18+s17], $0x140, $0x38;
	[tilespmem:$0x18880] =	vst v63  }
0x176: {  	s12 =	sadd.s32 @!p1 $0x500, s3;
	s18 =	sadd.s32 @!p1 s6, s4  }
0x177: {  	[tilespmem:s12], [sflag:$0x2] =	stream.linear.gather @!p1 [hbm4b:s18+s17], $0x140, $0x38;
	[tilespmem:$0x18880] =	vst v63  }
0x178: {  	s3 =	sadd.s32 @!p1 $0x640, s3;
	s4 =	sadd.s32 @!p1 s7, s4  }
0x179: {  	[tilespmem:s3], [sflag:$0x2] =	stream.linear.gather @!p1 [hbm4b:s4+s17], $0x140, $0x38;
	[tilespmem:$0x18880] =	vst v63  }
0x17a: {  	_ =	swait.ge [sflag:s9], $0x2800  }
0x17b: {  	[sflag:s9] =	ssyncset.done $0x0  }
0x17c: {  	[sflag:s9] =	ssyncadd.s32 $0xFFFFD800  }
0x17d: {  	_ =	swait.ge [sflag:s9], $0x50  }
0x17e: {  	[sflag:s9] =	ssyncset.done $0x0  }
0x17f: {  	[sflag:s9] =	ssyncadd.s32 $0xFFFFFFB0  }
0x180: {  	_ =	swait.ge [sflag:s9], $0x50  }
0x181: {  	[sflag:s9] =	ssyncset.done $0x0  }
0x182: {  	[sflag:s9] =	ssyncadd.s32 $0xFFFFFFB0  }
0x183: {  	_ =	swait.ge [sflag:s9], $0x2800  }
0x184: {  	[sflag:s9] =	ssyncset.done $0x0  }
0x185: {  	[sflag:s9] =	ssyncadd.s32 $0xFFFFD800  }
0x186: {  	_ =	swait.ge [sflag:s9], $0x50  }
0x187: {  	[sflag:s9] =	ssyncset.done $0x0  }
0x188: {  	[sflag:s9] =	ssyncadd.s32 $0xFFFFFFB0  }
0x189: {  	_ =	swait.ge [sflag:s9], $0x50  }
0x18a: {  	[sflag:s9] =	ssyncset.done $0x0  }
0x18b: {  	[sflag:s9] =	ssyncadd.s32 $0xFFFFFFB0  }
0x18c: {  	_ =	swait.ge [sflag:s9], $0x2800  }
0x18d: {  	[sflag:s9] =	ssyncset.done $0x0  }
0x18e: {  	[sflag:s9] =	ssyncadd.s32 $0xFFFFD800  }
0x18f: {  	_ =	swait.ge [sflag:s9], $0x50  }
0x190: {  	[sflag:s9] =	ssyncset.done $0x0  }
0x191: {  	[sflag:s9] =	ssyncadd.s32 $0xFFFFFFB0  }
0x192: {  	_ =	swait.ge [sflag:s9], $0x50  }
0x193: {  	[sflag:s9] =	ssyncset.done $0x0  }
0x194: {  	[sflag:s9] =	ssyncadd.s32 $0xFFFFFFB0  }
0x195: {  	_ =	swait.ge [sflag:s9], $0x2800  }
0x196: {  	[sflag:s9] =	ssyncset.done $0x0  }
0x197: {  	[sflag:s9] =	ssyncadd.s32 $0xFFFFD800  }
0x198: {  	_ =	swait.ge [sflag:s9], $0x50  }
0x199: {  	[sflag:s9] =	ssyncset.done $0x0  }
0x19a: {  	[sflag:s9] =	ssyncadd.s32 $0xFFFFFFB0  }
0x19b: {  	_ =	swait.ge [sflag:s9], $0x50  }
0x19c: {  	s23 =	sshll.u32 s2, $0x5;
	s24 =	smul.u32 $0x780, s16;
	[sflag:s9] =	ssyncset.done $0x0  }
0x19d: {  	s26 =	sand.u32 $0x3FFFFFE0, s23;
	s3 =	simm.s32 $0x1;
	[sflag:s9] =	ssyncadd.s32 $0xFFFFFFB0  }
0x19e: {  	s23 =	simm.s32 $0x0;
	s21 =	sadd.s32 $0x280, s24;
	s3 =	simm.s32 @!p0 $0x0;
	v4 =	vld [tilespmem:s26+$0x17E80]  }
0x19f: {  	s24 =	simm.s32 $0x0;
	s17 =	sadd.s32 $0x140, s20;
	s18 =	smul.u32 $0x280, s3;
	v3 =	vld [tilespmem:s26+$0x17E90]  }
.LBB2_17:
0x1a0: {  	s3 =	sshll.u32 s24, $0x4  }
0x1a1: {  	s4 =	sadd.s32 s3, s21  }
0x1a2: {  	s12 =	sand.u32 $0x70, s3;
	s4 =	sand.u32 $0x1F80, s4  }
0x1a3: {  	s4 =	sor.u32 s12, s4  }
0x1a4: {  	v5 =	vld [tilespmem:s4+$0x0];
	_ =	sdelay $0x6  }
0x1a5: {  	v6 =	vld [tilespmem:s3+$0x14F00]  }
0x1a6: {  	v5 =	vld.idx.msk [tilespmem:v5+s28+$0x0], $0xffff;
	_ =	sdelay $0x1  }
0x1a7: {  	v7 =	vld [tilespmem:s3+$0x15180];
	_ =	sdelay $0x2  }
0x1a8: {  	v5 =	vadd.f32 v5, v6;
	_ =	sdelay $0x1  }
0x1a9: {  	v5 =	vadd.f32 v5, v7;
	_ =	sdelay $0x1  }
0x1aa: {  	v5 =	vadd.f32 v5, v2;
	_ =	sdelay $0x1  }
0x1ab: {  	v5 =	vsub.f32 $0.0e+00, v5;
	_ =	sdelay $0x1  }
0x1ac: {  	v5 =	vmul.f32 $1.442695020e+00, v5;
	_ =	sdelay $0x1  }
0x1ad: {  	(erf) = vpow2.f32 v5;
	_ =	sdelay $0x8  }
0x1ae: {  	v5 =	vpop (erf)  }
0x1af: {  	v5 =	vadd.f32 $1.000000000e+00, v5;
	_ =	sdelay $0x1  }
0x1b0: {  	(erf) = vrcp.f32 v5;
	_ =	sdelay $0x8  }
0x1b1: {  	v5 =	vpop (erf)  }
0x1b2: {  	v5 =	vmul.f32 $1.442695020e+00, v5;
	_ =	sdelay $0x1  }
0x1b3: {  	(erf) = vpow2.f32 v5;
	_ =	sdelay $0x8  }
0x1b4: {  	v5 =	vpop (erf)  }
0x1b5: {  	(xrf2) =	vadd.scan.msk.f32 $0xffff, v5;
	_ =	sdelay $0x9  }
0x1b6: {  	v6, _, _ =	vpop (xrf2)  }
0x1b7: {  	v6 =	vbroadcast v6, $0xF;
	_ =	sdelay $0x1  }
0x1b8: {  	(erf) = vrcp.f32 v6;
	_ =	sdelay $0x8  }
0x1b9: {  	v6 =	vpop (erf)  }
0x1ba: {  	s5 =	simm.s32 $0x0;
	s3 =	sadd.s32 s20, s3;
	v5 =	vmul.f32 v6, v5  }
0x1bb: {  	s3 =	sand.u32 $0x780, s3;
	v6 =	vmov s5  }
0x1bc: {  	s3 =	sor.u32 s12, s3;
	[tilespmem:$0x18700] =	vst v5;
	v5 =	vand.u32 $0xFFFFFFFE, v6  }
0x1bd: {  	v6 =	vld [tilespmem:s3+$0x16F80];
	v8 =	vbroadcast v5, $0x0;
	_ =	sdelay $0x3  }
0x1be: {  	s12 =	simm.s32 $0x1  }
0x1bf: {  	v5 =	vmov s12;
	[tilespmem:$0x18780] =	vst v6  }
0x1c0: {  	v9 =	vld.idx.msk [tilespmem:v8+s1+$0x0], $0xffff;
	_ =	sdelay $0x2  }
0x1c1: {  	s4 =	simm.s32 $0x2  }
0x1c2: {  	s5 =	simm.s32 $0x3;
	v6 =	vmov s4;
	v10 =	vld.idx.msk [tilespmem:v5+s1+$0x0], $0xffff  }
0x1c3: {  	v7 =	vmov s5;
	s12 =	sadd.s32 $0x0, s23;
	v6 =	vand.u32 $0xFFFFFFFE, v6;
	v11 =	vadd.s32 v0, v9  }
0x1c4: {  	s3 =	sshll.u32 s12, $0x7;
	v6 =	vbroadcast v6, $0x0;
	v9 =	vadd.s32 v1, v9;
	v12 =	vand.u32 $0xFFFFFF80, v11  }
0x1c5: {  	v11 =	vand.u32 $0x7F, v11;
	v13 =	vand.u32 $0xFFFFFF80, v9;
	v12 =	vadd.s32 s3, v12  }
0x1c6: {  	v9 =	vand.u32 $0x7F, v9;
	v11 =	vor.u32 v11, v12;
	v12 =	vadd.s32 s3, v13  }
0x1c7: {  	v13 =	vadd.s32 v0, v10;
	v12 =	vor.u32 v9, v12  }
0x1c8: {  	s3 =	sadd.s32 $0x80, s3;
	v9 =	vadd.s32 v1, v10;
	v10 =	vand.u32 $0xFFFFFF80, v13;
	v14 =	vand.u32 $0x7F, v13  }
0x1c9: {  	v16 =	vld.idx.msk [tilespmem:v7+s1+$0x0], $0xffff;
	v17 =	vand.u32 $0x7F, v9;
	v10 =	vadd.s32 s3, v10;
	v9 =	vand.u32 $0xFFFFFF80, v9  }
0x1ca: {  	v5 =	vld.idx.msk [tilespmem:v5+s14+$0x0], $0xffff;
	v9 =	vadd.s32 s3, v9;
	v15 =	vor.u32 v14, v10  }
0x1cb: {  	s12 =	simm.s32 $0x4;
	v13 =	vld.idx.msk [tilespmem:v6+s1+$0x0], $0xffff;
	v14 =	vor.u32 v17, v9  }
0x1cc: {  	v18 =	vmov s12;
	s4 =	simm.s32 $0x5;
	v10 =	vld.idx.msk [tilespmem:v8+s14+$0x0], $0xffff  }
0x1cd: {  	s5 =	sadd.s32 $0x2, s23;
	v8 =	vmov s4;
	v9 =	vand.u32 $0xFFFFFFFE, v18;
	v11 =	vld.idx.msk [tilespmem:v11+s30+$0x0], $0xffff  }
0x1ce: {  	s3 =	simm.s32 $0x6;
	s4 =	sshll.u32 s5, $0x7;
	v17 =	vadd.s32 v0, v16;
	v16 =	vadd.s32 v1, v16;
	v9 =	vbroadcast v9, $0x0;
	v12 =	vld.idx.msk [tilespmem:v12+s30+$0x0], $0xffff  }
.LBB2_18:
0x1cf: {  	p2 =	sne.s32 s3, $0xE;
	v18 =	vand.u32 $0xFFFFFF80, v17;
	v17 =	vand.u32 $0x7F, v17;
	s5 =	sadd.s32 $0x80, s4;
	v19 =	vand.u32 $0x7F, v16;
	v20 =	vld.idx.msk [tilespmem:v15+s30+$0x0], $0xffff  }
0x1d0: {  	v15 =	vadd.s32 v0, v13;
	v16 =	vand.u32 $0xFFFFFF80, v16;
	v18 =	vadd.s32 s5, v18;
	v21 =	vld.idx.msk [tilespmem:v14+s30+$0x0], $0xffff  }
0x1d1: {  	v13 =	vadd.s32 v1, v13;
	v14 =	vand.u32 $0xFFFFFF80, v15;
	v16 =	vadd.s32 s5, v16  }
0x1d2: {  	v15 =	vand.u32 $0x7F, v15;
	v22 =	vand.u32 $0xFFFFFF80, v13;
	v14 =	vadd.s32 s4, v14  }
0x1d3: {  	v13 =	vand.u32 $0x7F, v13;
	v24 =	vor.u32 v15, v14;
	v14 =	vadd.s32 s4, v22;
	v23 =	vld.idx.msk [tilespmem:v8+s1+$0x0], $0xffff  }
0x1d4: {  	v11 =	vmul.f32 v11, v10;
	v22 =	vor.u32 v13, v14;
	v10 =	vmul.f32 v12, v10  }
.Ltmp7:
0x1d5: {  	v15 =	vor.u32 v17, v18;
	v14 =	vor.u32 v19, v16;
	v12 =	vmul.f32 v20, v5;
	v13 =	vld.idx.msk [tilespmem:v9+s1+$0x0], $0xffff;
	(pc) =	sbr.rel @p2 .LBB2_18-.Ltmp7, $4  }
0x1d6: {  	s4 =	sadd.s32 $0x1, s3;
	v4 =	vadd.f32 v11, v4;
	v3 =	vadd.f32 v10, v3;
	v16 =	vmul.f32 v21, v5;
	v5 =	vld.idx.msk [tilespmem:v7+s14+$0x0], $0xffff  }
0x1d7: {  	v11 =	vmov s3;
	v7 =	vmovc v8;
	v8 =	vmov s4;
	v10 =	vld.idx.msk [tilespmem:v6+s14+$0x0], $0xffff;
	v6 =	vmov v9  }
0x1d8: {  	s4 =	sadd.s32 s12, s23;
	v4 =	vadd.f32 v12, v4;
	s12 =	smov.u32 s3;
	v9 =	vand.u32 $0xFFFFFFFE, v11;
	v3 =	vadd.f32 v16, v3;
	v11 =	vld.idx.msk [tilespmem:v24+s30+$0x0], $0xffff  }
0x1d9: {  	s3 =	sadd.s32 $0x2, s3;
	s4 =	sshll.u32 s4, $0x7;
	v9 =	vbroadcast v9, $0x0;
	v17 =	vadd.s32 v0, v23;
	v16 =	vadd.s32 v1, v23;
	v12 =	vld.idx.msk [tilespmem:v22+s30+$0x0], $0xffff  }
0x1da: {  	_ =	sdelay $0x2  }
0x1db: {  	v18 =	vand.u32 $0xFFFFFF80, v17;
	v45 =	vand.u32 $0x7F, v17  }
0x1dc: {  	s3 =	sadd.s32 $0x80, s4;
	v19 =	vld.idx.msk [tilespmem:v8+s1+$0x0], $0xffff;
	v20 =	vand.u32 $0x7F, v16;
	v21 =	vadd.s32 v0, v13;
	v46 =	vand.u32 $0xFFFFFF80, v16  }
0x1dd: {  	v47 =	vadd.s32 v1, v13;
	v18 =	vadd.s32 s3, v18;
	v22 =	vld.idx.msk [tilespmem:v9+s1+$0x0], $0xffff;
	v23 =	vand.u32 $0xFFFFFF80, v21  }
0x1de: {  	v21 =	vand.u32 $0x7F, v21;
	v24 =	vand.u32 $0xFFFFFF80, v47;
	v13 =	vand.u32 $0x7F, v47  }
0x1df: {  	v16 =	vadd.s32 s3, v46;
	v23 =	vadd.s32 s4, v23;
	v48 =	vadd.s32 s4, v24  }
0x1e0: {  	v15 =	vld.idx.msk [tilespmem:v15+s30+$0x0], $0xffff;
	v17 =	vor.u32 v45, v18;
	v16 =	vor.u32 v20, v16;
	v21 =	vor.u32 v21, v23  }
0x1e1: {  	v14 =	vld.idx.msk [tilespmem:v14+s30+$0x0], $0xffff;
	v13 =	vor.u32 v13, v48;
	v11 =	vmul.f32 v11, v10;
	v49 =	vadd.s32 v0, v19  }
0x1e2: {  	s5 =	sadd.s32 s12, s23;
	v7 =	vld.idx.msk [tilespmem:v7+s14+$0x0], $0xffff;
	v19 =	vadd.s32 v1, v19;
	v50 =	vadd.s32 v0, v22;
	v51 =	vand.u32 $0xFFFFFF80, v49  }
0x1e3: {  	v6 =	vld.idx.msk [tilespmem:v6+s14+$0x0], $0xffff;
	s3 =	sshll.u32 s5, $0x7;
	v22 =	vadd.s32 v1, v22;
	v18 =	vand.u32 $0x7F, v49;
	v52 =	vand.u32 $0xFFFFFF80, v50  }
0x1e4: {  	v57 =	vld.idx.msk [tilespmem:v8+s14+$0x0], $0xffff;
	v20 =	vand.u32 $0x7F, v50;
	v53 =	vand.u32 $0xFFFFFF80, v22;
	v24 =	vadd.s32 s3, v52  }
0x1e5: {  	v58 =	vld.idx.msk [tilespmem:v9+s14+$0x0], $0xffff;
	s12 =	sadd.s32 $0x80, s3;
	v22 =	vand.u32 $0x7F, v22;
	v20 =	vor.u32 v20, v24;
	v24 =	vadd.s32 s3, v53  }
0x1e6: {  	v54 =	vand.u32 $0xFFFFFF80, v19;
	v23 =	vadd.s32 s12, v51;
	v21 =	vld.idx.msk [tilespmem:v21+s30+$0x0], $0xffff;
	v22 =	vor.u32 v22, v24  }
0x1e7: {  	v19 =	vand.u32 $0x7F, v19;
	v13 =	vld.idx.msk [tilespmem:v13+s30+$0x0], $0xffff;
	v18 =	vor.u32 v18, v23;
	v23 =	vadd.s32 s12, v54  }
0x1e8: {  	v55 =	vmul.f32 v12, v10;
	v17 =	vld.idx.msk [tilespmem:v17+s30+$0x0], $0xffff;
	v56 =	vor.u32 v19, v23  }
0x1e9: {  	v15 =	vmul.f32 v15, v5;
	v4 =	vadd.f32 v11, v4;
	v16 =	vld.idx.msk [tilespmem:v16+s30+$0x0], $0xffff  }
0x1ea: {  	v5 =	vmul.f32 v14, v5;
	v3 =	vadd.f32 v55, v3;
	v59 =	vld.idx.msk [tilespmem:v20+s30+$0x0], $0xffff  }
0x1eb: {  	v4 =	vadd.f32 v15, v4;
	v60 =	vmul.f32 v21, v6;
	v61 =	vld.idx.msk [tilespmem:v22+s30+$0x0], $0xffff  }
0x1ec: {  	v3 =	vadd.f32 v5, v3;
	v5 =	vmul.f32 v13, v6;
	v6 =	vld.idx.msk [tilespmem:v18+s30+$0x0], $0xffff  }
0x1ed: {  	v62 =	vmul.f32 v17, v7;
	v63 =	vld.idx.msk [tilespmem:v56+s30+$0x0], $0xffff;
	v4 =	vadd.f32 v60, v4  }
0x1ee: {  	s24 =	sadd.s32 $0x1, s24;
	v3 =	vadd.f32 v5, v3;
	v5 =	vmul.f32 v16, v7  }
0x1ef: {  	p2 =	sne.s32 s24, $0x14;
	v4 =	vadd.f32 v62, v4  }
.Ltmp8:
0x1f0: {  	v3 =	vadd.f32 v5, v3;
	v5 =	vmul.f32 v59, v58;
	v7 =	vmul.f32 v61, v58;
	(pc) =	sbr.rel @p2 .LBB2_17-.Ltmp8, $3  }
0x1f1: {  	v6 =	vmul.f32 v6, v57  }
0x1f2: {  	v4 =	vadd.f32 v5, v4;
	v5 =	vmul.f32 v63, v57;
	v3 =	vadd.f32 v7, v3;
	_ =	sdelay $0x1  }
0x1f3: {  	s23 =	sadd.s32 $0x10, s23;
	v4 =	vadd.f32 v6, v4;
	v3 =	vadd.f32 v5, v3  }
.Ltmp9:
0x1f4: {  	(pc) =	sbr.rel @p1 .LBB2_24-.Ltmp9, $1  }
0x1f5: {  	_ =	sdelay $0x3  }
0x1f6: {  	_ =	swait.ge [sflag:s15], $0x140  }
0x1f7: {  	[sflag:s15] =	ssyncset.done $0x0  }
0x1f8: {  	[sflag:s15] =	ssyncadd.s32 $0xFFFFFEC0  }
0x1f9: {  	_ =	swait.ge [sflag:s15], $0x140  }
0x1fa: {  	[sflag:s15] =	ssyncset.done $0x0  }
0x1fb: {  	[sflag:s15] =	ssyncadd.s32 $0xFFFFFEC0  }
0x1fc: {  	_ =	swait.ge [sflag:s15], $0x140  }
0x1fd: {  	[sflag:s15] =	ssyncset.done $0x0  }
0x1fe: {  	[sflag:s15] =	ssyncadd.s32 $0xFFFFFEC0  }
0x1ff: {  	_ =	swait.ge [sflag:s15], $0x140  }
0x200: {  	[sflag:s15] =	ssyncset.done $0x0  }
0x201: {  	[sflag:s15] =	ssyncadd.s32 $0xFFFFFEC0  }
0x202: {  	s3 =	smul.u32 $0x1E00, s19;
	p1 =	por $0x0, $0x0;
	_ =	swait.ge [sflag:s15], $0x140  }
0x203: {  	s4 =	simm.s32 $0xFFFFFEC;
	s5 =	simm.s32 $0x3C0;
	[sflag:s15] =	ssyncset.done $0x0  }
0x204: {  	s4 =	simm.s32 @!p1 $0x0;
	s5 =	simm.s32 @!p1 $0x0;
	[sflag:s15] =	ssyncadd.s32 $0xFFFFFEC0  }
0x205: {  	s12 =	sshrl.u32 s3, $0x2;
	s20 =	sadd.s32 $0x0, s4;
	_ =	swait.ge [sflag:s15], $0x140  }
0x206: {  	s3 =	sshll.u32 s20, $0x4;
	s21 =	sadd.s32 s5, s12;
	[sflag:s15] =	ssyncset.done $0x0  }
0x207: {  	s4 =	sadd.s32 s3, s21;
	[sflag:s15] =	ssyncadd.s32 $0xFFFFFEC0  }
0x208: {  	v5 =	vld [tilespmem:s4+$0x140];
	_ =	sdelay $0x3  }
0x209: {  	s23 =	sadd.s32 $0x0, s18;
	s20 =	simm.s32 $0x0  }
0x20a: {  	s3 =	sand.u32 $0x780, s23;
	s24 =	sand.u32 $0x70, s20;
	v6 =	vand.u32 $0x3, v5  }
0x20b: {  	s3 =	sor.u32 s24, s3;
	v5 =	vshrl.u32 v5, $0x2;
	v7 =	vshll.u32 v6, $0x5;
	v6 =	vmul.u32 $0x3D090, v6  }
0x20c: {  	[tilespmem:s3+$0x16A80] =	vst v5  }
0x20d: {  	[tilespmem:s3+$0x16F80] =	vst v7;
	v5 =	vadd.s32 v5, v6  }
0x20e: {  	[tilespmem:s3+$0x17980] =	vst v5  }
0x20f: {  	v5 =	vld [tilespmem:s4+$0x0];
	_ =	sdelay $0x4  }
0x210: {  	p1 =	por $0x0, $0x0;
	s4 =	simm.s32 $0xFFFFFEC;
	v6 =	vand.u32 $0x3, v5  }
0x211: {  	s5 =	simm.s32 $0x3C0;
	s4 =	simm.s32 @!p1 $0x0;
	v6 =	vmul.u32 $0x3D090, v6  }
0x212: {  	s19 =	smul.u32 $0x280, s19;
	s5 =	simm.s32 @!p1 $0x0;
	s21 =	sadd.s32 $0x1, s4;
	v5 =	vshrl.u32 v5, $0x2  }
0x213: {  	s23 =	sadd.s32 s5, s12;
	s4 =	simm.s32 $0x2;
	s21 =	sshll.u32 s21, $0x4;
	v5 =	vadd.s32 v5, v6  }
.LBB2_22:
0x214: {  	s5 =	sadd.s32 s21, s23  }
0x215: {  	[tilespmem:s3+$0x17480] =	vst v5;
	s20 =	sadd.s32 $0x10, s20;
	s21 =	smov.u32 s4;
	s24 =	sadd.s32 $0x1, s4  }
0x216: {  	p1 =	sne.s32 s4, $0x27;
	v5 =	vld [tilespmem:s5+$0x140];
	_ =	sdelay $0x3  }
0x217: {  	s3 =	sadd.s32 s20, s18  }
0x218: {  	s4 =	sand.u32 $0x70, s20;
	s3 =	sand.u32 $0x780, s3;
	v6 =	vand.u32 $0x3, v5  }
0x219: {  	s3 =	sor.u32 s4, s3;
	v7 =	vshll.u32 v6, $0x5;
	v6 =	vmul.u32 $0x3D090, v6  }
0x21a: {  	v5 =	vshrl.u32 v5, $0x2;
	[tilespmem:s3+$0x16F80] =	vst v7  }
0x21b: {  	[tilespmem:s3+$0x16A80] =	vst v5;
	v5 =	vadd.s32 v5, v6  }
0x21c: {  	[tilespmem:s3+$0x17980] =	vst v5  }
0x21d: {  	v5 =	vld [tilespmem:s5+$0x0];
	_ =	sdelay $0x3  }
.Ltmp10:
0x21e: {  	(pc) =	sbr.rel @p1 .LBB2_22-.Ltmp10, $4  }
0x21f: {  	p2 =	sgt.u32 s21, $0x13;
	s4 =	simm.s32 $0xFFFFFEC;
	s5 =	simm.s32 $0x3C0;
	v6 =	vand.u32 $0x3, v5  }
0x220: {  	s4 =	simm.s32 @!p2 $0x0;
	s5 =	simm.s32 @!p2 $0x0;
	v6 =	vmul.u32 $0x3D090, v6  }
0x221: {  	s4 =	sadd.s32 s21, s4;
	v5 =	vshrl.u32 v5, $0x2  }
0x222: {  	s21 =	sshll.u32 s4, $0x4;
	s4 =	smov.u32 s24;
	s23 =	sadd.s32 s5, s12;
	v5 =	vadd.s32 v5, v6  }
0x223: {  	s4 =	sadd.s32 s21, s23;
	[tilespmem:s3+$0x17480] =	vst v5  }
0x224: {  	v5 =	vld [tilespmem:s4+$0x140];
	_ =	sdelay $0x2  }
0x225: {  	s24 =	sadd.s32 $0x10, s20  }
0x226: {  	s5 =	sadd.s32 s24, s18  }
0x227: {  	s3 =	sand.u32 $0x70, s24;
	s5 =	sand.u32 $0x780, s5;
	v6 =	vand.u32 $0x3, v5  }
0x228: {  	s3 =	sor.u32 s3, s5;
	v5 =	vshrl.u32 v5, $0x2;
	v7 =	vshll.u32 v6, $0x5;
	v6 =	vmul.u32 $0x3D090, v6  }
0x229: {  	[tilespmem:s3+$0x16A80] =	vst v5  }
0x22a: {  	[tilespmem:s3+$0x16F80] =	vst v7;
	v5 =	vadd.s32 v5, v6  }
0x22b: {  	[tilespmem:s3+$0x17980] =	vst v5  }
0x22c: {  	v5 =	vld [tilespmem:s4+$0x0];
	_ =	sdelay $0x4  }
0x22d: {  	v6 =	vand.u32 $0x3, v5  }
0x22e: {  	v6 =	vmul.u32 $0x3D090, v6  }
0x22f: {  	v5 =	vshrl.u32 v5, $0x2  }
0x230: {  	v5 =	vadd.s32 v5, v6  }
0x231: {  	s5 =	sadd.s32 $0x16A80, s19;
	[tilespmem:s3+$0x17480] =	vst v5  }
0x232: {  	[tilespmem:s30], [sflag:$0x3] =	stream.indirect.gather [hbm4b:s13+s29], $0x80, s5, s29, $0xb8;
	[tilespmem:$0x18880] =	vst v63  }
0x233: {  	s12 =	sadd.s32 $0x17480, s19;
	s18 =	simm.s32 $0x14F00  }
0x234: {  	[tilespmem:s18], [sflag:$0x3] =	stream.indirect.gather [hbm4b:s10+s29], $0x1, s12, s29, $0xb8;
	[tilespmem:$0x18880] =	vst v63  }
0x235: {  	s20 =	sadd.s32 $0x17980, s19;
	s21 =	simm.s32 $0x15180  }
0x236: {  	[tilespmem:s21], [sflag:$0x3] =	stream.indirect.gather [hbm4b:s11+s29], $0x1, s20, s29, $0xb8;
	[tilespmem:$0x18880] =	vst v63  }
0x237: {  	s23 =	sadd.s32 $0x16AD0, s19;
	s24 =	simm.s32 $0x3700  }
0x238: {  	[tilespmem:s24], [sflag:$0x3] =	stream.indirect.gather [hbm4b:s13+s29], $0x80, s23, s29, $0xb8;
	[tilespmem:$0x18880] =	vst v63  }
0x239: {  	s4 =	sadd.s32 $0x174D0, s19;
	s5 =	simm.s32 $0x14F50  }
0x23a: {  	[tilespmem:s5], [sflag:$0x3] =	stream.indirect.gather [hbm4b:s10+s29], $0x1, s4, s29, $0xb8;
	[tilespmem:$0x18880] =	vst v63  }
0x23b: {  	s12 =	sadd.s32 $0x179D0, s19;
	s18 =	simm.s32 $0x151D0  }
0x23c: {  	[tilespmem:s18], [sflag:$0x3] =	stream.indirect.gather [hbm4b:s11+s29], $0x1, s12, s29, $0xb8;
	[tilespmem:$0x18880] =	vst v63  }
0x23d: {  	s20 =	sadd.s32 $0x16B20, s19;
	s21 =	simm.s32 $0x5F00  }
0x23e: {  	[tilespmem:s21], [sflag:$0x3] =	stream.indirect.gather [hbm4b:s13+s29], $0x80, s20, s29, $0xb8;
	[tilespmem:$0x18880] =	vst v63  }
0x23f: {  	s23 =	sadd.s32 $0x17520, s19;
	s24 =	simm.s32 $0x14FA0  }
0x240: {  	[tilespmem:s24], [sflag:$0x3] =	stream.indirect.gather [hbm4b:s10+s29], $0x1, s23, s29, $0xb8;
	[tilespmem:$0x18880] =	vst v63  }
0x241: {  	s4 =	sadd.s32 $0x17A20, s19;
	s5 =	simm.s32 $0x15220  }
0x242: {  	[tilespmem:s5], [sflag:$0x3] =	stream.indirect.gather [hbm4b:s11+s29], $0x1, s4, s29, $0xb8;
	[tilespmem:$0x18880] =	vst v63  }
0x243: {  	s12 =	sadd.s32 $0x16B70, s19;
	s18 =	simm.s32 $0x8700  }
0x244: {  	[tilespmem:s18], [sflag:$0x3] =	stream.indirect.gather [hbm4b:s13+s29], $0x80, s12, s29, $0xb8;
	[tilespmem:$0x18880] =	vst v63  }
0x245: {  	s20 =	sadd.s32 $0x17570, s19;
	s21 =	simm.s32 $0x14FF0  }
0x246: {  	[tilespmem:s21], [sflag:$0x3] =	stream.indirect.gather [hbm4b:s10+s29], $0x1, s20, s29, $0xb8;
	[tilespmem:$0x18880] =	vst v63  }
0x247: {  	s23 =	sadd.s32 $0x17A70, s19;
	s24 =	simm.s32 $0x15270  }
0x248: {  	[tilespmem:s24], [sflag:$0x3] =	stream.indirect.gather [hbm4b:s11+s29], $0x1, s23, s29, $0xb8;
	[tilespmem:$0x18880] =	vst v63  }
.LBB2_24:
0x249: {  	_ =	swait.ge [sflag:s31], $0x2800  }
0x24a: {  	[sflag:s31] =	ssyncset.done $0x0  }
0x24b: {  	[sflag:s31] =	ssyncadd.s32 $0xFFFFD800  }
0x24c: {  	_ =	swait.ge [sflag:s31], $0x50  }
0x24d: {  	[sflag:s31] =	ssyncset.done $0x0  }
0x24e: {  	[sflag:s31] =	ssyncadd.s32 $0xFFFFFFB0  }
0x24f: {  	_ =	swait.ge [sflag:s31], $0x50  }
0x250: {  	[sflag:s31] =	ssyncset.done $0x0  }
0x251: {  	[sflag:s31] =	ssyncadd.s32 $0xFFFFFFB0  }
0x252: {  	_ =	swait.ge [sflag:s31], $0x2800  }
0x253: {  	[sflag:s31] =	ssyncset.done $0x0  }
0x254: {  	[sflag:s31] =	ssyncadd.s32 $0xFFFFD800  }
0x255: {  	_ =	swait.ge [sflag:s31], $0x50  }
0x256: {  	[sflag:s31] =	ssyncset.done $0x0  }
0x257: {  	[sflag:s31] =	ssyncadd.s32 $0xFFFFFFB0  }
0x258: {  	_ =	swait.ge [sflag:s31], $0x50  }
0x259: {  	[sflag:s31] =	ssyncset.done $0x0  }
0x25a: {  	[sflag:s31] =	ssyncadd.s32 $0xFFFFFFB0  }
0x25b: {  	_ =	swait.ge [sflag:s31], $0x2800  }
0x25c: {  	[sflag:s31] =	ssyncset.done $0x0  }
0x25d: {  	[sflag:s31] =	ssyncadd.s32 $0xFFFFD800  }
0x25e: {  	_ =	swait.ge [sflag:s31], $0x50  }
0x25f: {  	[sflag:s31] =	ssyncset.done $0x0  }
0x260: {  	[sflag:s31] =	ssyncadd.s32 $0xFFFFFFB0  }
0x261: {  	_ =	swait.ge [sflag:s31], $0x50  }
0x262: {  	[sflag:s31] =	ssyncset.done $0x0  }
0x263: {  	[sflag:s31] =	ssyncadd.s32 $0xFFFFFFB0  }
0x264: {  	_ =	swait.ge [sflag:s31], $0x2800  }
0x265: {  	[sflag:s31] =	ssyncset.done $0x0  }
0x266: {  	[sflag:s31] =	ssyncadd.s32 $0xFFFFD800  }
0x267: {  	_ =	swait.ge [sflag:s31], $0x50  }
0x268: {  	s3 =	smul.u32 $0x1E00, s16;
	[sflag:s31] =	ssyncset.done $0x0  }
0x269: {  	[sflag:s31] =	ssyncadd.s32 $0xFFFFFFB0  }
0x26a: {  	s4 =	sadd.s32 $0x16F80, s17;
	s3 =	sshrl.u32 s3, $0x2;
	_ =	swait.ge [sflag:s31], $0x50  }
0x26b: {  	s16 =	simm.s32 $0x0;
	s3 =	sadd.s32 $0x640, s3;
	[sflag:s31] =	ssyncset.done $0x0  }
0x26c: {  	s17 =	simm.s32 $0x0;
	s18 =	simm.s32 $0x0;
	v6 =	vmov s4;
	v5 =	vmov s3;
	[sflag:s31] =	ssyncadd.s32 $0xFFFFFFB0  }
.LBB2_25:
0x26d: {  	_ =	sdelay $0x2  }
0x26e: {  	s3 =	sshll.u32 s18, $0x4  }
0x26f: {  	v7 =	vld.idx.msk [tilespmem:v5+s3+$0x0 ss:$0x1], $0xffff;
	_ =	sdelay $0x6  }
0x270: {  	v8 =	vld [tilespmem:s3+$0x15040]  }
0x271: {  	v7 =	vld.idx.msk [tilespmem:v7+s28+$0x0], $0xffff;
	_ =	sdelay $0x1  }
0x272: {  	v9 =	vld [tilespmem:s3+$0x152C0];
	_ =	sdelay $0x2  }
0x273: {  	v7 =	vadd.f32 v7, v8;
	_ =	sdelay $0x1  }
0x274: {  	v7 =	vadd.f32 v7, v9;
	_ =	sdelay $0x1  }
0x275: {  	v7 =	vadd.f32 v7, v2;
	_ =	sdelay $0x1  }
0x276: {  	v7 =	vsub.f32 $0.0e+00, v7;
	_ =	sdelay $0x1  }
0x277: {  	v7 =	vmul.f32 $1.442695020e+00, v7;
	_ =	sdelay $0x1  }
0x278: {  	(erf) = vpow2.f32 v7;
	_ =	sdelay $0x8  }
0x279: {  	v7 =	vpop (erf)  }
0x27a: {  	v7 =	vadd.f32 $1.000000000e+00, v7;
	_ =	sdelay $0x1  }
0x27b: {  	(erf) = vrcp.f32 v7;
	_ =	sdelay $0x8  }
0x27c: {  	v7 =	vpop (erf)  }
0x27d: {  	v7 =	vmul.f32 $1.442695020e+00, v7;
	_ =	sdelay $0x1  }
0x27e: {  	(erf) = vpow2.f32 v7;
	_ =	sdelay $0x8  }
0x27f: {  	v7 =	vpop (erf)  }
0x280: {  	(xrf2) =	vadd.scan.msk.f32 $0xffff, v7;
	_ =	sdelay $0x9  }
0x281: {  	v8, _, _ =	vpop (xrf2)  }
0x282: {  	v8 =	vbroadcast v8, $0xF;
	_ =	sdelay $0x1  }
0x283: {  	(erf) = vrcp.f32 v8;
	_ =	sdelay $0x8  }
0x284: {  	v8 =	vpop (erf)  }
0x285: {  	v7 =	vmul.f32 v8, v7  }
0x286: {  	v8 =	vmov s16  }
0x287: {  	[tilespmem:$0x18700] =	vst v7;
	v7 =	vand.u32 $0xFFFFFFFE, v8  }
0x288: {  	v8 =	vld.idx.msk [tilespmem:v6+s3+$0x0 ss:$0x1], $0xffff;
	v10 =	vbroadcast v7, $0x0;
	_ =	sdelay $0x3  }
0x289: {  	s12 =	simm.s32 $0x1  }
0x28a: {  	v7 =	vmov s12;
	[tilespmem:$0x18780] =	vst v8  }
0x28b: {  	v11 =	vld.idx.msk [tilespmem:v10+s1+$0x0], $0xffff;
	_ =	sdelay $0x2  }
0x28c: {  	s19 =	simm.s32 $0x2  }
0x28d: {  	s20 =	simm.s32 $0x3;
	s21 =	sadd.s32 $0x0, s17;
	v8 =	vmov s19;
	v12 =	vld.idx.msk [tilespmem:v7+s1+$0x0], $0xffff  }
0x28e: {  	v9 =	vmov s20;
	s3 =	sshll.u32 s21, $0x7;
	v8 =	vand.u32 $0xFFFFFFFE, v8;
	v13 =	vadd.s32 v0, v11  }
0x28f: {  	s4 =	sadd.s32 $0xA000, s3;
	v8 =	vbroadcast v8, $0x0;
	v11 =	vadd.s32 v1, v11;
	v14 =	vand.u32 $0xFFFFFF80, v13  }
0x290: {  	v13 =	vand.u32 $0x7F, v13;
	v15 =	vand.u32 $0xFFFFFF80, v11;
	v14 =	vadd.s32 s4, v14  }
0x291: {  	v11 =	vand.u32 $0x7F, v11;
	v13 =	vor.u32 v13, v14;
	v14 =	vadd.s32 s4, v15  }
0x292: {  	v15 =	vadd.s32 v0, v12;
	v14 =	vor.u32 v11, v14  }
0x293: {  	s3 =	sadd.s32 $0xA080, s3;
	v11 =	vadd.s32 v1, v12;
	v12 =	vand.u32 $0xFFFFFF80, v15;
	v16 =	vand.u32 $0x7F, v15  }
0x294: {  	v18 =	vld.idx.msk [tilespmem:v9+s1+$0x0], $0xffff;
	v19 =	vand.u32 $0x7F, v11;
	v12 =	vadd.s32 s3, v12;
	v11 =	vand.u32 $0xFFFFFF80, v11  }
0x295: {  	v7 =	vld.idx.msk [tilespmem:v7+s14+$0x0], $0xffff;
	v11 =	vadd.s32 s3, v11;
	v17 =	vor.u32 v16, v12  }
0x296: {  	s12 =	simm.s32 $0x4;
	v15 =	vld.idx.msk [tilespmem:v8+s1+$0x0], $0xffff;
	v16 =	vor.u32 v19, v11  }
0x297: {  	s23 =	simm.s32 $0x5;
	v20 =	vmov s12;
	v12 =	vld.idx.msk [tilespmem:v10+s14+$0x0], $0xffff  }
0x298: {  	s24 =	sadd.s32 $0x2, s17;
	v10 =	vmov s23;
	v11 =	vand.u32 $0xFFFFFFFE, v20;
	v13 =	vld.idx.msk [tilespmem:v13+s30+$0x0], $0xffff  }
0x299: {  	s19 =	simm.s32 $0x6;
	s3 =	sshll.u32 s24, $0x7;
	v19 =	vadd.s32 v0, v18;
	v18 =	vadd.s32 v1, v18;
	v11 =	vbroadcast v11, $0x0;
	v14 =	vld.idx.msk [tilespmem:v14+s30+$0x0], $0xffff  }
.LBB2_26:
0x29a: {  	p1 =	sne.s32 s19, $0xE;
	v20 =	vand.u32 $0xFFFFFF80, v19;
	v19 =	vand.u32 $0x7F, v19;
	s4 =	sadd.s32 $0xA080, s3;
	v21 =	vand.u32 $0x7F, v18;
	v22 =	vld.idx.msk [tilespmem:v17+s30+$0x0], $0xffff  }
0x29b: {  	v17 =	vadd.s32 v0, v15;
	v18 =	vand.u32 $0xFFFFFF80, v18;
	v20 =	vadd.s32 s4, v20;
	v23 =	vld.idx.msk [tilespmem:v16+s30+$0x0], $0xffff  }
0x29c: {  	s3 =	sadd.s32 $0xA000, s3;
	v15 =	vadd.s32 v1, v15;
	v16 =	vand.u32 $0xFFFFFF80, v17;
	v18 =	vadd.s32 s4, v18  }
0x29d: {  	v17 =	vand.u32 $0x7F, v17;
	v24 =	vand.u32 $0xFFFFFF80, v15;
	v16 =	vadd.s32 s3, v16  }
0x29e: {  	v15 =	vand.u32 $0x7F, v15;
	v26 =	vor.u32 v17, v16;
	v16 =	vadd.s32 s3, v24;
	v25 =	vld.idx.msk [tilespmem:v10+s1+$0x0], $0xffff  }
0x29f: {  	v13 =	vmul.f32 v13, v12;
	v24 =	vor.u32 v15, v16;
	v12 =	vmul.f32 v14, v12  }
.Ltmp11:
0x2a0: {  	v17 =	vor.u32 v19, v20;
	v16 =	vor.u32 v21, v18;
	v14 =	vmul.f32 v22, v7;
	v15 =	vld.idx.msk [tilespmem:v11+s1+$0x0], $0xffff;
	(pc) =	sbr.rel @p1 .LBB2_26-.Ltmp11, $4  }
0x2a1: {  	s3 =	sadd.s32 $0x1, s19;
	v4 =	vadd.f32 v13, v4;
	v3 =	vadd.f32 v12, v3;
	v18 =	vmul.f32 v23, v7;
	v7 =	vld.idx.msk [tilespmem:v9+s14+$0x0], $0xffff  }
0x2a2: {  	v13 =	vmov s19;
	v9 =	vmovc v10;
	v10 =	vmov s3;
	v12 =	vld.idx.msk [tilespmem:v8+s14+$0x0], $0xffff;
	v8 =	vmov v11  }
0x2a3: {  	s3 =	sadd.s32 s12, s17;
	v4 =	vadd.f32 v14, v4;
	s12 =	smov.u32 s19;
	v11 =	vand.u32 $0xFFFFFFFE, v13;
	v3 =	vadd.f32 v18, v3;
	v13 =	vld.idx.msk [tilespmem:v26+s30+$0x0], $0xffff  }
0x2a4: {  	s19 =	sadd.s32 $0x2, s19;
	s3 =	sshll.u32 s3, $0x7;
	v11 =	vbroadcast v11, $0x0;
	v19 =	vadd.s32 v0, v25;
	v18 =	vadd.s32 v1, v25;
	v14 =	vld.idx.msk [tilespmem:v24+s30+$0x0], $0xffff  }
0x2a5: {  	_ =	sdelay $0x2  }
0x2a6: {  	v20 =	vand.u32 $0xFFFFFF80, v19;
	v44 =	vand.u32 $0x7F, v19  }
0x2a7: {  	s4 =	sadd.s32 $0xA080, s3;
	v21 =	vld.idx.msk [tilespmem:v10+s1+$0x0], $0xffff;
	v22 =	vand.u32 $0x7F, v18;
	v23 =	vadd.s32 v0, v15;
	v45 =	vand.u32 $0xFFFFFF80, v18  }
0x2a8: {  	v46 =	vadd.s32 v1, v15;
	v20 =	vadd.s32 s4, v20;
	v24 =	vld.idx.msk [tilespmem:v11+s1+$0x0], $0xffff;
	v25 =	vand.u32 $0xFFFFFF80, v23  }
0x2a9: {  	s21 =	sadd.s32 $0xA000, s3;
	v23 =	vand.u32 $0x7F, v23;
	v26 =	vand.u32 $0xFFFFFF80, v46;
	v15 =	vand.u32 $0x7F, v46  }
0x2aa: {  	v18 =	vadd.s32 s4, v45;
	v25 =	vadd.s32 s21, v25;
	v47 =	vadd.s32 s21, v26  }
0x2ab: {  	v17 =	vld.idx.msk [tilespmem:v17+s30+$0x0], $0xffff;
	v19 =	vor.u32 v44, v20;
	v18 =	vor.u32 v22, v18;
	v23 =	vor.u32 v23, v25  }
0x2ac: {  	s23 =	sadd.s32 s12, s17;
	v16 =	vld.idx.msk [tilespmem:v16+s30+$0x0], $0xffff;
	v15 =	vor.u32 v15, v47;
	v13 =	vmul.f32 v13, v12;
	v48 =	vadd.s32 v0, v21  }
0x2ad: {  	v9 =	vld.idx.msk [tilespmem:v9+s14+$0x0], $0xffff;
	s3 =	sshll.u32 s23, $0x7;
	v21 =	vadd.s32 v1, v21;
	v49 =	vadd.s32 v0, v24;
	v50 =	vand.u32 $0xFFFFFF80, v48  }
0x2ae: {  	v8 =	vld.idx.msk [tilespmem:v8+s14+$0x0], $0xffff;
	s24 =	sadd.s32 $0xA000, s3;
	v24 =	vadd.s32 v1, v24;
	v20 =	vand.u32 $0x7F, v48;
	v51 =	vand.u32 $0xFFFFFF80, v49  }
0x2af: {  	v56 =	vld.idx.msk [tilespmem:v10+s14+$0x0], $0xffff;
	v22 =	vand.u32 $0x7F, v49;
	v52 =	vand.u32 $0xFFFFFF80, v24;
	v26 =	vadd.s32 s24, v51  }
0x2b0: {  	v57 =	vld.idx.msk [tilespmem:v11+s14+$0x0], $0xffff;
	s3 =	sadd.s32 $0xA080, s3;
	v24 =	vand.u32 $0x7F, v24;
	v22 =	vor.u32 v22, v26;
	v26 =	vadd.s32 s24, v52  }
0x2b1: {  	v53 =	vand.u32 $0xFFFFFF80, v21;
	v25 =	vadd.s32 s3, v50;
	v23 =	vld.idx.msk [tilespmem:v23+s30+$0x0], $0xffff;
	v24 =	vor.u32 v24, v26  }
0x2b2: {  	v21 =	vand.u32 $0x7F, v21;
	v15 =	vld.idx.msk [tilespmem:v15+s30+$0x0], $0xffff;
	v20 =	vor.u32 v20, v25;
	v25 =	vadd.s32 s3, v53  }
0x2b3: {  	v54 =	vmul.f32 v14, v12;
	v19 =	vld.idx.msk [tilespmem:v19+s30+$0x0], $0xffff;
	v55 =	vor.u32 v21, v25  }
0x2b4: {  	v17 =	vmul.f32 v17, v7;
	v4 =	vadd.f32 v13, v4;
	v18 =	vld.idx.msk [tilespmem:v18+s30+$0x0], $0xffff  }
0x2b5: {  	v7 =	vmul.f32 v16, v7;
	v3 =	vadd.f32 v54, v3;
	v58 =	vld.idx.msk [tilespmem:v22+s30+$0x0], $0xffff  }
0x2b6: {  	v4 =	vadd.f32 v17, v4;
	v59 =	vmul.f32 v23, v8;
	v60 =	vld.idx.msk [tilespmem:v24+s30+$0x0], $0xffff  }
0x2b7: {  	v3 =	vadd.f32 v7, v3;
	v7 =	vmul.f32 v15, v8;
	v8 =	vld.idx.msk [tilespmem:v20+s30+$0x0], $0xffff  }
0x2b8: {  	v61 =	vmul.f32 v19, v9;
	v62 =	vld.idx.msk [tilespmem:v55+s30+$0x0], $0xffff;
	v4 =	vadd.f32 v59, v4  }
0x2b9: {  	s18 =	sadd.s32 $0x1, s18;
	v3 =	vadd.f32 v7, v3;
	v7 =	vmul.f32 v18, v9  }
0x2ba: {  	p1 =	sne.s32 s18, $0x14;
	v4 =	vadd.f32 v61, v4  }
.Ltmp12:
0x2bb: {  	v3 =	vadd.f32 v7, v3;
	v7 =	vmul.f32 v58, v57;
	v63 =	vmul.f32 v60, v57;
	(pc) =	sbr.rel @p1 .LBB2_25-.Ltmp12, $3  }
0x2bc: {  	v8 =	vmul.f32 v8, v56  }
0x2bd: {  	v4 =	vadd.f32 v7, v4;
	v7 =	vmul.f32 v62, v56;
	v3 =	vadd.f32 v63, v3;
	_ =	sdelay $0x1  }
0x2be: {  	s17 =	sadd.s32 $0x10, s17;
	v4 =	vadd.f32 v8, v4;
	v3 =	vadd.f32 v7, v3  }
0x2bf: {  	s2 =	sadd.s32 $0x1, s2  }
0x2c0: {  	p1 =	sne.s32 s2, $0x20  }
.Ltmp13:
0x2c1: {  	_ = 	snop;
	(pc) =	sbr.rel @p1 .LBB2_16-.Ltmp13, $3  }
0x2c2: {  	_ =	sdelay $0x1  }
0x2c3: {  	[tilespmem:s26+$0x17E80] =	vst v4  }
0x2c4: {  	p0 =	por !p0, !p0;
	[tilespmem:s26+$0x17E90] =	vst v3  }
0x2c5: {  	s2 =	simm.s32 $0x17E80  }
0x2c6: {  	v2 =	vld [tilespmem:s2+$0x0]  }
0x2c7: {  	s5 =	simm.s32 $0x0;
	v3 =	vld [tilespmem:s2+$0x10]  }
0x2c8: {  	s3 =	sand.u32 $0x1E0, s5;
	v4 =	vld [tilespmem:s2+$0x410]  }
0x2c9: {  	v5 =	vld [tilespmem:s3+$0x18280];
	_ =	sdelay $0x4  }
0x2ca: {  	s21 =	simm.s32 $0x20;
	v3 =	vmul.f32 v4, v3;
	v2 =	vmul.f32 v5, v2  }
0x2cb: {  	s3 =	sand.u32 $0x1E0, s21  }
0x2cc: {  	s20 =	simm.s32 $0x17EA0;
	v6 =	vld [tilespmem:s3+$0x18280];
	v2 =	vadd.f32 v3, v2  }
0x2cd: {  	v4 =	vld [tilespmem:s20+$0x0]  }
0x2ce: {  	v5 =	vld [tilespmem:s20+$0x10];
	(xrf2) =	vadd.scan.msk.f32 $0xffff, v2  }
0x2cf: {  	v3 =	vld [tilespmem:s20+$0x410];
	_ =	sdelay $0x1  }
0x2d0: {  	s23 =	simm.s32 $0x17EC0  }
0x2d1: {  	s24 =	simm.s32 $0x40;
	v7 =	vld [tilespmem:s23+$0x10]  }
0x2d2: {  	v8 =	vld [tilespmem:s23+$0x410];
	s3 =	sand.u32 $0x1E0, s24  }
0x2d3: {  	v9 =	vld [tilespmem:s3+$0x18280];
	v4 =	vmul.f32 v6, v4;
	v3 =	vmul.f32 v3, v5  }
0x2d4: {  	v2 =	vld [tilespmem:s23+$0x0]  }
0x2d5: {  	v6 =	vadd.f32 v3, v4  }
0x2d6: {  	s26 =	simm.s32 $0x17EE0  }
0x2d7: {  	v5 =	vld [tilespmem:s26+$0x0];
	v10, _, _ =	vpop (xrf2);
	(xrf2) =	vadd.scan.msk.f32 $0xffff, v6  }
0x2d8: {  	s4 =	simm.s32 $0x60;
	v3 =	vld [tilespmem:s26+$0x10]  }
0x2d9: {  	s17 =	sand.u32 $0x1E0, s4;
	v7 =	vmul.f32 v8, v7;
	v9 =	vmul.f32 v9, v2;
	v4 =	vld [tilespmem:s26+$0x410]  }
0x2da: {  	v6 =	vld [tilespmem:s17+$0x18280]  }
0x2db: {  	s12 =	simm.s32 $0x1;
	s16 =	simm.s32 $0x4;
	v8 =	vadd.f32 v7, v9  }
0x2dc: {  	s2 =	simm.s32 $0x3;
	s3 =	simm.s32 $0x2;
	v2 =	vimm.f32 $0.0e+00;
	v9 =	vmov s5;
	s17 =	simm.s32 $0x17F00;
	v7 =	vbroadcast v10, $0xF  }
.LBB2_30:
0x2dd: {  	v10 =	vld [tilespmem:s17+$0x0];
	(xrf2) =	vadd.scan.msk.f32 $0xffff, v8;
	vm0 =	veq.s32 v9, v0;
	v8 =	vmov v3;
	s5 =	smov.u32 s2;
	s2 =	smov.u32 s16;
	p0 =	sne.s32 s16, $0xF  }
.Ltmp14:
0x2de: {  	s4 =	sadd.s32 $0x20, s4;
	v3 =	vld [tilespmem:s17+$0x10];
	v2 =	vsel vm0, v7, v2;
	(pc) =	sbr.rel @p0 .LBB2_30-.Ltmp14, $4  }
0x2df: {  	s16 =	sadd.s32 $0x1, s16;
	s18 =	sand.u32 $0x1E0, s4;
	v7 =	vmul.f32 v4, v8;
	v9 =	vmul.f32 v6, v5;
	v4 =	vld [tilespmem:s17+$0x410]  }
0x2e0: {  	v6 =	vld [tilespmem:s18+$0x18280]  }
0x2e1: {  	v8 =	vadd.f32 v7, v9;
	v5, _, _ =	vpop (xrf2)  }
0x2e2: {  	s17 =	sadd.s32 $0x20, s17;
	v9 =	vmov s12;
	s12 =	smov.u32 s3;
	s3 =	smov.u32 s5;
	v7 =	vbroadcast v5, $0xF;
	v5 =	vmov v10  }
0x2e3: {  	_ =	sdelay $0x1  }
0x2e4: {  	v3 =	vmul.f32 v4, v3;
	v5 =	vmul.f32 v6, v5;
	_ =	sdelay $0x1  }
0x2e5: {  	v3 =	vadd.f32 v3, v5  }
0x2e6: {  	(xrf2) =	vadd.scan.msk.f32 $0xffff, v8  }
0x2e7: {  	(xrf2) =	vadd.scan.msk.f32 $0xffff, v3;
	_ =	sdelay $0x5  }
0x2e8: {  	v4 =	vmov s12  }
0x2e9: {  	v3, _, _ =	vpop (xrf2)  }
0x2ea: {  	vm0 =	veq.s32 v9, v0;
	v3 =	vbroadcast v3, $0xF  }
0x2eb: {  	v2 =	vsel vm0, v7, v2;
	vm13 =	veq.s32 v4, v0;
	v4, _, _ =	vpop (xrf2)  }
0x2ec: {  	v2 =	vsel vm13, v3, v2;
	v3 =	vmov s3;
	v4 =	vbroadcast v4, $0xF;
	v5, _, _ =	vpop (xrf2)  }
0x2ed: {  	vm14 =	veq.s32 v3, v0;
	v3 =	vmov s2;
	v5 =	vbroadcast v5, $0xF  }
0x2ee: {  	v2 =	vsel vm14, v4, v2;
	vm15 =	veq.s32 v3, v0  }
0x2ef: {  	v2 =	vsel vm15, v5, v2  }
0x2f0: {  	v2 =	vsub.f32 $0.0e+00, v2;
	_ =	sdelay $0x1  }
0x2f1: {  	v2 =	vmul.f32 $1.442695020e+00, v2;
	_ =	sdelay $0x1  }
0x2f2: {  	(erf) = vpow2.f32 v2;
	_ =	sdelay $0x8  }
0x2f3: {  	v2 =	vpop (erf)  }
0x2f4: {  	v2 =	vadd.f32 $1.000000000e+00, v2;
	_ =	sdelay $0x1  }
0x2f5: {  	(erf) = vrcp.f32 v2;
	_ =	sdelay $0x8  }
0x2f6: {  	v2 =	vpop (erf)  }
0x2f7: {  	s18 =	simm.s32 $0x18490;
	[tilespmem:$0x18800] =	vst v2  }
0x2f8: {  	s5 =	simm.s32 $0x0;
	v2 =	vld [tilespmem:s18+$0xFFFFFC00]  }
0x2f9: {  	s19 =	sand.u32 $0x1E0, s5;
	v3 =	vld [tilespmem:s18+$0x0]  }
0x2fa: {  	v4 =	vld [tilespmem:s19+$0x18080]  }
0x2fb: {  	v5 =	vld [tilespmem:s19+$0x18480];
	_ =	sdelay $0x4  }
0x2fc: {  	s21 =	simm.s32 $0x20;
	v4 =	vmul.f32 v5, v4;
	v2 =	vmul.f32 v3, v2  }
0x2fd: {  	s3 =	sand.u32 $0x1E0, s21  }
0x2fe: {  	s20 =	simm.s32 $0x184B0;
	v6 =	vld [tilespmem:s3+$0x18480];
	v2 =	vadd.f32 v2, v4  }
0x2ff: {  	v3 =	vld [tilespmem:s20+$0xFFFFFC00]  }
0x300: {  	v5 =	vld [tilespmem:s20+$0x0];
	(xrf2) =	vadd.scan.msk.f32 $0xffff, v2  }
0x301: {  	v4 =	vld [tilespmem:s3+$0x18080];
	_ =	sdelay $0x1  }
0x302: {  	s23 =	simm.s32 $0x184D0;
	s24 =	simm.s32 $0x40  }
0x303: {  	v7 =	vld [tilespmem:s23+$0x0];
	s3 =	sand.u32 $0x1E0, s24  }
0x304: {  	v8 =	vld [tilespmem:s3+$0x18080]  }
0x305: {  	v9 =	vld [tilespmem:s3+$0x18480];
	v3 =	vmul.f32 v5, v3;
	v6 =	vmul.f32 v6, v4  }
0x306: {  	v2 =	vld [tilespmem:s23+$0xFFFFFC00]  }
0x307: {  	s12 =	simm.s32 $0x60;
	v6 =	vadd.f32 v3, v6  }
0x308: {  	s17 =	sand.u32 $0x1E0, s12  }
0x309: {  	s26 =	simm.s32 $0x184F0;
	v5 =	vld [tilespmem:s17+$0x18080];
	v10, _, _ =	vpop (xrf2);
	(xrf2) =	vadd.scan.msk.f32 $0xffff, v6  }
0x30a: {  	v3 =	vld [tilespmem:s26+$0x0]  }
0x30b: {  	v4 =	vld [tilespmem:s26+$0xFFFFFC00];
	v8 =	vmul.f32 v9, v8;
	v7 =	vmul.f32 v7, v2  }
0x30c: {  	s4 =	simm.s32 $0x1;
	s16 =	simm.s32 $0x4;
	v9 =	vmov s5;
	v6 =	vld [tilespmem:s17+$0x18480]  }
0x30d: {  	s2 =	simm.s32 $0x3;
	s3 =	simm.s32 $0x2;
	v2 =	vimm.f32 $0.0e+00;
	v8 =	vadd.f32 v7, v8;
	s17 =	simm.s32 $0x18510;
	v7 =	vbroadcast v10, $0xF  }
.LBB2_32:
0x30e: {  	s12 =	sadd.s32 $0x20, s12  }
0x30f: {  	v10 =	vld [tilespmem:s17+$0xFFFFFC00];
	(xrf2) =	vadd.scan.msk.f32 $0xffff, v8;
	vm0 =	veq.s32 v9, v0;
	v8 =	vmov v3;
	s5 =	smov.u32 s2;
	s2 =	smov.u32 s16;
	p0 =	sne.s32 s16, $0xF  }
.Ltmp15:
0x310: {  	s18 =	sand.u32 $0x1E0, s12;
	v3 =	vld [tilespmem:s17+$0x0];
	v2 =	vsel vm0, v7, v2;
	(pc) =	sbr.rel @p0 .LBB2_32-.Ltmp15, $4  }
0x311: {  	s16 =	sadd.s32 $0x1, s16;
	v9 =	vmul.f32 v8, v4;
	v7 =	vmul.f32 v6, v5;
	v5 =	vld [tilespmem:s18+$0x18080]  }
0x312: {  	v6 =	vld [tilespmem:s18+$0x18480]  }
0x313: {  	v8 =	vadd.f32 v9, v7;
	v4, _, _ =	vpop (xrf2)  }
0x314: {  	s17 =	sadd.s32 $0x20, s17;
	v9 =	vmov s4;
	s4 =	smov.u32 s3;
	s3 =	smov.u32 s5;
	v7 =	vbroadcast v4, $0xF;
	v4 =	vmov v10  }
0x315: {  	_ =	sdelay $0x1  }
0x316: {  	v3 =	vmul.f32 v3, v4;
	v5 =	vmul.f32 v6, v5;
	_ =	sdelay $0x1  }
0x317: {  	v3 =	vadd.f32 v3, v5  }
0x318: {  	(xrf2) =	vadd.scan.msk.f32 $0xffff, v8  }
0x319: {  	(xrf2) =	vadd.scan.msk.f32 $0xffff, v3;
	_ =	sdelay $0x6  }
0x31a: {  	v3, _, _ =	vpop (xrf2)  }
0x31b: {  	vm0 =	veq.s32 v9, v0;
	v61 =	vmov s4;
	v3 =	vbroadcast v3, $0xF  }
0x31c: {  	v2 =	vsel vm0, v7, v2;
	vm13 =	veq.s32 v61, v0;
	v62, _, _ =	vpop (xrf2)  }
0x31d: {  	v2 =	vsel vm13, v3, v2;
	v3 =	vmov s3;
	v4 =	vbroadcast v62, $0xF;
	v63, _, _ =	vpop (xrf2)  }
0x31e: {  	vm14 =	veq.s32 v3, v0;
	v3 =	vmov s2;
	v5 =	vbroadcast v63, $0xF  }
0x31f: {  	v2 =	vsel vm14, v4, v2;
	vm15 =	veq.s32 v3, v0  }
0x320: {  	v2 =	vsel vm15, v5, v2  }
0x321: {  	v2 =	vsub.f32 $0.0e+00, v2;
	_ =	sdelay $0x1  }
0x322: {  	v2 =	vmul.f32 $1.442695020e+00, v2;
	_ =	sdelay $0x1  }
0x323: {  	(erf) = vpow2.f32 v2;
	_ =	sdelay $0x8  }
0x324: {  	v2 =	vpop (erf)  }
0x325: {  	v2 =	vadd.f32 $1.000000000e+00, v2;
	_ =	sdelay $0x1  }
0x326: {  	(erf) = vrcp.f32 v2;
	_ =	sdelay $0x8  }
0x327: {  	s5 =	simm.s32 $0x0;
	v2 =	vpop (erf)  }
0x328: {  	s21 =	rddreg [dreg:$0x10];
	s23 =	simm.s32 $0x18800;
	s4 =	simm.s32 $0x5;
	[tilespmem:$0x18810] =	vst v2  }
0x329: {  	[hbm4b:s21+s5] =	stream.linear.scatter [tilespmem:s23], [sflag:$0x5], $0x20, $0x38;
	[tilespmem:$0x18880] =	vst v63  }
0x32a: {  	_ =	swait.ge [sflag:s4], $0x20  }
0x32b: {  	s24 =	rddreg [dreg:$0x12]  }
0x32c: {  	s26 =	rddreg [dreg:$0x11];
	s3 =	sadd.s32 $0x1, s24  }
0x32d: {  	p0 =	sne.s32 s3, s26  }
.Ltmp16:
0x32e: {  	_ = 	snop;
	(pc) =	sbr.rel @p0 .LBB2_1-.Ltmp16, $4  }
0x32f: {  	_ = 	snop  }
0x330: {  	s17 =	simm.s32 $0x1  }
0x331: {  	s21 =	simm.s32 $0x16A80;
	s23 =	simm.s32 $0x16AD0;
	[sflag:s4] =	ssyncset.done $0x0  }
0x332: {  	[sflag:s4] =	ssyncadd.s32 $0xFFFFFFE0;
	s24 =	simm.s32 $0x16B20;
	s26 =	simm.s32 $0x16B70  }
0x333: {  	_ =	sfence.sel $0x180000  }
0x334: {  	[bflag:$0x0] =	sbarrier.arrive $0xFFFF  }
0x335: {  	_ =	strace $0x90000047  }
0x336: {  	s0 =	stileid.u32;
	[bflag:$0x2] =	sbarrier.arrive $0xFFFF  }
0x337: {  	p0 =	sne.s32 s0, $0x0;
	s0 =	rddreg [dreg:$0x2]  }
0x338: {  	s0 =	sadd.s32 @!p0 $0x100000, s0  }
0x339: {  	[sflag:s0] =	ssyncadd.tile.s32 @!p0 $0x1;
	_ =	shalt  }
.Lfunc_end2:
_tile_overlayer_lowered:
.L_overlay_start_2:
0x33a: {  	(tag) =	ssettag $0x2  }
0x33b: {  	s0 =	rddreg [dreg:$0x0];
	s2 =	stileid.u32  }
0x33c: {  	s1 =	rddreg [dreg:$0x1];
	p0 =	sne.s32 s2, $0x0  }
0x33d: {  	s3 =	rddreg [dreg:$0x2];
	[bflag:$0x3] =	sbarrier.arrive $0xFFFF;
	s2 =	simm.s32 @!p0 $0x1C05  }
0x33e: {  	[timem:s3], [sflag:s2] =	dma.local @!p0 [hbm:s0], s1  }
0x33f: {  	s0 =	simm.s32 @!p0 $0x5  }
0x340: {  	_ =	swait.ge @!p0 [sflag:s0], s1  }
0x341: {  	s1 =	ssub.s32 @!p0 $0x0, s1;
	[sflag:s0] =	ssyncset.done @!p0 $0x0  }
0x342: {  	[sflag:s0] =	ssyncadd.s32 @!p0 s1  }
0x343: {  	[bflag:$0x3] =	sbarrier.arrive $0xFFFF  }
0x344: {  	_ =	shalt  }

</sc_bundles>
